<compile_context>
chip_gen: v7x
topology: tpu7x:2x2x1
jax: 0.10.2.dev20260603
libtpu: 0.0.44.dev20260713+nightly
codegen_flags: <defaults>
</compile_context>

<pallas_src>
import functools

import jax
import jax.numpy as jnp
from jax import lax
from jax.experimental import pallas as pl
from jax.experimental.pallas import tpu as pltpu
from jax.experimental.pallas import tpu_sc as plsc

_LANES = 16
_NC, _NS = 2, 16
_NW = _NC * _NS
_CHUNK = 16
_DEPTH = 3


def _sc_body(x_hbm, pos_hbm, table_hbm, out_hbm, idx_v, *rest):
    in_bufs = rest[:_DEPTH]
    pe_bufs = rest[_DEPTH:2 * _DEPTH]
    gsem, lsem, ssem = rest[2 * _DEPTH:]
    wid = lax.axis_index("s") * _NC + lax.axis_index("c")
    n_chunks = pos_hbm.shape[1]
    d = x_hbm.shape[1]

    def rows(c):
        return pl.ds((wid * n_chunks + c) * _CHUNK, _CHUNK)

    pltpu.sync_copy(pos_hbm.at[wid], idx_v)

    gathers = [None] * n_chunks
    loads = [None] * n_chunks
    stores = [None] * n_chunks

    def prefetch(p):
        gathers[p] = pltpu.async_copy(
            table_hbm.at[idx_v.at[p]], pe_bufs[p % _DEPTH], gsem)
        loads[p] = pltpu.async_copy(
            x_hbm.at[rows(p)], in_bufs[p % _DEPTH], lsem)

    for p in range(_DEPTH - 1):
        prefetch(p)

    for c in range(n_chunks):
        p = c + _DEPTH - 1
        if p < n_chunks:
            if p - _DEPTH >= 0:
                stores[p - _DEPTH].wait()
            prefetch(p)
        gathers[c].wait()
        loads[c].wait()

        in_b = in_bufs[c % _DEPTH]
        pe_b = pe_bufs[c % _DEPTH]

        @plsc.parallel_loop(0, _CHUNK, unroll=2)
        def _row(r):
            @plsc.parallel_loop(0, d, _LANES, unroll=8)
            def _col(jj):
                sl = pl.ds(jj, _LANES)
                plsc.addupdate(in_b.at[r, sl], pe_b[r, sl])

        stores[c] = pltpu.async_copy(in_b, out_hbm.at[rows(c)], ssem)

    for c in range(max(0, n_chunks - _DEPTH), n_chunks):
        stores[c].wait()


@functools.partial(jax.jit, static_argnames=())
def kernel(inputs, inputs_positions, pos_embedding):
    b, s, d = inputs.shape
    n = b * s
    if inputs_positions is None:
        inputs_positions = jnp.broadcast_to(
            jnp.arange(s, dtype=jnp.int32)[None, :], (b, s))
    n_chunks = n // (_NW * _CHUNK)
    x = inputs.reshape(n, d)
    pos = inputs_positions.astype(jnp.int32).reshape(_NW, n_chunks, _CHUNK)
    table = pos_embedding.reshape(pos_embedding.shape[1], d)
    mesh = plsc.VectorSubcoreMesh(
        core_axis_name="c", subcore_axis_name="s",
        num_cores=_NC, num_subcores=_NS)
    scratch = [pltpu.VMEM((n_chunks, _CHUNK), jnp.int32)]
    scratch += [pltpu.VMEM((_CHUNK, d), jnp.float32)] * (2 * _DEPTH)
    scratch += [pltpu.SemaphoreType.DMA] * 3
    out = pl.kernel(
        _sc_body,
        out_type=jax.ShapeDtypeStruct((n, d), jnp.float32),
        mesh=mesh,
        scratch_types=scratch,
    )(x, pos, table)
    return out.reshape(b, s, d)

# --- scband reference (transcript-rebuilt; emitter-appended) ---
"""Pipeline reference for scband-add-learned-positional-encodings-4664334484035 (READ-ONLY COPY).

The authoritative reference and input builder live on the scoring server;
editing this copy changes nothing except your own understanding.
"""

import jax, jax.numpy as jnp
import numpy as np

MAX_LEN = 2048
D_MODEL = 1024
BATCH = 4
SEQ = 2048


def setup_inputs(seed: int = 0) -> dict:
    key = jax.random.key(seed)
    k1, k2, k3 = jax.random.split(key, 3)
    inputs = jax.random.normal(k1, (BATCH, SEQ, D_MODEL), dtype=jnp.float32)
    inputs_positions = jax.random.randint(k2, (BATCH, SEQ), 0, MAX_LEN, dtype=jnp.int32).astype(jnp.int64)
    # learned positional embedding parameter, init normal(stddev=1.0)
    pos_embedding = jax.random.normal(k3, (1, MAX_LEN, D_MODEL), dtype=jnp.float32) * 1.0
    return {"inputs": inputs, "inputs_positions": inputs_positions, "pos_embedding": pos_embedding}


def reference(inputs, inputs_positions, pos_embedding):
    if inputs.ndim != 3:
        raise ValueError('Wrong number of dimensions: found %d expected 3' % inputs.ndim)
    length = inputs.shape[1]
    pe = pos_embedding[:, :length, :]
    if inputs_positions is None:
        return inputs + pe
    else:
        # gather positional encodings per packed-sequence positions
        return inputs + jnp.take(pe[0], inputs_positions, axis=0)

if __name__ == "__main__":
    import jax
    _d = setup_inputs()
    print(jax.jit(kernel)(*tuple(_d.values())))

</pallas_src>

<mosaic_0001>
#map = affine_map<(d0, d1) -> (0, 0)>
#map1 = affine_map<(d0, d1) -> (0, 0, 0)>
module attributes {stable_mosaic.version = 14 : i64} {
  func.func @_sc_body(%arg0: i32, %arg1: i32, %arg2: memref<8192x1024xf32, #tpu.memory_space<hbm>>, %arg3: memref<32x16x16xi32, #tpu.memory_space<hbm>>, %arg4: memref<2048x1024xf32, #tpu.memory_space<hbm>>, %arg5: memref<8192x1024xf32, #tpu.memory_space<hbm>>, %arg6: memref<16x16xi32, #tpu.memory_space<vmem>>, %arg7: memref<16x1024xf32, #tpu.memory_space<vmem>>, %arg8: memref<16x1024xf32, #tpu.memory_space<vmem>>, %arg9: memref<16x1024xf32, #tpu.memory_space<vmem>>, %arg10: memref<16x1024xf32, #tpu.memory_space<vmem>>, %arg11: memref<16x1024xf32, #tpu.memory_space<vmem>>, %arg12: memref<16x1024xf32, #tpu.memory_space<vmem>>, %arg13: memref<!tpu.dma_semaphore, #tpu.memory_space<semaphore_mem>>, %arg14: memref<!tpu.dma_semaphore, #tpu.memory_space<semaphore_mem>>, %arg15: memref<!tpu.dma_semaphore, #tpu.memory_space<semaphore_mem>>) attributes {dimension_semantics = [#tpu.dimension_semantics<core_parallel>, #tpu.dimension_semantics<subcore_parallel>], iteration_bounds = array<i64: 2, 16>, scalar_prefetch = 0 : i64, scratch_operands = 10 : i64, tpu.core_type = #tpu.core_type<sc_vector_subcore>, window_params = [{transform_indices = #map}, {transform_indices = #map1}, {transform_indices = #map}, {transform_indices = #map}]} {
    %mul3A = arith.constant 2 : i32
    %mul3A_0 = arith.muli %arg1, %mul3A : i32
    %add3A = arith.addi %mul3A_0, %arg0 : i32
    "tpu.region"() ({
      %run_scoped3A = tpu.sem_alloc : memref<!tpu.dma_semaphore, #tpu.memory_space<semaphore_mem>>
      %dma_start3A_718 = arith.constant 0 : i32
      %dma_start3A_719 = arith.constant 0 : i32
      %dma_start3A_720 = tpu.memref_slice %arg3[%add3A, %dma_start3A_718, %dma_start3A_719] : memref<32x16x16xi32, #tpu.memory_space<hbm>> -> memref<1x16x16xi32, #tpu.memory_space<hbm>>
      %dma_start3A_721 = tpu.memref_squeeze %dma_start3A_720 : memref<1x16x16xi32, #tpu.memory_space<hbm>> -> memref<16x16xi32, #tpu.memory_space<hbm>>
      %dma_start3A_722 = arith.constant 0 : i32
      %dma_start3A_723 = arith.constant 0 : i32
      %dma_start3A_724 = tpu.memref_slice %arg3[%add3A, %dma_start3A_722, %dma_start3A_723] : memref<32x16x16xi32, #tpu.memory_space<hbm>> -> memref<1x16x16xi32, #tpu.memory_space<hbm>>
      %dma_start3A_725 = tpu.memref_squeeze %dma_start3A_724 : memref<1x16x16xi32, #tpu.memory_space<hbm>> -> memref<16x16xi32, #tpu.memory_space<hbm>>
      tpu.enqueue_dma source(%dma_start3A_725 : memref<16x16xi32, #tpu.memory_space<hbm>>) target(%arg6 : memref<16x16xi32, #tpu.memory_space<vmem>>) target_semaphore(%run_scoped3A : memref<!tpu.dma_semaphore, #tpu.memory_space<semaphore_mem>>)
      %dma_wait3A_726 = arith.constant 0 : i32
      %dma_wait3A_727 = arith.constant 0 : i32
      %dma_wait3A_728 = tpu.memref_slice %arg3[%add3A, %dma_wait3A_726, %dma_wait3A_727] : memref<32x16x16xi32, #tpu.memory_space<hbm>> -> memref<1x16x16xi32, #tpu.memory_space<hbm>>
      %dma_wait3A_729 = tpu.memref_squeeze %dma_wait3A_728 : memref<1x16x16xi32, #tpu.memory_space<hbm>> -> memref<16x16xi32, #tpu.memory_space<hbm>>
      %dma_wait3A_730 = arith.constant 0 : i32
      %dma_wait3A_731 = arith.constant 0 : i32
      %dma_wait3A_732 = tpu.memref_slice %arg3[%add3A, %dma_wait3A_730, %dma_wait3A_731] : memref<32x16x16xi32, #tpu.memory_space<hbm>> -> memref<1x16x16xi32, #tpu.memory_space<hbm>>
      %dma_wait3A_733 = tpu.memref_squeeze %dma_wait3A_732 : memref<1x16x16xi32, #tpu.memory_space<hbm>> -> memref<16x16xi32, #tpu.memory_space<hbm>>
      tpu.wait_dma2 semaphore(%run_scoped3A : memref<!tpu.dma_semaphore, #tpu.memory_space<semaphore_mem>>) src(%dma_wait3A_733 : memref<16x16xi32, #tpu.memory_space<hbm>>) dst(%arg6 : memref<16x16xi32, #tpu.memory_space<vmem>>)
      tpu.yield
    }) : () -> ()
    %dma_start3A = arith.constant 0 : i32
    %dma_start3A_1 = arith.constant 0 : i32
    %dma_start3A_2 = tpu.memref_slice %arg6[%dma_start3A, %dma_start3A_1] : memref<16x16xi32, #tpu.memory_space<vmem>> -> memref<1x16xi32, #tpu.memory_space<vmem>>
    %dma_start3A_3 = tpu.memref_squeeze %dma_start3A_2 : memref<1x16xi32, #tpu.memory_space<vmem>> -> memref<16xi32, #tpu.memory_space<vmem>>
    %dma_start3A_4 = arith.constant 0 : i32
    %dma_start3A_5 = arith.constant 0 : i32
    %dma_start3A_6 = tpu.memref_slice %arg4[%dma_start3A_4, %dma_start3A_5] : memref<2048x1024xf32, #tpu.memory_space<hbm>> -> memref<2048x1024xf32, #tpu.memory_space<hbm>>
    tpu.enqueue_indirect_dma source(%dma_start3A_6 : memref<2048x1024xf32, #tpu.memory_space<hbm>>) target(%arg10 : memref<16x1024xf32, #tpu.memory_space<vmem>>) offsets(%dma_start3A_3 : memref<16xi32, #tpu.memory_space<vmem>>) semaphore(%arg13 : memref<!tpu.dma_semaphore, #tpu.memory_space<semaphore_mem>>)
    %mul3A_7 = arith.constant 16 : i32
    %mul3A_8 = arith.muli %add3A, %mul3A_7 : i32
    %add3A_9 = arith.constant 0 : i32
    %add3A_10 = arith.addi %mul3A_8, %add3A_9 : i32
    %mul3A_11 = arith.constant 16 : i32
    %mul3A_12 = arith.muli %add3A_10, %mul3A_11 : i32
    %dma_start3A_13 = arith.constant 0 : i32
    %dma_start3A_14 = tpu.memref_slice %arg2[%mul3A_12, %dma_start3A_13] : memref<8192x1024xf32, #tpu.memory_space<hbm>> -> memref<16x1024xf32, #tpu.memory_space<hbm>>
    %dma_start3A_15 = arith.constant 0 : i32
    %dma_start3A_16 = tpu.memref_slice %arg2[%mul3A_12, %dma_start3A_15] : memref<8192x1024xf32, #tpu.memory_space<hbm>> -> memref<16x1024xf32, #tpu.memory_space<hbm>>
    tpu.enqueue_dma source(%dma_start3A_16 : memref<16x1024xf32, #tpu.memory_space<hbm>>) target(%arg7 : memref<16x1024xf32, #tpu.memory_space<vmem>>) target_semaphore(%arg14 : memref<!tpu.dma_semaphore, #tpu.memory_space<semaphore_mem>>)
    %dma_start3A_17 = arith.constant 1 : i32
    %dma_start3A_18 = arith.constant 0 : i32
    %dma_start3A_19 = tpu.memref_slice %arg6[%dma_start3A_17, %dma_start3A_18] : memref<16x16xi32, #tpu.memory_space<vmem>> -> memref<1x16xi32, #tpu.memory_space<vmem>>
    %dma_start3A_20 = tpu.memref_squeeze %dma_start3A_19 : memref<1x16xi32, #tpu.memory_space<vmem>> -> memref<16xi32, #tpu.memory_space<vmem>>
    %dma_start3A_21 = arith.constant 0 : i32
    %dma_start3A_22 = arith.constant 0 : i32
    %dma_start3A_23 = tpu.memref_slice %arg4[%dma_start3A_21, %dma_start3A_22] : memref<2048x1024xf32, #tpu.memory_space<hbm>> -> memref<2048x1024xf32, #tpu.memory_space<hbm>>
    tpu.enqueue_indirect_dma source(%dma_start3A_23 : memref<2048x1024xf32, #tpu.memory_space<hbm>>) target(%arg11 : memref<16x1024xf32, #tpu.memory_space<vmem>>) offsets(%dma_start3A_20 : memref<16xi32, #tpu.memory_space<vmem>>) semaphore(%arg13 : memref<!tpu.dma_semaphore, #tpu.memory_space<semaphore_mem>>)
    %mul3A_24 = arith.constant 16 : i32
    %mul3A_25 = arith.muli %add3A, %mul3A_24 : i32
    %add3A_26 = arith.constant 1 : i32
    %add3A_27 = arith.addi %mul3A_25, %add3A_26 : i32
    %mul3A_28 = arith.constant 16 : i32
    %mul3A_29 = arith.muli %add3A_27, %mul3A_28 : i32
    %dma_start3A_30 = arith.constant 0 : i32
    %dma_start3A_31 = tpu.memref_slice %arg2[%mul3A_29, %dma_start3A_30] : memref<8192x1024xf32, #tpu.memory_space<hbm>> -> memref<16x1024xf32, #tpu.memory_space<hbm>>
    %dma_start3A_32 = arith.constant 0 : i32
    %dma_start3A_33 = tpu.memref_slice %arg2[%mul3A_29, %dma_start3A_32] : memref<8192x1024xf32, #tpu.memory_space<hbm>> -> memref<16x1024xf32, #tpu.memory_space<hbm>>
    tpu.enqueue_dma source(%dma_start3A_33 : memref<16x1024xf32, #tpu.memory_space<hbm>>) target(%arg8 : memref<16x1024xf32, #tpu.memory_space<vmem>>) target_semaphore(%arg14 : memref<!tpu.dma_semaphore, #tpu.memory_space<semaphore_mem>>)
    %dma_start3A_34 = arith.constant 2 : i32
    %dma_start3A_35 = arith.constant 0 : i32
    %dma_start3A_36 = tpu.memref_slice %arg6[%dma_start3A_34, %dma_start3A_35] : memref<16x16xi32, #tpu.memory_space<vmem>> -> memref<1x16xi32, #tpu.memory_space<vmem>>
    %dma_start3A_37 = tpu.memref_squeeze %dma_start3A_36 : memref<1x16xi32, #tpu.memory_space<vmem>> -> memref<16xi32, #tpu.memory_space<vmem>>
    %dma_start3A_38 = arith.constant 0 : i32
    %dma_start3A_39 = arith.constant 0 : i32
    %dma_start3A_40 = tpu.memref_slice %arg4[%dma_start3A_38, %dma_start3A_39] : memref<2048x1024xf32, #tpu.memory_space<hbm>> -> memref<2048x1024xf32, #tpu.memory_space<hbm>>
    tpu.enqueue_indirect_dma source(%dma_start3A_40 : memref<2048x1024xf32, #tpu.memory_space<hbm>>) target(%arg12 : memref<16x1024xf32, #tpu.memory_space<vmem>>) offsets(%dma_start3A_37 : memref<16xi32, #tpu.memory_space<vmem>>) semaphore(%arg13 : memref<!tpu.dma_semaphore, #tpu.memory_space<semaphore_mem>>)
    %mul3A_41 = arith.constant 16 : i32
    %mul3A_42 = arith.muli %add3A, %mul3A_41 : i32
    %add3A_43 = arith.constant 2 : i32
    %add3A_44 = arith.addi %mul3A_42, %add3A_43 : i32
    %mul3A_45 = arith.constant 16 : i32
    %mul3A_46 = arith.muli %add3A_44, %mul3A_45 : i32
    %dma_start3A_47 = arith.constant 0 : i32
    %dma_start3A_48 = tpu.memref_slice %arg2[%mul3A_46, %dma_start3A_47] : memref<8192x1024xf32, #tpu.memory_space<hbm>> -> memref<16x1024xf32, #tpu.memory_space<hbm>>
    %dma_start3A_49 = arith.constant 0 : i32
    %dma_start3A_50 = tpu.memref_slice %arg2[%mul3A_46, %dma_start3A_49] : memref<8192x1024xf32, #tpu.memory_space<hbm>> -> memref<16x1024xf32, #tpu.memory_space<hbm>>
    tpu.enqueue_dma source(%dma_start3A_50 : memref<16x1024xf32, #tpu.memory_space<hbm>>) target(%arg9 : memref<16x1024xf32, #tpu.memory_space<vmem>>) target_semaphore(%arg14 : memref<!tpu.dma_semaphore, #tpu.memory_space<semaphore_mem>>)
    %dma_wait3A = arith.constant 0 : i32
    %dma_wait3A_51 = arith.constant 0 : i32
    %dma_wait3A_52 = tpu.memref_slice %arg6[%dma_wait3A, %dma_wait3A_51] : memref<16x16xi32, #tpu.memory_space<vmem>> -> memref<1x16xi32, #tpu.memory_space<vmem>>
    %dma_wait3A_53 = tpu.memref_squeeze %dma_wait3A_52 : memref<1x16xi32, #tpu.memory_space<vmem>> -> memref<16xi32, #tpu.memory_space<vmem>>
    %dma_wait3A_54 = arith.constant 0 : i32
    %dma_wait3A_55 = arith.constant 0 : i32
    %dma_wait3A_56 = tpu.memref_slice %arg4[%dma_wait3A_54, %dma_wait3A_55] : memref<2048x1024xf32, #tpu.memory_space<hbm>> -> memref<2048x1024xf32, #tpu.memory_space<hbm>>
    tpu.wait_indirect_dma semaphore(%arg13 : memref<!tpu.dma_semaphore, #tpu.memory_space<semaphore_mem>>) src(%dma_wait3A_56 : memref<2048x1024xf32, #tpu.memory_space<hbm>>) dst(%arg10 : memref<16x1024xf32, #tpu.memory_space<vmem>>)
    %dma_wait3A_57 = arith.constant 0 : i32
    %dma_wait3A_58 = tpu.memref_slice %arg2[%mul3A_12, %dma_wait3A_57] : memref<8192x1024xf32, #tpu.memory_space<hbm>> -> memref<16x1024xf32, #tpu.memory_space<hbm>>
    %dma_wait3A_59 = arith.constant 0 : i32
    %dma_wait3A_60 = tpu.memref_slice %arg2[%mul3A_12, %dma_wait3A_59] : memref<8192x1024xf32, #tpu.memory_space<hbm>> -> memref<16x1024xf32, #tpu.memory_space<hbm>>
    tpu.wait_dma2 semaphore(%arg14 : memref<!tpu.dma_semaphore, #tpu.memory_space<semaphore_mem>>) src(%dma_wait3A_60 : memref<16x1024xf32, #tpu.memory_space<hbm>>) dst(%arg7 : memref<16x1024xf32, #tpu.memory_space<vmem>>)
    %parallel_loop3A = arith.constant 0 : i32
    %parallel_loop3A_61 = arith.constant 16 : i32
    %parallel_loop3A_62 = arith.constant 1 : i32
    scf.for %parallel_loop3A_718 = %parallel_loop3A to %parallel_loop3A_61 step %parallel_loop3A_62  : i32 {
      %parallel_loop3A_719 = arith.constant 0 : i32
      %parallel_loop3A_720 = arith.constant 1024 : i32
      %parallel_loop3A_721 = arith.constant 16 : i32
      scf.for %parallel_loop3A_722 = %parallel_loop3A_719 to %parallel_loop3A_720 step %parallel_loop3A_721  : i32 {
        %parallel_loop3A_723 = arith.index_cast %parallel_loop3A_718 : i32 to index
        %parallel_loop3A_724 = arith.index_cast %parallel_loop3A_722 : i32 to index
        %parallel_loop3A_725 = tpu.vector_load %arg10[%parallel_loop3A_723, %parallel_loop3A_724] {strides = array<i32>} : memref<16x1024xf32, #tpu.memory_space<vmem>>, vector<1x16xf32>,
        %parallel_loop3A_726 = vector.shape_cast %parallel_loop3A_725 : vector<1x16xf32> to vector<16xf32>
        %parallel_loop3A_727 = arith.index_cast %parallel_loop3A_718 : i32 to index
        %parallel_loop3A_728 = arith.index_cast %parallel_loop3A_722 : i32 to index
        %parallel_loop3A_729 = tpu.vector_load %arg7[%parallel_loop3A_727, %parallel_loop3A_728] {strides = array<i32>} : memref<16x1024xf32, #tpu.memory_space<vmem>>, vector<1x16xf32>,
        %parallel_loop3A_730 = vector.shape_cast %parallel_loop3A_729 : vector<1x16xf32> to vector<16xf32>
        %parallel_loop3A_731 = vector.shape_cast %parallel_loop3A_726 : vector<16xf32> to vector<1x16xf32>
        tpu.vector_store %arg7[%parallel_loop3A_727, %parallel_loop3A_728], %parallel_loop3A_731 {add = true, strides = array<i32>} : memref<16x1024xf32, #tpu.memory_space<vmem>>, vector<1x16xf32>,
      } {sc.loop_unroll_factor = 8 : i64, sc.parallel_access}
    } {sc.loop_unroll_factor = 2 : i64, sc.parallel_access}
    %mul3A_63 = arith.constant 16 : i32
    %mul3A_64 = arith.muli %add3A, %mul3A_63 : i32
    %add3A_65 = arith.constant 0 : i32
    %add3A_66 = arith.addi %mul3A_64, %add3A_65 : i32
    %mul3A_67 = arith.constant 16 : i32
    %mul3A_68 = arith.muli %add3A_66, %mul3A_67 : i32
    %dma_start3A_69 = arith.constant 0 : i32
    %dma_start3A_70 = tpu.memref_slice %arg5[%mul3A_68, %dma_start3A_69] : memref<8192x1024xf32, #tpu.memory_space<hbm>> -> memref<16x1024xf32, #tpu.memory_space<hbm>>
    %dma_start3A_71 = arith.constant 0 : i32
    %dma_start3A_72 = tpu.memref_slice %arg5[%mul3A_68, %dma_start3A_71] : memref<8192x1024xf32, #tpu.memory_space<hbm>> -> memref<16x1024xf32, #tpu.memory_space<hbm>>
    tpu.enqueue_dma source(%arg7 : memref<16x1024xf32, #tpu.memory_space<vmem>>) target(%dma_start3A_72 : memref<16x1024xf32, #tpu.memory_space<hbm>>) target_semaphore(%arg15 : memref<!tpu.dma_semaphore, #tpu.memory_space<semaphore_mem>>)
    %dma_wait3A_73 = arith.constant 0 : i32
    %dma_wait3A_74 = tpu.memref_slice %arg5[%mul3A_68, %dma_wait3A_73] : memref<8192x1024xf32, #tpu.memory_space<hbm>> -> memref<16x1024xf32, #tpu.memory_space<hbm>>
    %dma_wait3A_75 = arith.constant 0 : i32
    %dma_wait3A_76 = tpu.memref_slice %arg5[%mul3A_68, %dma_wait3A_75] : memref<8192x1024xf32, #tpu.memory_space<hbm>> -> memref<16x1024xf32, #tpu.memory_space<hbm>>
    tpu.wait_dma2 semaphore(%arg15 : memref<!tpu.dma_semaphore, #tpu.memory_space<semaphore_mem>>) src(%arg7 : memref<16x1024xf32, #tpu.memory_space<vmem>>) dst(%dma_wait3A_76 : memref<16x1024xf32, #tpu.memory_space<hbm>>)
    %dma_start3A_77 = arith.constant 3 : i32
    %dma_start3A_78 = arith.constant 0 : i32
    %dma_start3A_79 = tpu.memref_slice %arg6[%dma_start3A_77, %dma_start3A_78] : memref<16x16xi32, #tpu.memory_space<vmem>> -> memref<1x16xi32, #tpu.memory_space<vmem>>
    %dma_start3A_80 = tpu.memref_squeeze %dma_start3A_79 : memref<1x16xi32, #tpu.memory_space<vmem>> -> memref<16xi32, #tpu.memory_space<vmem>>
    %dma_start3A_81 = arith.constant 0 : i32
    %dma_start3A_82 = arith.constant 0 : i32
    %dma_start3A_83 = tpu.memref_slice %arg4[%dma_start3A_81, %dma_start3A_82] : memref<2048x1024xf32, #tpu.memory_space<hbm>> -> memref<2048x1024xf32, #tpu.memory_space<hbm>>
    tpu.enqueue_indirect_dma source(%dma_start3A_83 : memref<2048x1024xf32, #tpu.memory_space<hbm>>) target(%arg10 : memref<16x1024xf32, #tpu.memory_space<vmem>>) offsets(%dma_start3A_80 : memref<16xi32, #tpu.memory_space<vmem>>) semaphore(%arg13 : memref<!tpu.dma_semaphore, #tpu.memory_space<semaphore_mem>>)
    %mul3A_84 = arith.constant 16 : i32
    %mul3A_85 = arith.muli %add3A, %mul3A_84 : i32
    %add3A_86 = arith.constant 3 : i32
    %add3A_87 = arith.addi %mul3A_85, %add3A_86 : i32
    %mul3A_88 = arith.constant 16 : i32
    %mul3A_89 = arith.muli %add3A_87, %mul3A_88 : i32
    %dma_start3A_90 = arith.constant 0 : i32
    %dma_start3A_91 = tpu.memref_slice %arg2[%mul3A_89, %dma_start3A_90] : memref<8192x1024xf32, #tpu.memory_space<hbm>> -> memref<16x1024xf32, #tpu.memory_space<hbm>>
    %dma_start3A_92 = arith.constant 0 : i32
    %dma_start3A_93 = tpu.memref_slice %arg2[%mul3A_89, %dma_start3A_92] : memref<8192x1024xf32, #tpu.memory_space<hbm>> -> memref<16x1024xf32, #tpu.memory_space<hbm>>
    tpu.enqueue_dma source(%dma_start3A_93 : memref<16x1024xf32, #tpu.memory_space<hbm>>) target(%arg7 : memref<16x1024xf32, #tpu.memory_space<vmem>>) target_semaphore(%arg14 : memref<!tpu.dma_semaphore, #tpu.memory_space<semaphore_mem>>)
    %dma_wait3A_94 = arith.constant 1 : i32
    %dma_wait3A_95 = arith.constant 0 : i32
    %dma_wait3A_96 = tpu.memref_slice %arg6[%dma_wait3A_94, %dma_wait3A_95] : memref<16x16xi32, #tpu.memory_space<vmem>> -> memref<1x16xi32, #tpu.memory_space<vmem>>
    %dma_wait3A_97 = tpu.memref_squeeze %dma_wait3A_96 : memref<1x16xi32, #tpu.memory_space<vmem>> -> memref<16xi32, #tpu.memory_space<vmem>>
    %dma_wait3A_98 = arith.constant 0 : i32
    %dma_wait3A_99 = arith.constant 0 : i32
    %dma_wait3A_100 = tpu.memref_slice %arg4[%dma_wait3A_98, %dma_wait3A_99] : memref<2048x1024xf32, #tpu.memory_space<hbm>> -> memref<2048x1024xf32, #tpu.memory_space<hbm>>
    tpu.wait_indirect_dma semaphore(%arg13 : memref<!tpu.dma_semaphore, #tpu.memory_space<semaphore_mem>>) src(%dma_wait3A_100 : memref<2048x1024xf32, #tpu.memory_space<hbm>>) dst(%arg11 : memref<16x1024xf32, #tpu.memory_space<vmem>>)
    %dma_wait3A_101 = arith.constant 0 : i32
    %dma_wait3A_102 = tpu.memref_slice %arg2[%mul3A_29, %dma_wait3A_101] : memref<8192x1024xf32, #tpu.memory_space<hbm>> -> memref<16x1024xf32, #tpu.memory_space<hbm>>
    %dma_wait3A_103 = arith.constant 0 : i32
    %dma_wait3A_104 = tpu.memref_slice %arg2[%mul3A_29, %dma_wait3A_103] : memref<8192x1024xf32, #tpu.memory_space<hbm>> -> memref<16x1024xf32, #tpu.memory_space<hbm>>
    tpu.wait_dma2 semaphore(%arg14 : memref<!tpu.dma_semaphore, #tpu.memory_space<semaphore_mem>>) src(%dma_wait3A_104 : memref<16x1024xf32, #tpu.memory_space<hbm>>) dst(%arg8 : memref<16x1024xf32, #tpu.memory_space<vmem>>)
    %parallel_loop3A_105 = arith.constant 0 : i32
    %parallel_loop3A_106 = arith.constant 16 : i32
    %parallel_loop3A_107 = arith.constant 1 : i32
    scf.for %parallel_loop3A_718 = %parallel_loop3A_105 to %parallel_loop3A_106 step %parallel_loop3A_107  : i32 {
      %parallel_loop3A_719 = arith.constant 0 : i32
      %parallel_loop3A_720 = arith.constant 1024 : i32
      %parallel_loop3A_721 = arith.constant 16 : i32
      scf.for %parallel_loop3A_722 = %parallel_loop3A_719 to %parallel_loop3A_720 step %parallel_loop3A_721  : i32 {
        %parallel_loop3A_723 = arith.index_cast %parallel_loop3A_718 : i32 to index
        %parallel_loop3A_724 = arith.index_cast %parallel_loop3A_722 : i32 to index
        %parallel_loop3A_725 = tpu.vector_load %arg11[%parallel_loop3A_723, %parallel_loop3A_724] {strides = array<i32>} : memref<16x1024xf32, #tpu.memory_space<vmem>>, vector<1x16xf32>,
        %parallel_loop3A_726 = vector.shape_cast %parallel_loop3A_725 : vector<1x16xf32> to vector<16xf32>
        %parallel_loop3A_727 = arith.index_cast %parallel_loop3A_718 : i32 to index
        %parallel_loop3A_728 = arith.index_cast %parallel_loop3A_722 : i32 to index
        %parallel_loop3A_729 = tpu.vector_load %arg8[%parallel_loop3A_727, %parallel_loop3A_728] {strides = array<i32>} : memref<16x1024xf32, #tpu.memory_space<vmem>>, vector<1x16xf32>,
        %parallel_loop3A_730 = vector.shape_cast %parallel_loop3A_729 : vector<1x16xf32> to vector<16xf32>
        %parallel_loop3A_731 = vector.shape_cast %parallel_loop3A_726 : vector<16xf32> to vector<1x16xf32>
        tpu.vector_store %arg8[%parallel_loop3A_727, %parallel_loop3A_728], %parallel_loop3A_731 {add = true, strides = array<i32>} : memref<16x1024xf32, #tpu.memory_space<vmem>>, vector<1x16xf32>,
      } {sc.loop_unroll_factor = 8 : i64, sc.parallel_access}
    } {sc.loop_unroll_factor = 2 : i64, sc.parallel_access}
    %mul3A_108 = arith.constant 16 : i32
    %mul3A_109 = arith.muli %add3A, %mul3A_108 : i32
    %add3A_110 = arith.constant 1 : i32
    %add3A_111 = arith.addi %mul3A_109, %add3A_110 : i32
    %mul3A_112 = arith.constant 16 : i32
    %mul3A_113 = arith.muli %add3A_111, %mul3A_112 : i32
    %dma_start3A_114 = arith.constant 0 : i32
    %dma_start3A_115 = tpu.memref_slice %arg5[%mul3A_113, %dma_start3A_114] : memref<8192x1024xf32, #tpu.memory_space<hbm>> -> memref<16x1024xf32, #tpu.memory_space<hbm>>
    %dma_start3A_116 = arith.constant 0 : i32
    %dma_start3A_117 = tpu.memref_slice %arg5[%mul3A_113, %dma_start3A_116] : memref<8192x1024xf32, #tpu.memory_space<hbm>> -> memref<16x1024xf32, #tpu.memory_space<hbm>>
    tpu.enqueue_dma source(%arg8 : memref<16x1024xf32, #tpu.memory_space<vmem>>) target(%dma_start3A_117 : memref<16x1024xf32, #tpu.memory_space<hbm>>) target_semaphore(%arg15 : memref<!tpu.dma_semaphore, #tpu.memory_space<semaphore_mem>>)
    %dma_wait3A_118 = arith.constant 0 : i32
    %dma_wait3A_119 = tpu.memref_slice %arg5[%mul3A_113, %dma_wait3A_118] : memref<8192x1024xf32, #tpu.memory_space<hbm>> -> memref<16x1024xf32, #tpu.memory_space<hbm>>
    %dma_wait3A_120 = arith.constant 0 : i32
    %dma_wait3A_121 = tpu.memref_slice %arg5[%mul3A_113, %dma_wait3A_120] : memref<8192x1024xf32, #tpu.memory_space<hbm>> -> memref<16x1024xf32, #tpu.memory_space<hbm>>
    tpu.wait_dma2 semaphore(%arg15 : memref<!tpu.dma_semaphore, #tpu.memory_space<semaphore_mem>>) src(%arg8 : memref<16x1024xf32, #tpu.memory_space<vmem>>) dst(%dma_wait3A_121 : memref<16x1024xf32, #tpu.memory_space<hbm>>)
    %dma_start3A_122 = arith.constant 4 : i32
    %dma_start3A_123 = arith.constant 0 : i32
    %dma_start3A_124 = tpu.memref_slice %arg6[%dma_start3A_122, %dma_start3A_123] : memref<16x16xi32, #tpu.memory_space<vmem>> -> memref<1x16xi32, #tpu.memory_space<vmem>>
    %dma_start3A_125 = tpu.memref_squeeze %dma_start3A_124 : memref<1x16xi32, #tpu.memory_space<vmem>> -> memref<16xi32, #tpu.memory_space<vmem>>
    %dma_start3A_126 = arith.constant 0 : i32
    %dma_start3A_127 = arith.constant 0 : i32
    %dma_start3A_128 = tpu.memref_slice %arg4[%dma_start3A_126, %dma_start3A_127] : memref<2048x1024xf32, #tpu.memory_space<hbm>> -> memref<2048x1024xf32, #tpu.memory_space<hbm>>
    tpu.enqueue_indirect_dma source(%dma_start3A_128 : memref<2048x1024xf32, #tpu.memory_space<hbm>>) target(%arg11 : memref<16x1024xf32, #tpu.memory_space<vmem>>) offsets(%dma_start3A_125 : memref<16xi32, #tpu.memory_space<vmem>>) semaphore(%arg13 : memref<!tpu.dma_semaphore, #tpu.memory_space<semaphore_mem>>)
    %mul3A_129 = arith.constant 16 : i32
    %mul3A_130 = arith.muli %add3A, %mul3A_129 : i32
    %add3A_131 = arith.constant 4 : i32
    %add3A_132 = arith.addi %mul3A_130, %add3A_131 : i32
    %mul3A_133 = arith.constant 16 : i32
    %mul3A_134 = arith.muli %add3A_132, %mul3A_133 : i32
    %dma_start3A_135 = arith.constant 0 : i32
    %dma_start3A_136 = tpu.memref_slice %arg2[%mul3A_134, %dma_start3A_135] : memref<8192x1024xf32, #tpu.memory_space<hbm>> -> memref<16x1024xf32, #tpu.memory_space<hbm>>
    %dma_start3A_137 = arith.constant 0 : i32
    %dma_start3A_138 = tpu.memref_slice %arg2[%mul3A_134, %dma_start3A_137] : memref<8192x1024xf32, #tpu.memory_space<hbm>> -> memref<16x1024xf32, #tpu.memory_space<hbm>>
    tpu.enqueue_dma source(%dma_start3A_138 : memref<16x1024xf32, #tpu.memory_space<hbm>>) target(%arg8 : memref<16x1024xf32, #tpu.memory_space<vmem>>) target_semaphore(%arg14 : memref<!tpu.dma_semaphore, #tpu.memory_space<semaphore_mem>>)
    %dma_wait3A_139 = arith.constant 2 : i32
    %dma_wait3A_140 = arith.constant 0 : i32
    %dma_wait3A_141 = tpu.memref_slice %arg6[%dma_wait3A_139, %dma_wait3A_140] : memref<16x16xi32, #tpu.memory_space<vmem>> -> memref<1x16xi32, #tpu.memory_space<vmem>>
    %dma_wait3A_142 = tpu.memref_squeeze %dma_wait3A_141 : memref<1x16xi32, #tpu.memory_space<vmem>> -> memref<16xi32, #tpu.memory_space<vmem>>
    %dma_wait3A_143 = arith.constant 0 : i32
    %dma_wait3A_144 = arith.constant 0 : i32
    %dma_wait3A_145 = tpu.memref_slice %arg4[%dma_wait3A_143, %dma_wait3A_144] : memref<2048x1024xf32, #tpu.memory_space<hbm>> -> memref<2048x1024xf32, #tpu.memory_space<hbm>>
    tpu.wait_indirect_dma semaphore(%arg13 : memref<!tpu.dma_semaphore, #tpu.memory_space<semaphore_mem>>) src(%dma_wait3A_145 : memref<2048x1024xf32, #tpu.memory_space<hbm>>) dst(%arg12 : memref<16x1024xf32, #tpu.memory_space<vmem>>)
    %dma_wait3A_146 = arith.constant 0 : i32
    %dma_wait3A_147 = tpu.memref_slice %arg2[%mul3A_46, %dma_wait3A_146] : memref<8192x1024xf32, #tpu.memory_space<hbm>> -> memref<16x1024xf32, #tpu.memory_space<hbm>>
    %dma_wait3A_148 = arith.constant 0 : i32
    %dma_wait3A_149 = tpu.memref_slice %arg2[%mul3A_46, %dma_wait3A_148] : memref<8192x1024xf32, #tpu.memory_space<hbm>> -> memref<16x1024xf32, #tpu.memory_space<hbm>>
    tpu.wait_dma2 semaphore(%arg14 : memref<!tpu.dma_semaphore, #tpu.memory_space<semaphore_mem>>) src(%dma_wait3A_149 : memref<16x1024xf32, #tpu.memory_space<hbm>>) dst(%arg9 : memref<16x1024xf32, #tpu.memory_space<vmem>>)
    %parallel_loop3A_150 = arith.constant 0 : i32
    %parallel_loop3A_151 = arith.constant 16 : i32
    %parallel_loop3A_152 = arith.constant 1 : i32
    scf.for %parallel_loop3A_718 = %parallel_loop3A_150 to %parallel_loop3A_151 step %parallel_loop3A_152  : i32 {
      %parallel_loop3A_719 = arith.constant 0 : i32
      %parallel_loop3A_720 = arith.constant 1024 : i32
      %parallel_loop3A_721 = arith.constant 16 : i32
      scf.for %parallel_loop3A_722 = %parallel_loop3A_719 to %parallel_loop3A_720 step %parallel_loop3A_721  : i32 {
        %parallel_loop3A_723 = arith.index_cast %parallel_loop3A_718 : i32 to index
        %parallel_loop3A_724 = arith.index_cast %parallel_loop3A_722 : i32 to index
        %parallel_loop3A_725 = tpu.vector_load %arg12[%parallel_loop3A_723, %parallel_loop3A_724] {strides = array<i32>} : memref<16x1024xf32, #tpu.memory_space<vmem>>, vector<1x16xf32>,
        %parallel_loop3A_726 = vector.shape_cast %parallel_loop3A_725 : vector<1x16xf32> to vector<16xf32>
        %parallel_loop3A_727 = arith.index_cast %parallel_loop3A_718 : i32 to index
        %parallel_loop3A_728 = arith.index_cast %parallel_loop3A_722 : i32 to index
        %parallel_loop3A_729 = tpu.vector_load %arg9[%parallel_loop3A_727, %parallel_loop3A_728] {strides = array<i32>} : memref<16x1024xf32, #tpu.memory_space<vmem>>, vector<1x16xf32>,
        %parallel_loop3A_730 = vector.shape_cast %parallel_loop3A_729 : vector<1x16xf32> to vector<16xf32>
        %parallel_loop3A_731 = vector.shape_cast %parallel_loop3A_726 : vector<16xf32> to vector<1x16xf32>
        tpu.vector_store %arg9[%parallel_loop3A_727, %parallel_loop3A_728], %parallel_loop3A_731 {add = true, strides = array<i32>} : memref<16x1024xf32, #tpu.memory_space<vmem>>, vector<1x16xf32>,
      } {sc.loop_unroll_factor = 8 : i64, sc.parallel_access}
    } {sc.loop_unroll_factor = 2 : i64, sc.parallel_access}
    %mul3A_153 = arith.constant 16 : i32
    %mul3A_154 = arith.muli %add3A, %mul3A_153 : i32
    %add3A_155 = arith.constant 2 : i32
    %add3A_156 = arith.addi %mul3A_154, %add3A_155 : i32
    %mul3A_157 = arith.constant 16 : i32
    %mul3A_158 = arith.muli %add3A_156, %mul3A_157 : i32
    %dma_start3A_159 = arith.constant 0 : i32
    %dma_start3A_160 = tpu.memref_slice %arg5[%mul3A_158, %dma_start3A_159] : memref<8192x1024xf32, #tpu.memory_space<hbm>> -> memref<16x1024xf32, #tpu.memory_space<hbm>>
    %dma_start3A_161 = arith.constant 0 : i32
    %dma_start3A_162 = tpu.memref_slice %arg5[%mul3A_158, %dma_start3A_161] : memref<8192x1024xf32, #tpu.memory_space<hbm>> -> memref<16x1024xf32, #tpu.memory_space<hbm>>
    tpu.enqueue_dma source(%arg9 : memref<16x1024xf32, #tpu.memory_space<vmem>>) target(%dma_start3A_162 : memref<16x1024xf32, #tpu.memory_space<hbm>>) target_semaphore(%arg15 : memref<!tpu.dma_semaphore, #tpu.memory_space<semaphore_mem>>)
    %dma_wait3A_163 = arith.constant 0 : i32
    %dma_wait3A_164 = tpu.memref_slice %arg5[%mul3A_158, %dma_wait3A_163] : memref<8192x1024xf32, #tpu.memory_space<hbm>> -> memref<16x1024xf32, #tpu.memory_space<hbm>>
    %dma_wait3A_165 = arith.constant 0 : i32
    %dma_wait3A_166 = tpu.memref_slice %arg5[%mul3A_158, %dma_wait3A_165] : memref<8192x1024xf32, #tpu.memory_space<hbm>> -> memref<16x1024xf32, #tpu.memory_space<hbm>>
    tpu.wait_dma2 semaphore(%arg15 : memref<!tpu.dma_semaphore, #tpu.memory_space<semaphore_mem>>) src(%arg9 : memref<16x1024xf32, #tpu.memory_space<vmem>>) dst(%dma_wait3A_166 : memref<16x1024xf32, #tpu.memory_space<hbm>>)
    %dma_start3A_167 = arith.constant 5 : i32
    %dma_start3A_168 = arith.constant 0 : i32
    %dma_start3A_169 = tpu.memref_slice %arg6[%dma_start3A_167, %dma_start3A_168] : memref<16x16xi32, #tpu.memory_space<vmem>> -> memref<1x16xi32, #tpu.memory_space<vmem>>
    %dma_start3A_170 = tpu.memref_squeeze %dma_start3A_169 : memref<1x16xi32, #tpu.memory_space<vmem>> -> memref<16xi32, #tpu.memory_space<vmem>>
    %dma_start3A_171 = arith.constant 0 : i32
    %dma_start3A_172 = arith.constant 0 : i32
    %dma_start3A_173 = tpu.memref_slice %arg4[%dma_start3A_171, %dma_start3A_172] : memref<2048x1024xf32, #tpu.memory_space<hbm>> -> memref<2048x1024xf32, #tpu.memory_space<hbm>>
    tpu.enqueue_indirect_dma source(%dma_start3A_173 : memref<2048x1024xf32, #tpu.memory_space<hbm>>) target(%arg12 : memref<16x1024xf32, #tpu.memory_space<vmem>>) offsets(%dma_start3A_170 : memref<16xi32, #tpu.memory_space<vmem>>) semaphore(%arg13 : memref<!tpu.dma_semaphore, #tpu.memory_space<semaphore_mem>>)
    %mul3A_174 = arith.constant 16 : i32
    %mul3A_175 = arith.muli %add3A, %mul3A_174 : i32
    %add3A_176 = arith.constant 5 : i32
    %add3A_177 = arith.addi %mul3A_175, %add3A_176 : i32
    %mul3A_178 = arith.constant 16 : i32
    %mul3A_179 = arith.muli %add3A_177, %mul3A_178 : i32
    %dma_start3A_180 = arith.constant 0 : i32
    %dma_start3A_181 = tpu.memref_slice %arg2[%mul3A_179, %dma_start3A_180] : memref<8192x1024xf32, #tpu.memory_space<hbm>> -> memref<16x1024xf32, #tpu.memory_space<hbm>>
    %dma_start3A_182 = arith.constant 0 : i32
    %dma_start3A_183 = tpu.memref_slice %arg2[%mul3A_179, %dma_start3A_182] : memref<8192x1024xf32, #tpu.memory_space<hbm>> -> memref<16x1024xf32, #tpu.memory_space<hbm>>
    tpu.enqueue_dma source(%dma_start3A_183 : memref<16x1024xf32, #tpu.memory_space<hbm>>) target(%arg9 : memref<16x1024xf32, #tpu.memory_space<vmem>>) target_semaphore(%arg14 : memref<!tpu.dma_semaphore, #tpu.memory_space<semaphore_mem>>)
    %dma_wait3A_184 = arith.constant 3 : i32
    %dma_wait3A_185 = arith.constant 0 : i32
    %dma_wait3A_186 = tpu.memref_slice %arg6[%dma_wait3A_184, %dma_wait3A_185] : memref<16x16xi32, #tpu.memory_space<vmem>> -> memref<1x16xi32, #tpu.memory_space<vmem>>
    %dma_wait3A_187 = tpu.memref_squeeze %dma_wait3A_186 : memref<1x16xi32, #tpu.memory_space<vmem>> -> memref<16xi32, #tpu.memory_space<vmem>>
    %dma_wait3A_188 = arith.constant 0 : i32
    %dma_wait3A_189 = arith.constant 0 : i32
    %dma_wait3A_190 = tpu.memref_slice %arg4[%dma_wait3A_188, %dma_wait3A_189] : memref<2048x1024xf32, #tpu.memory_space<hbm>> -> memref<2048x1024xf32, #tpu.memory_space<hbm>>
    tpu.wait_indirect_dma semaphore(%arg13 : memref<!tpu.dma_semaphore, #tpu.memory_space<semaphore_mem>>) src(%dma_wait3A_190 : memref<2048x1024xf32, #tpu.memory_space<hbm>>) dst(%arg10 : memref<16x1024xf32, #tpu.memory_space<vmem>>)
    %dma_wait3A_191 = arith.constant 0 : i32
    %dma_wait3A_192 = tpu.memref_slice %arg2[%mul3A_89, %dma_wait3A_191] : memref<8192x1024xf32, #tpu.memory_space<hbm>> -> memref<16x1024xf32, #tpu.memory_space<hbm>>
    %dma_wait3A_193 = arith.constant 0 : i32
    %dma_wait3A_194 = tpu.memref_slice %arg2[%mul3A_89, %dma_wait3A_193] : memref<8192x1024xf32, #tpu.memory_space<hbm>> -> memref<16x1024xf32, #tpu.memory_space<hbm>>
    tpu.wait_dma2 semaphore(%arg14 : memref<!tpu.dma_semaphore, #tpu.memory_space<semaphore_mem>>) src(%dma_wait3A_194 : memref<16x1024xf32, #tpu.memory_space<hbm>>) dst(%arg7 : memref<16x1024xf32, #tpu.memory_space<vmem>>)
    %parallel_loop3A_195 = arith.constant 0 : i32
    %parallel_loop3A_196 = arith.constant 16 : i32
    %parallel_loop3A_197 = arith.constant 1 : i32
    scf.for %parallel_loop3A_718 = %parallel_loop3A_195 to %parallel_loop3A_196 step %parallel_loop3A_197  : i32 {
      %parallel_loop3A_719 = arith.constant 0 : i32
      %parallel_loop3A_720 = arith.constant 1024 : i32
      %parallel_loop3A_721 = arith.constant 16 : i32
      scf.for %parallel_loop3A_722 = %parallel_loop3A_719 to %parallel_loop3A_720 step %parallel_loop3A_721  : i32 {
        %parallel_loop3A_723 = arith.index_cast %parallel_loop3A_718 : i32 to index
        %parallel_loop3A_724 = arith.index_cast %parallel_loop3A_722 : i32 to index
        %parallel_loop3A_725 = tpu.vector_load %arg10[%parallel_loop3A_723, %parallel_loop3A_724] {strides = array<i32>} : memref<16x1024xf32, #tpu.memory_space<vmem>>, vector<1x16xf32>,
        %parallel_loop3A_726 = vector.shape_cast %parallel_loop3A_725 : vector<1x16xf32> to vector<16xf32>
        %parallel_loop3A_727 = arith.index_cast %parallel_loop3A_718 : i32 to index
        %parallel_loop3A_728 = arith.index_cast %parallel_loop3A_722 : i32 to index
        %parallel_loop3A_729 = tpu.vector_load %arg7[%parallel_loop3A_727, %parallel_loop3A_728] {strides = array<i32>} : memref<16x1024xf32, #tpu.memory_space<vmem>>, vector<1x16xf32>,
        %parallel_loop3A_730 = vector.shape_cast %parallel_loop3A_729 : vector<1x16xf32> to vector<16xf32>
        %parallel_loop3A_731 = vector.shape_cast %parallel_loop3A_726 : vector<16xf32> to vector<1x16xf32>
        tpu.vector_store %arg7[%parallel_loop3A_727, %parallel_loop3A_728], %parallel_loop3A_731 {add = true, strides = array<i32>} : memref<16x1024xf32, #tpu.memory_space<vmem>>, vector<1x16xf32>,
      } {sc.loop_unroll_factor = 8 : i64, sc.parallel_access}
    } {sc.loop_unroll_factor = 2 : i64, sc.parallel_access}
    %mul3A_198 = arith.constant 16 : i32
    %mul3A_199 = arith.muli %add3A, %mul3A_198 : i32
    %add3A_200 = arith.constant 3 : i32
    %add3A_201 = arith.addi %mul3A_199, %add3A_200 : i32
    %mul3A_202 = arith.constant 16 : i32
    %mul3A_203 = arith.muli %add3A_201, %mul3A_202 : i32
    %dma_start3A_204 = arith.constant 0 : i32
    %dma_start3A_205 = tpu.memref_slice %arg5[%mul3A_203, %dma_start3A_204] : memref<8192x1024xf32, #tpu.memory_space<hbm>> -> memref<16x1024xf32, #tpu.memory_space<hbm>>
    %dma_start3A_206 = arith.constant 0 : i32
    %dma_start3A_207 = tpu.memref_slice %arg5[%mul3A_203, %dma_start3A_206] : memref<8192x1024xf32, #tpu.memory_space<hbm>> -> memref<16x1024xf32, #tpu.memory_space<hbm>>
    tpu.enqueue_dma source(%arg7 : memref<16x1024xf32, #tpu.memory_space<vmem>>) target(%dma_start3A_207 : memref<16x1024xf32, #tpu.memory_space<hbm>>) target_semaphore(%arg15 : memref<!tpu.dma_semaphore, #tpu.memory_space<semaphore_mem>>)
    %dma_wait3A_208 = arith.constant 0 : i32
    %dma_wait3A_209 = tpu.memref_slice %arg5[%mul3A_203, %dma_wait3A_208] : memref<8192x1024xf32, #tpu.memory_space<hbm>> -> memref<16x1024xf32, #tpu.memory_space<hbm>>
    %dma_wait3A_210 = arith.constant 0 : i32
    %dma_wait3A_211 = tpu.memref_slice %arg5[%mul3A_203, %dma_wait3A_210] : memref<8192x1024xf32, #tpu.memory_space<hbm>> -> memref<16x1024xf32, #tpu.memory_space<hbm>>
    tpu.wait_dma2 semaphore(%arg15 : memref<!tpu.dma_semaphore, #tpu.memory_space<semaphore_mem>>) src(%arg7 : memref<16x1024xf32, #tpu.memory_space<vmem>>) dst(%dma_wait3A_211 : memref<16x1024xf32, #tpu.memory_space<hbm>>)
    %dma_start3A_212 = arith.constant 6 : i32
    %dma_start3A_213 = arith.constant 0 : i32
    %dma_start3A_214 = tpu.memref_slice %arg6[%dma_start3A_212, %dma_start3A_213] : memref<16x16xi32, #tpu.memory_space<vmem>> -> memref<1x16xi32, #tpu.memory_space<vmem>>
    %dma_start3A_215 = tpu.memref_squeeze %dma_start3A_214 : memref<1x16xi32, #tpu.memory_space<vmem>> -> memref<16xi32, #tpu.memory_space<vmem>>
    %dma_start3A_216 = arith.constant 0 : i32
    %dma_start3A_217 = arith.constant 0 : i32
    %dma_start3A_218 = tpu.memref_slice %arg4[%dma_start3A_216, %dma_start3A_217] : memref<2048x1024xf32, #tpu.memory_space<hbm>> -> memref<2048x1024xf32, #tpu.memory_space<hbm>>
    tpu.enqueue_indirect_dma source(%dma_start3A_218 : memref<2048x1024xf32, #tpu.memory_space<hbm>>) target(%arg10 : memref<16x1024xf32, #tpu.memory_space<vmem>>) offsets(%dma_start3A_215 : memref<16xi32, #tpu.memory_space<vmem>>) semaphore(%arg13 : memref<!tpu.dma_semaphore, #tpu.memory_space<semaphore_mem>>)
    %mul3A_219 = arith.constant 16 : i32
    %mul3A_220 = arith.muli %add3A, %mul3A_219 : i32
    %add3A_221 = arith.constant 6 : i32
    %add3A_222 = arith.addi %mul3A_220, %add3A_221 : i32
    %mul3A_223 = arith.constant 16 : i32
    %mul3A_224 = arith.muli %add3A_222, %mul3A_223 : i32
    %dma_start3A_225 = arith.constant 0 : i32
    %dma_start3A_226 = tpu.memref_slice %arg2[%mul3A_224, %dma_start3A_225] : memref<8192x1024xf32, #tpu.memory_space<hbm>> -> memref<16x1024xf32, #tpu.memory_space<hbm>>
    %dma_start3A_227 = arith.constant 0 : i32
    %dma_start3A_228 = tpu.memref_slice %arg2[%mul3A_224, %dma_start3A_227] : memref<8192x1024xf32, #tpu.memory_space<hbm>> -> memref<16x1024xf32, #tpu.memory_space<hbm>>
    tpu.enqueue_dma source(%dma_start3A_228 : memref<16x1024xf32, #tpu.memory_space<hbm>>) target(%arg7 : memref<16x1024xf32, #tpu.memory_space<vmem>>) target_semaphore(%arg14 : memref<!tpu.dma_semaphore, #tpu.memory_space<semaphore_mem>>)
    %dma_wait3A_229 = arith.constant 4 : i32
    %dma_wait3A_230 = arith.constant 0 : i32
    %dma_wait3A_231 = tpu.memref_slice %arg6[%dma_wait3A_229, %dma_wait3A_230] : memref<16x16xi32, #tpu.memory_space<vmem>> -> memref<1x16xi32, #tpu.memory_space<vmem>>
    %dma_wait3A_232 = tpu.memref_squeeze %dma_wait3A_231 : memref<1x16xi32, #tpu.memory_space<vmem>> -> memref<16xi32, #tpu.memory_space<vmem>>
    %dma_wait3A_233 = arith.constant 0 : i32
    %dma_wait3A_234 = arith.constant 0 : i32
    %dma_wait3A_235 = tpu.memref_slice %arg4[%dma_wait3A_233, %dma_wait3A_234] : memref<2048x1024xf32, #tpu.memory_space<hbm>> -> memref<2048x1024xf32, #tpu.memory_space<hbm>>
    tpu.wait_indirect_dma semaphore(%arg13 : memref<!tpu.dma_semaphore, #tpu.memory_space<semaphore_mem>>) src(%dma_wait3A_235 : memref<2048x1024xf32, #tpu.memory_space<hbm>>) dst(%arg11 : memref<16x1024xf32, #tpu.memory_space<vmem>>)
    %dma_wait3A_236 = arith.constant 0 : i32
    %dma_wait3A_237 = tpu.memref_slice %arg2[%mul3A_134, %dma_wait3A_236] : memref<8192x1024xf32, #tpu.memory_space<hbm>> -> memref<16x1024xf32, #tpu.memory_space<hbm>>
    %dma_wait3A_238 = arith.constant 0 : i32
    %dma_wait3A_239 = tpu.memref_slice %arg2[%mul3A_134, %dma_wait3A_238] : memref<8192x1024xf32, #tpu.memory_space<hbm>> -> memref<16x1024xf32, #tpu.memory_space<hbm>>
    tpu.wait_dma2 semaphore(%arg14 : memref<!tpu.dma_semaphore, #tpu.memory_space<semaphore_mem>>) src(%dma_wait3A_239 : memref<16x1024xf32, #tpu.memory_space<hbm>>) dst(%arg8 : memref<16x1024xf32, #tpu.memory_space<vmem>>)
    %parallel_loop3A_240 = arith.constant 0 : i32
    %parallel_loop3A_241 = arith.constant 16 : i32
    %parallel_loop3A_242 = arith.constant 1 : i32
    scf.for %parallel_loop3A_718 = %parallel_loop3A_240 to %parallel_loop3A_241 step %parallel_loop3A_242  : i32 {
      %parallel_loop3A_719 = arith.constant 0 : i32
      %parallel_loop3A_720 = arith.constant 1024 : i32
      %parallel_loop3A_721 = arith.constant 16 : i32
      scf.for %parallel_loop3A_722 = %parallel_loop3A_719 to %parallel_loop3A_720 step %parallel_loop3A_721  : i32 {
        %parallel_loop3A_723 = arith.index_cast %parallel_loop3A_718 : i32 to index
        %parallel_loop3A_724 = arith.index_cast %parallel_loop3A_722 : i32 to index
        %parallel_loop3A_725 = tpu.vector_load %arg11[%parallel_loop3A_723, %parallel_loop3A_724] {strides = array<i32>} : memref<16x1024xf32, #tpu.memory_space<vmem>>, vector<1x16xf32>,
        %parallel_loop3A_726 = vector.shape_cast %parallel_loop3A_725 : vector<1x16xf32> to vector<16xf32>
        %parallel_loop3A_727 = arith.index_cast %parallel_loop3A_718 : i32 to index
        %parallel_loop3A_728 = arith.index_cast %parallel_loop3A_722 : i32 to index
        %parallel_loop3A_729 = tpu.vector_load %arg8[%parallel_loop3A_727, %parallel_loop3A_728] {strides = array<i32>} : memref<16x1024xf32, #tpu.memory_space<vmem>>, vector<1x16xf32>,
        %parallel_loop3A_730 = vector.shape_cast %parallel_loop3A_729 : vector<1x16xf32> to vector<16xf32>
        %parallel_loop3A_731 = vector.shape_cast %parallel_loop3A_726 : vector<16xf32> to vector<1x16xf32>
        tpu.vector_store %arg8[%parallel_loop3A_727, %parallel_loop3A_728], %parallel_loop3A_731 {add = true, strides = array<i32>} : memref<16x1024xf32, #tpu.memory_space<vmem>>, vector<1x16xf32>,
      } {sc.loop_unroll_factor = 8 : i64, sc.parallel_access}
    } {sc.loop_unroll_factor = 2 : i64, sc.parallel_access}
    %mul3A_243 = arith.constant 16 : i32
    %mul3A_244 = arith.muli %add3A, %mul3A_243 : i32
    %add3A_245 = arith.constant 4 : i32
    %add3A_246 = arith.addi %mul3A_244, %add3A_245 : i32
    %mul3A_247 = arith.constant 16 : i32
    %mul3A_248 = arith.muli %add3A_246, %mul3A_247 : i32
    %dma_start3A_249 = arith.constant 0 : i32
    %dma_start3A_250 = tpu.memref_slice %arg5[%mul3A_248, %dma_start3A_249] : memref<8192x1024xf32, #tpu.memory_space<hbm>> -> memref<16x1024xf32, #tpu.memory_space<hbm>>
    %dma_start3A_251 = arith.constant 0 : i32
    %dma_start3A_252 = tpu.memref_slice %arg5[%mul3A_248, %dma_start3A_251] : memref<8192x1024xf32, #tpu.memory_space<hbm>> -> memref<16x1024xf32, #tpu.memory_space<hbm>>
    tpu.enqueue_dma source(%arg8 : memref<16x1024xf32, #tpu.memory_space<vmem>>) target(%dma_start3A_252 : memref<16x1024xf32, #tpu.memory_space<hbm>>) target_semaphore(%arg15 : memref<!tpu.dma_semaphore, #tpu.memory_space<semaphore_mem>>)
    %dma_wait3A_253 = arith.constant 0 : i32
    %dma_wait3A_254 = tpu.memref_slice %arg5[%mul3A_248, %dma_wait3A_253] : memref<8192x1024xf32, #tpu.memory_space<hbm>> -> memref<16x1024xf32, #tpu.memory_space<hbm>>
    %dma_wait3A_255 = arith.constant 0 : i32
    %dma_wait3A_256 = tpu.memref_slice %arg5[%mul3A_248, %dma_wait3A_255] : memref<8192x1024xf32, #tpu.memory_space<hbm>> -> memref<16x1024xf32, #tpu.memory_space<hbm>>
    tpu.wait_dma2 semaphore(%arg15 : memref<!tpu.dma_semaphore, #tpu.memory_space<semaphore_mem>>) src(%arg8 : memref<16x1024xf32, #tpu.memory_space<vmem>>) dst(%dma_wait3A_256 : memref<16x1024xf32, #tpu.memory_space<hbm>>)
    %dma_start3A_257 = arith.constant 7 : i32
    %dma_start3A_258 = arith.constant 0 : i32
    %dma_start3A_259 = tpu.memref_slice %arg6[%dma_start3A_257, %dma_start3A_258] : memref<16x16xi32, #tpu.memory_space<vmem>> -> memref<1x16xi32, #tpu.memory_space<vmem>>
    %dma_start3A_260 = tpu.memref_squeeze %dma_start3A_259 : memref<1x16xi32, #tpu.memory_space<vmem>> -> memref<16xi32, #tpu.memory_space<vmem>>
    %dma_start3A_261 = arith.constant 0 : i32
    %dma_start3A_262 = arith.constant 0 : i32
    %dma_start3A_263 = tpu.memref_slice %arg4[%dma_start3A_261, %dma_start3A_262] : memref<2048x1024xf32, #tpu.memory_space<hbm>> -> memref<2048x1024xf32, #tpu.memory_space<hbm>>
    tpu.enqueue_indirect_dma source(%dma_start3A_263 : memref<2048x1024xf32, #tpu.memory_space<hbm>>) target(%arg11 : memref<16x1024xf32, #tpu.memory_space<vmem>>) offsets(%dma_start3A_260 : memref<16xi32, #tpu.memory_space<vmem>>) semaphore(%arg13 : memref<!tpu.dma_semaphore, #tpu.memory_space<semaphore_mem>>)
    %mul3A_264 = arith.constant 16 : i32
    %mul3A_265 = arith.muli %add3A, %mul3A_264 : i32
    %add3A_266 = arith.constant 7 : i32
    %add3A_267 = arith.addi %mul3A_265, %add3A_266 : i32
    %mul3A_268 = arith.constant 16 : i32
    %mul3A_269 = arith.muli %add3A_267, %mul3A_268 : i32
    %dma_start3A_270 = arith.constant 0 : i32
    %dma_start3A_271 = tpu.memref_slice %arg2[%mul3A_269, %dma_start3A_270] : memref<8192x1024xf32, #tpu.memory_space<hbm>> -> memref<16x1024xf32, #tpu.memory_space<hbm>>
    %dma_start3A_272 = arith.constant 0 : i32
    %dma_start3A_273 = tpu.memref_slice %arg2[%mul3A_269, %dma_start3A_272] : memref<8192x1024xf32, #tpu.memory_space<hbm>> -> memref<16x1024xf32, #tpu.memory_space<hbm>>
    tpu.enqueue_dma source(%dma_start3A_273 : memref<16x1024xf32, #tpu.memory_space<hbm>>) target(%arg8 : memref<16x1024xf32, #tpu.memory_space<vmem>>) target_semaphore(%arg14 : memref<!tpu.dma_semaphore, #tpu.memory_space<semaphore_mem>>)
    %dma_wait3A_274 = arith.constant 5 : i32
    %dma_wait3A_275 = arith.constant 0 : i32
    %dma_wait3A_276 = tpu.memref_slice %arg6[%dma_wait3A_274, %dma_wait3A_275] : memref<16x16xi32, #tpu.memory_space<vmem>> -> memref<1x16xi32, #tpu.memory_space<vmem>>
    %dma_wait3A_277 = tpu.memref_squeeze %dma_wait3A_276 : memref<1x16xi32, #tpu.memory_space<vmem>> -> memref<16xi32, #tpu.memory_space<vmem>>
    %dma_wait3A_278 = arith.constant 0 : i32
    %dma_wait3A_279 = arith.constant 0 : i32
    %dma_wait3A_280 = tpu.memref_slice %arg4[%dma_wait3A_278, %dma_wait3A_279] : memref<2048x1024xf32, #tpu.memory_space<hbm>> -> memref<2048x1024xf32, #tpu.memory_space<hbm>>
    tpu.wait_indirect_dma semaphore(%arg13 : memref<!tpu.dma_semaphore, #tpu.memory_space<semaphore_mem>>) src(%dma_wait3A_280 : memref<2048x1024xf32, #tpu.memory_space<hbm>>) dst(%arg12 : memref<16x1024xf32, #tpu.memory_space<vmem>>)
    %dma_wait3A_281 = arith.constant 0 : i32
    %dma_wait3A_282 = tpu.memref_slice %arg2[%mul3A_179, %dma_wait3A_281] : memref<8192x1024xf32, #tpu.memory_space<hbm>> -> memref<16x1024xf32, #tpu.memory_space<hbm>>
    %dma_wait3A_283 = arith.constant 0 : i32
    %dma_wait3A_284 = tpu.memref_slice %arg2[%mul3A_179, %dma_wait3A_283] : memref<8192x1024xf32, #tpu.memory_space<hbm>> -> memref<16x1024xf32, #tpu.memory_space<hbm>>
    tpu.wait_dma2 semaphore(%arg14 : memref<!tpu.dma_semaphore, #tpu.memory_space<semaphore_mem>>) src(%dma_wait3A_284 : memref<16x1024xf32, #tpu.memory_space<hbm>>) dst(%arg9 : memref<16x1024xf32, #tpu.memory_space<vmem>>)
    %parallel_loop3A_285 = arith.constant 0 : i32
    %parallel_loop3A_286 = arith.constant 16 : i32
    %parallel_loop3A_287 = arith.constant 1 : i32
    scf.for %parallel_loop3A_718 = %parallel_loop3A_285 to %parallel_loop3A_286 step %parallel_loop3A_287  : i32 {
      %parallel_loop3A_719 = arith.constant 0 : i32
      %parallel_loop3A_720 = arith.constant 1024 : i32
      %parallel_loop3A_721 = arith.constant 16 : i32
      scf.for %parallel_loop3A_722 = %parallel_loop3A_719 to %parallel_loop3A_720 step %parallel_loop3A_721  : i32 {
        %parallel_loop3A_723 = arith.index_cast %parallel_loop3A_718 : i32 to index
        %parallel_loop3A_724 = arith.index_cast %parallel_loop3A_722 : i32 to index
        %parallel_loop3A_725 = tpu.vector_load %arg12[%parallel_loop3A_723, %parallel_loop3A_724] {strides = array<i32>} : memref<16x1024xf32, #tpu.memory_space<vmem>>, vector<1x16xf32>,
        %parallel_loop3A_726 = vector.shape_cast %parallel_loop3A_725 : vector<1x16xf32> to vector<16xf32>
        %parallel_loop3A_727 = arith.index_cast %parallel_loop3A_718 : i32 to index
        %parallel_loop3A_728 = arith.index_cast %parallel_loop3A_722 : i32 to index
        %parallel_loop3A_729 = tpu.vector_load %arg9[%parallel_loop3A_727, %parallel_loop3A_728] {strides = array<i32>} : memref<16x1024xf32, #tpu.memory_space<vmem>>, vector<1x16xf32>,
        %parallel_loop3A_730 = vector.shape_cast %parallel_loop3A_729 : vector<1x16xf32> to vector<16xf32>
        %parallel_loop3A_731 = vector.shape_cast %parallel_loop3A_726 : vector<16xf32> to vector<1x16xf32>
        tpu.vector_store %arg9[%parallel_loop3A_727, %parallel_loop3A_728], %parallel_loop3A_731 {add = true, strides = array<i32>} : memref<16x1024xf32, #tpu.memory_space<vmem>>, vector<1x16xf32>,
      } {sc.loop_unroll_factor = 8 : i64, sc.parallel_access}
    } {sc.loop_unroll_factor = 2 : i64, sc.parallel_access}
    %mul3A_288 = arith.constant 16 : i32
    %mul3A_289 = arith.muli %add3A, %mul3A_288 : i32
    %add3A_290 = arith.constant 5 : i32
    %add3A_291 = arith.addi %mul3A_289, %add3A_290 : i32
    %mul3A_292 = arith.constant 16 : i32
    %mul3A_293 = arith.muli %add3A_291, %mul3A_292 : i32
    %dma_start3A_294 = arith.constant 0 : i32
    %dma_start3A_295 = tpu.memref_slice %arg5[%mul3A_293, %dma_start3A_294] : memref<8192x1024xf32, #tpu.memory_space<hbm>> -> memref<16x1024xf32, #tpu.memory_space<hbm>>
    %dma_start3A_296 = arith.constant 0 : i32
    %dma_start3A_297 = tpu.memref_slice %arg5[%mul3A_293, %dma_start3A_296] : memref<8192x1024xf32, #tpu.memory_space<hbm>> -> memref<16x1024xf32, #tpu.memory_space<hbm>>
    tpu.enqueue_dma source(%arg9 : memref<16x1024xf32, #tpu.memory_space<vmem>>) target(%dma_start3A_297 : memref<16x1024xf32, #tpu.memory_space<hbm>>) target_semaphore(%arg15 : memref<!tpu.dma_semaphore, #tpu.memory_space<semaphore_mem>>)
    %dma_wait3A_298 = arith.constant 0 : i32
    %dma_wait3A_299 = tpu.memref_slice %arg5[%mul3A_293, %dma_wait3A_298] : memref<8192x1024xf32, #tpu.memory_space<hbm>> -> memref<16x1024xf32, #tpu.memory_space<hbm>>
    %dma_wait3A_300 = arith.constant 0 : i32
    %dma_wait3A_301 = tpu.memref_slice %arg5[%mul3A_293, %dma_wait3A_300] : memref<8192x1024xf32, #tpu.memory_space<hbm>> -> memref<16x1024xf32, #tpu.memory_space<hbm>>
    tpu.wait_dma2 semaphore(%arg15 : memref<!tpu.dma_semaphore, #tpu.memory_space<semaphore_mem>>) src(%arg9 : memref<16x1024xf32, #tpu.memory_space<vmem>>) dst(%dma_wait3A_301 : memref<16x1024xf32, #tpu.memory_space<hbm>>)
    %dma_start3A_302 = arith.constant 8 : i32
    %dma_start3A_303 = arith.constant 0 : i32
    %dma_start3A_304 = tpu.memref_slice %arg6[%dma_start3A_302, %dma_start3A_303] : memref<16x16xi32, #tpu.memory_space<vmem>> -> memref<1x16xi32, #tpu.memory_space<vmem>>
    %dma_start3A_305 = tpu.memref_squeeze %dma_start3A_304 : memref<1x16xi32, #tpu.memory_space<vmem>> -> memref<16xi32, #tpu.memory_space<vmem>>
    %dma_start3A_306 = arith.constant 0 : i32
    %dma_start3A_307 = arith.constant 0 : i32
    %dma_start3A_308 = tpu.memref_slice %arg4[%dma_start3A_306, %dma_start3A_307] : memref<2048x1024xf32, #tpu.memory_space<hbm>> -> memref<2048x1024xf32, #tpu.memory_space<hbm>>
    tpu.enqueue_indirect_dma source(%dma_start3A_308 : memref<2048x1024xf32, #tpu.memory_space<hbm>>) target(%arg12 : memref<16x1024xf32, #tpu.memory_space<vmem>>) offsets(%dma_start3A_305 : memref<16xi32, #tpu.memory_space<vmem>>) semaphore(%arg13 : memref<!tpu.dma_semaphore, #tpu.memory_space<semaphore_mem>>)
    %mul3A_309 = arith.constant 16 : i32
    %mul3A_310 = arith.muli %add3A, %mul3A_309 : i32
    %add3A_311 = arith.constant 8 : i32
    %add3A_312 = arith.addi %mul3A_310, %add3A_311 : i32
    %mul3A_313 = arith.constant 16 : i32
    %mul3A_314 = arith.muli %add3A_312, %mul3A_313 : i32
    %dma_start3A_315 = arith.constant 0 : i32
    %dma_start3A_316 = tpu.memref_slice %arg2[%mul3A_314, %dma_start3A_315] : memref<8192x1024xf32, #tpu.memory_space<hbm>> -> memref<16x1024xf32, #tpu.memory_space<hbm>>
    %dma_start3A_317 = arith.constant 0 : i32
    %dma_start3A_318 = tpu.memref_slice %arg2[%mul3A_314, %dma_start3A_317] : memref<8192x1024xf32, #tpu.memory_space<hbm>> -> memref<16x1024xf32, #tpu.memory_space<hbm>>
    tpu.enqueue_dma source(%dma_start3A_318 : memref<16x1024xf32, #tpu.memory_space<hbm>>) target(%arg9 : memref<16x1024xf32, #tpu.memory_space<vmem>>) target_semaphore(%arg14 : memref<!tpu.dma_semaphore, #tpu.memory_space<semaphore_mem>>)
    %dma_wait3A_319 = arith.constant 6 : i32
    %dma_wait3A_320 = arith.constant 0 : i32
    %dma_wait3A_321 = tpu.memref_slice %arg6[%dma_wait3A_319, %dma_wait3A_320] : memref<16x16xi32, #tpu.memory_space<vmem>> -> memref<1x16xi32, #tpu.memory_space<vmem>>
    %dma_wait3A_322 = tpu.memref_squeeze %dma_wait3A_321 : memref<1x16xi32, #tpu.memory_space<vmem>> -> memref<16xi32, #tpu.memory_space<vmem>>
    %dma_wait3A_323 = arith.constant 0 : i32
    %dma_wait3A_324 = arith.constant 0 : i32
    %dma_wait3A_325 = tpu.memref_slice %arg4[%dma_wait3A_323, %dma_wait3A_324] : memref<2048x1024xf32, #tpu.memory_space<hbm>> -> memref<2048x1024xf32, #tpu.memory_space<hbm>>
    tpu.wait_indirect_dma semaphore(%arg13 : memref<!tpu.dma_semaphore, #tpu.memory_space<semaphore_mem>>) src(%dma_wait3A_325 : memref<2048x1024xf32, #tpu.memory_space<hbm>>) dst(%arg10 : memref<16x1024xf32, #tpu.memory_space<vmem>>)
    %dma_wait3A_326 = arith.constant 0 : i32
    %dma_wait3A_327 = tpu.memref_slice %arg2[%mul3A_224, %dma_wait3A_326] : memref<8192x1024xf32, #tpu.memory_space<hbm>> -> memref<16x1024xf32, #tpu.memory_space<hbm>>
    %dma_wait3A_328 = arith.constant 0 : i32
    %dma_wait3A_329 = tpu.memref_slice %arg2[%mul3A_224, %dma_wait3A_328] : memref<8192x1024xf32, #tpu.memory_space<hbm>> -> memref<16x1024xf32, #tpu.memory_space<hbm>>
    tpu.wait_dma2 semaphore(%arg14 : memref<!tpu.dma_semaphore, #tpu.memory_space<semaphore_mem>>) src(%dma_wait3A_329 : memref<16x1024xf32, #tpu.memory_space<hbm>>) dst(%arg7 : memref<16x1024xf32, #tpu.memory_space<vmem>>)
    %parallel_loop3A_330 = arith.constant 0 : i32
    %parallel_loop3A_331 = arith.constant 16 : i32
    %parallel_loop3A_332 = arith.constant 1 : i32
    scf.for %parallel_loop3A_718 = %parallel_loop3A_330 to %parallel_loop3A_331 step %parallel_loop3A_332  : i32 {
      %parallel_loop3A_719 = arith.constant 0 : i32
      %parallel_loop3A_720 = arith.constant 1024 : i32
      %parallel_loop3A_721 = arith.constant 16 : i32
      scf.for %parallel_loop3A_722 = %parallel_loop3A_719 to %parallel_loop3A_720 step %parallel_loop3A_721  : i32 {
        %parallel_loop3A_723 = arith.index_cast %parallel_loop3A_718 : i32 to index
        %parallel_loop3A_724 = arith.index_cast %parallel_loop3A_722 : i32 to index
        %parallel_loop3A_725 = tpu.vector_load %arg10[%parallel_loop3A_723, %parallel_loop3A_724] {strides = array<i32>} : memref<16x1024xf32, #tpu.memory_space<vmem>>, vector<1x16xf32>,
        %parallel_loop3A_726 = vector.shape_cast %parallel_loop3A_725 : vector<1x16xf32> to vector<16xf32>
        %parallel_loop3A_727 = arith.index_cast %parallel_loop3A_718 : i32 to index
        %parallel_loop3A_728 = arith.index_cast %parallel_loop3A_722 : i32 to index
        %parallel_loop3A_729 = tpu.vector_load %arg7[%parallel_loop3A_727, %parallel_loop3A_728] {strides = array<i32>} : memref<16x1024xf32, #tpu.memory_space<vmem>>, vector<1x16xf32>,
        %parallel_loop3A_730 = vector.shape_cast %parallel_loop3A_729 : vector<1x16xf32> to vector<16xf32>
        %parallel_loop3A_731 = vector.shape_cast %parallel_loop3A_726 : vector<16xf32> to vector<1x16xf32>
        tpu.vector_store %arg7[%parallel_loop3A_727, %parallel_loop3A_728], %parallel_loop3A_731 {add = true, strides = array<i32>} : memref<16x1024xf32, #tpu.memory_space<vmem>>, vector<1x16xf32>,
      } {sc.loop_unroll_factor = 8 : i64, sc.parallel_access}
    } {sc.loop_unroll_factor = 2 : i64, sc.parallel_access}
    %mul3A_333 = arith.constant 16 : i32
    %mul3A_334 = arith.muli %add3A, %mul3A_333 : i32
    %add3A_335 = arith.constant 6 : i32
    %add3A_336 = arith.addi %mul3A_334, %add3A_335 : i32
    %mul3A_337 = arith.constant 16 : i32
    %mul3A_338 = arith.muli %add3A_336, %mul3A_337 : i32
    %dma_start3A_339 = arith.constant 0 : i32
    %dma_start3A_340 = tpu.memref_slice %arg5[%mul3A_338, %dma_start3A_339] : memref<8192x1024xf32, #tpu.memory_space<hbm>> -> memref<16x1024xf32, #tpu.memory_space<hbm>>
    %dma_start3A_341 = arith.constant 0 : i32
    %dma_start3A_342 = tpu.memref_slice %arg5[%mul3A_338, %dma_start3A_341] : memref<8192x1024xf32, #tpu.memory_space<hbm>> -> memref<16x1024xf32, #tpu.memory_space<hbm>>
    tpu.enqueue_dma source(%arg7 : memref<16x1024xf32, #tpu.memory_space<vmem>>) target(%dma_start3A_342 : memref<16x1024xf32, #tpu.memory_space<hbm>>) target_semaphore(%arg15 : memref<!tpu.dma_semaphore, #tpu.memory_space<semaphore_mem>>)
    %dma_wait3A_343 = arith.constant 0 : i32
    %dma_wait3A_344 = tpu.memref_slice %arg5[%mul3A_338, %dma_wait3A_343] : memref<8192x1024xf32, #tpu.memory_space<hbm>> -> memref<16x1024xf32, #tpu.memory_space<hbm>>
    %dma_wait3A_345 = arith.constant 0 : i32
    %dma_wait3A_346 = tpu.memref_slice %arg5[%mul3A_338, %dma_wait3A_345] : memref<8192x1024xf32, #tpu.memory_space<hbm>> -> memref<16x1024xf32, #tpu.memory_space<hbm>>
    tpu.wait_dma2 semaphore(%arg15 : memref<!tpu.dma_semaphore, #tpu.memory_space<semaphore_mem>>) src(%arg7 : memref<16x1024xf32, #tpu.memory_space<vmem>>) dst(%dma_wait3A_346 : memref<16x1024xf32, #tpu.memory_space<hbm>>)
    %dma_start3A_347 = arith.constant 9 : i32
    %dma_start3A_348 = arith.constant 0 : i32
    %dma_start3A_349 = tpu.memref_slice %arg6[%dma_start3A_347, %dma_start3A_348] : memref<16x16xi32, #tpu.memory_space<vmem>> -> memref<1x16xi32, #tpu.memory_space<vmem>>
    %dma_start3A_350 = tpu.memref_squeeze %dma_start3A_349 : memref<1x16xi32, #tpu.memory_space<vmem>> -> memref<16xi32, #tpu.memory_space<vmem>>
    %dma_start3A_351 = arith.constant 0 : i32
    %dma_start3A_352 = arith.constant 0 : i32
    %dma_start3A_353 = tpu.memref_slice %arg4[%dma_start3A_351, %dma_start3A_352] : memref<2048x1024xf32, #tpu.memory_space<hbm>> -> memref<2048x1024xf32, #tpu.memory_space<hbm>>
    tpu.enqueue_indirect_dma source(%dma_start3A_353 : memref<2048x1024xf32, #tpu.memory_space<hbm>>) target(%arg10 : memref<16x1024xf32, #tpu.memory_space<vmem>>) offsets(%dma_start3A_350 : memref<16xi32, #tpu.memory_space<vmem>>) semaphore(%arg13 : memref<!tpu.dma_semaphore, #tpu.memory_space<semaphore_mem>>)
    %mul3A_354 = arith.constant 16 : i32
    %mul3A_355 = arith.muli %add3A, %mul3A_354 : i32
    %add3A_356 = arith.constant 9 : i32
    %add3A_357 = arith.addi %mul3A_355, %add3A_356 : i32
    %mul3A_358 = arith.constant 16 : i32
    %mul3A_359 = arith.muli %add3A_357, %mul3A_358 : i32
    %dma_start3A_360 = arith.constant 0 : i32
    %dma_start3A_361 = tpu.memref_slice %arg2[%mul3A_359, %dma_start3A_360] : memref<8192x1024xf32, #tpu.memory_space<hbm>> -> memref<16x1024xf32, #tpu.memory_space<hbm>>
    %dma_start3A_362 = arith.constant 0 : i32
    %dma_start3A_363 = tpu.memref_slice %arg2[%mul3A_359, %dma_start3A_362] : memref<8192x1024xf32, #tpu.memory_space<hbm>> -> memref<16x1024xf32, #tpu.memory_space<hbm>>
    tpu.enqueue_dma source(%dma_start3A_363 : memref<16x1024xf32, #tpu.memory_space<hbm>>) target(%arg7 : memref<16x1024xf32, #tpu.memory_space<vmem>>) target_semaphore(%arg14 : memref<!tpu.dma_semaphore, #tpu.memory_space<semaphore_mem>>)
    %dma_wait3A_364 = arith.constant 7 : i32
    %dma_wait3A_365 = arith.constant 0 : i32
    %dma_wait3A_366 = tpu.memref_slice %arg6[%dma_wait3A_364, %dma_wait3A_365] : memref<16x16xi32, #tpu.memory_space<vmem>> -> memref<1x16xi32, #tpu.memory_space<vmem>>
    %dma_wait3A_367 = tpu.memref_squeeze %dma_wait3A_366 : memref<1x16xi32, #tpu.memory_space<vmem>> -> memref<16xi32, #tpu.memory_space<vmem>>
    %dma_wait3A_368 = arith.constant 0 : i32
    %dma_wait3A_369 = arith.constant 0 : i32
    %dma_wait3A_370 = tpu.memref_slice %arg4[%dma_wait3A_368, %dma_wait3A_369] : memref<2048x1024xf32, #tpu.memory_space<hbm>> -> memref<2048x1024xf32, #tpu.memory_space<hbm>>
    tpu.wait_indirect_dma semaphore(%arg13 : memref<!tpu.dma_semaphore, #tpu.memory_space<semaphore_mem>>) src(%dma_wait3A_370 : memref<2048x1024xf32, #tpu.memory_space<hbm>>) dst(%arg11 : memref<16x1024xf32, #tpu.memory_space<vmem>>)
    %dma_wait3A_371 = arith.constant 0 : i32
    %dma_wait3A_372 = tpu.memref_slice %arg2[%mul3A_269, %dma_wait3A_371] : memref<8192x1024xf32, #tpu.memory_space<hbm>> -> memref<16x1024xf32, #tpu.memory_space<hbm>>
    %dma_wait3A_373 = arith.constant 0 : i32
    %dma_wait3A_374 = tpu.memref_slice %arg2[%mul3A_269, %dma_wait3A_373] : memref<8192x1024xf32, #tpu.memory_space<hbm>> -> memref<16x1024xf32, #tpu.memory_space<hbm>>
    tpu.wait_dma2 semaphore(%arg14 : memref<!tpu.dma_semaphore, #tpu.memory_space<semaphore_mem>>) src(%dma_wait3A_374 : memref<16x1024xf32, #tpu.memory_space<hbm>>) dst(%arg8 : memref<16x1024xf32, #tpu.memory_space<vmem>>)
    %parallel_loop3A_375 = arith.constant 0 : i32
    %parallel_loop3A_376 = arith.constant 16 : i32
    %parallel_loop3A_377 = arith.constant 1 : i32
    scf.for %parallel_loop3A_718 = %parallel_loop3A_375 to %parallel_loop3A_376 step %parallel_loop3A_377  : i32 {
      %parallel_loop3A_719 = arith.constant 0 : i32
      %parallel_loop3A_720 = arith.constant 1024 : i32
      %parallel_loop3A_721 = arith.constant 16 : i32
      scf.for %parallel_loop3A_722 = %parallel_loop3A_719 to %parallel_loop3A_720 step %parallel_loop3A_721  : i32 {
        %parallel_loop3A_723 = arith.index_cast %parallel_loop3A_718 : i32 to index
        %parallel_loop3A_724 = arith.index_cast %parallel_loop3A_722 : i32 to index
        %parallel_loop3A_725 = tpu.vector_load %arg11[%parallel_loop3A_723, %parallel_loop3A_724] {strides = array<i32>} : memref<16x1024xf32, #tpu.memory_space<vmem>>, vector<1x16xf32>,
        %parallel_loop3A_726 = vector.shape_cast %parallel_loop3A_725 : vector<1x16xf32> to vector<16xf32>
        %parallel_loop3A_727 = arith.index_cast %parallel_loop3A_718 : i32 to index
        %parallel_loop3A_728 = arith.index_cast %parallel_loop3A_722 : i32 to index
        %parallel_loop3A_729 = tpu.vector_load %arg8[%parallel_loop3A_727, %parallel_loop3A_728] {strides = array<i32>} : memref<16x1024xf32, #tpu.memory_space<vmem>>, vector<1x16xf32>,
        %parallel_loop3A_730 = vector.shape_cast %parallel_loop3A_729 : vector<1x16xf32> to vector<16xf32>
        %parallel_loop3A_731 = vector.shape_cast %parallel_loop3A_726 : vector<16xf32> to vector<1x16xf32>
        tpu.vector_store %arg8[%parallel_loop3A_727, %parallel_loop3A_728], %parallel_loop3A_731 {add = true, strides = array<i32>} : memref<16x1024xf32, #tpu.memory_space<vmem>>, vector<1x16xf32>,
      } {sc.loop_unroll_factor = 8 : i64, sc.parallel_access}
    } {sc.loop_unroll_factor = 2 : i64, sc.parallel_access}
    %mul3A_378 = arith.constant 16 : i32
    %mul3A_379 = arith.muli %add3A, %mul3A_378 : i32
    %add3A_380 = arith.constant 7 : i32
    %add3A_381 = arith.addi %mul3A_379, %add3A_380 : i32
    %mul3A_382 = arith.constant 16 : i32
    %mul3A_383 = arith.muli %add3A_381, %mul3A_382 : i32
    %dma_start3A_384 = arith.constant 0 : i32
    %dma_start3A_385 = tpu.memref_slice %arg5[%mul3A_383, %dma_start3A_384] : memref<8192x1024xf32, #tpu.memory_space<hbm>> -> memref<16x1024xf32, #tpu.memory_space<hbm>>
    %dma_start3A_386 = arith.constant 0 : i32
    %dma_start3A_387 = tpu.memref_slice %arg5[%mul3A_383, %dma_start3A_386] : memref<8192x1024xf32, #tpu.memory_space<hbm>> -> memref<16x1024xf32, #tpu.memory_space<hbm>>
    tpu.enqueue_dma source(%arg8 : memref<16x1024xf32, #tpu.memory_space<vmem>>) target(%dma_start3A_387 : memref<16x1024xf32, #tpu.memory_space<hbm>>) target_semaphore(%arg15 : memref<!tpu.dma_semaphore, #tpu.memory_space<semaphore_mem>>)
    %dma_wait3A_388 = arith.constant 0 : i32
    %dma_wait3A_389 = tpu.memref_slice %arg5[%mul3A_383, %dma_wait3A_388] : memref<8192x1024xf32, #tpu.memory_space<hbm>> -> memref<16x1024xf32, #tpu.memory_space<hbm>>
    %dma_wait3A_390 = arith.constant 0 : i32
    %dma_wait3A_391 = tpu.memref_slice %arg5[%mul3A_383, %dma_wait3A_390] : memref<8192x1024xf32, #tpu.memory_space<hbm>> -> memref<16x1024xf32, #tpu.memory_space<hbm>>
    tpu.wait_dma2 semaphore(%arg15 : memref<!tpu.dma_semaphore, #tpu.memory_space<semaphore_mem>>) src(%arg8 : memref<16x1024xf32, #tpu.memory_space<vmem>>) dst(%dma_wait3A_391 : memref<16x1024xf32, #tpu.memory_space<hbm>>)
    %dma_start3A_392 = arith.constant 10 : i32
    %dma_start3A_393 = arith.constant 0 : i32
    %dma_start3A_394 = tpu.memref_slice %arg6[%dma_start3A_392, %dma_start3A_393] : memref<16x16xi32, #tpu.memory_space<vmem>> -> memref<1x16xi32, #tpu.memory_space<vmem>>
    %dma_start3A_395 = tpu.memref_squeeze %dma_start3A_394 : memref<1x16xi32, #tpu.memory_space<vmem>> -> memref<16xi32, #tpu.memory_space<vmem>>
    %dma_start3A_396 = arith.constant 0 : i32
    %dma_start3A_397 = arith.constant 0 : i32
    %dma_start3A_398 = tpu.memref_slice %arg4[%dma_start3A_396, %dma_start3A_397] : memref<2048x1024xf32, #tpu.memory_space<hbm>> -> memref<2048x1024xf32, #tpu.memory_space<hbm>>
    tpu.enqueue_indirect_dma source(%dma_start3A_398 : memref<2048x1024xf32, #tpu.memory_space<hbm>>) target(%arg11 : memref<16x1024xf32, #tpu.memory_space<vmem>>) offsets(%dma_start3A_395 : memref<16xi32, #tpu.memory_space<vmem>>) semaphore(%arg13 : memref<!tpu.dma_semaphore, #tpu.memory_space<semaphore_mem>>)
    %mul3A_399 = arith.constant 16 : i32
    %mul3A_400 = arith.muli %add3A, %mul3A_399 : i32
    %add3A_401 = arith.constant 10 : i32
    %add3A_402 = arith.addi %mul3A_400, %add3A_401 : i32
    %mul3A_403 = arith.constant 16 : i32
    %mul3A_404 = arith.muli %add3A_402, %mul3A_403 : i32
    %dma_start3A_405 = arith.constant 0 : i32
    %dma_start3A_406 = tpu.memref_slice %arg2[%mul3A_404, %dma_start3A_405] : memref<8192x1024xf32, #tpu.memory_space<hbm>> -> memref<16x1024xf32, #tpu.memory_space<hbm>>
    %dma_start3A_407 = arith.constant 0 : i32
    %dma_start3A_408 = tpu.memref_slice %arg2[%mul3A_404, %dma_start3A_407] : memref<8192x1024xf32, #tpu.memory_space<hbm>> -> memref<16x1024xf32, #tpu.memory_space<hbm>>
    tpu.enqueue_dma source(%dma_start3A_408 : memref<16x1024xf32, #tpu.memory_space<hbm>>) target(%arg8 : memref<16x1024xf32, #tpu.memory_space<vmem>>) target_semaphore(%arg14 : memref<!tpu.dma_semaphore, #tpu.memory_space<semaphore_mem>>)
    %dma_wait3A_409 = arith.constant 8 : i32
    %dma_wait3A_410 = arith.constant 0 : i32
    %dma_wait3A_411 = tpu.memref_slice %arg6[%dma_wait3A_409, %dma_wait3A_410] : memref<16x16xi32, #tpu.memory_space<vmem>> -> memref<1x16xi32, #tpu.memory_space<vmem>>
    %dma_wait3A_412 = tpu.memref_squeeze %dma_wait3A_411 : memref<1x16xi32, #tpu.memory_space<vmem>> -> memref<16xi32, #tpu.memory_space<vmem>>
    %dma_wait3A_413 = arith.constant 0 : i32
    %dma_wait3A_414 = arith.constant 0 : i32
    %dma_wait3A_415 = tpu.memref_slice %arg4[%dma_wait3A_413, %dma_wait3A_414] : memref<2048x1024xf32, #tpu.memory_space<hbm>> -> memref<2048x1024xf32, #tpu.memory_space<hbm>>
    tpu.wait_indirect_dma semaphore(%arg13 : memref<!tpu.dma_semaphore, #tpu.memory_space<semaphore_mem>>) src(%dma_wait3A_415 : memref<2048x1024xf32, #tpu.memory_space<hbm>>) dst(%arg12 : memref<16x1024xf32, #tpu.memory_space<vmem>>)
    %dma_wait3A_416 = arith.constant 0 : i32
    %dma_wait3A_417 = tpu.memref_slice %arg2[%mul3A_314, %dma_wait3A_416] : memref<8192x1024xf32, #tpu.memory_space<hbm>> -> memref<16x1024xf32, #tpu.memory_space<hbm>>
    %dma_wait3A_418 = arith.constant 0 : i32
    %dma_wait3A_419 = tpu.memref_slice %arg2[%mul3A_314, %dma_wait3A_418] : memref<8192x1024xf32, #tpu.memory_space<hbm>> -> memref<16x1024xf32, #tpu.memory_space<hbm>>
    tpu.wait_dma2 semaphore(%arg14 : memref<!tpu.dma_semaphore, #tpu.memory_space<semaphore_mem>>) src(%dma_wait3A_419 : memref<16x1024xf32, #tpu.memory_space<hbm>>) dst(%arg9 : memref<16x1024xf32, #tpu.memory_space<vmem>>)
    %parallel_loop3A_420 = arith.constant 0 : i32
    %parallel_loop3A_421 = arith.constant 16 : i32
    %parallel_loop3A_422 = arith.constant 1 : i32
    scf.for %parallel_loop3A_718 = %parallel_loop3A_420 to %parallel_loop3A_421 step %parallel_loop3A_422  : i32 {
      %parallel_loop3A_719 = arith.constant 0 : i32
      %parallel_loop3A_720 = arith.constant 1024 : i32
      %parallel_loop3A_721 = arith.constant 16 : i32
      scf.for %parallel_loop3A_722 = %parallel_loop3A_719 to %parallel_loop3A_720 step %parallel_loop3A_721  : i32 {
        %parallel_loop3A_723 = arith.index_cast %parallel_loop3A_718 : i32 to index
        %parallel_loop3A_724 = arith.index_cast %parallel_loop3A_722 : i32 to index
        %parallel_loop3A_725 = tpu.vector_load %arg12[%parallel_loop3A_723, %parallel_loop3A_724] {strides = array<i32>} : memref<16x1024xf32, #tpu.memory_space<vmem>>, vector<1x16xf32>,
        %parallel_loop3A_726 = vector.shape_cast %parallel_loop3A_725 : vector<1x16xf32> to vector<16xf32>
        %parallel_loop3A_727 = arith.index_cast %parallel_loop3A_718 : i32 to index
        %parallel_loop3A_728 = arith.index_cast %parallel_loop3A_722 : i32 to index
        %parallel_loop3A_729 = tpu.vector_load %arg9[%parallel_loop3A_727, %parallel_loop3A_728] {strides = array<i32>} : memref<16x1024xf32, #tpu.memory_space<vmem>>, vector<1x16xf32>,
        %parallel_loop3A_730 = vector.shape_cast %parallel_loop3A_729 : vector<1x16xf32> to vector<16xf32>
        %parallel_loop3A_731 = vector.shape_cast %parallel_loop3A_726 : vector<16xf32> to vector<1x16xf32>
        tpu.vector_store %arg9[%parallel_loop3A_727, %parallel_loop3A_728], %parallel_loop3A_731 {add = true, strides = array<i32>} : memref<16x1024xf32, #tpu.memory_space<vmem>>, vector<1x16xf32>,
      } {sc.loop_unroll_factor = 8 : i64, sc.parallel_access}
    } {sc.loop_unroll_factor = 2 : i64, sc.parallel_access}
    %mul3A_423 = arith.constant 16 : i32
    %mul3A_424 = arith.muli %add3A, %mul3A_423 : i32
    %add3A_425 = arith.constant 8 : i32
    %add3A_426 = arith.addi %mul3A_424, %add3A_425 : i32
    %mul3A_427 = arith.constant 16 : i32
    %mul3A_428 = arith.muli %add3A_426, %mul3A_427 : i32
    %dma_start3A_429 = arith.constant 0 : i32
    %dma_start3A_430 = tpu.memref_slice %arg5[%mul3A_428, %dma_start3A_429] : memref<8192x1024xf32, #tpu.memory_space<hbm>> -> memref<16x1024xf32, #tpu.memory_space<hbm>>
    %dma_start3A_431 = arith.constant 0 : i32
    %dma_start3A_432 = tpu.memref_slice %arg5[%mul3A_428, %dma_start3A_431] : memref<8192x1024xf32, #tpu.memory_space<hbm>> -> memref<16x1024xf32, #tpu.memory_space<hbm>>
    tpu.enqueue_dma source(%arg9 : memref<16x1024xf32, #tpu.memory_space<vmem>>) target(%dma_start3A_432 : memref<16x1024xf32, #tpu.memory_space<hbm>>) target_semaphore(%arg15 : memref<!tpu.dma_semaphore, #tpu.memory_space<semaphore_mem>>)
    %dma_wait3A_433 = arith.constant 0 : i32
    %dma_wait3A_434 = tpu.memref_slice %arg5[%mul3A_428, %dma_wait3A_433] : memref<8192x1024xf32, #tpu.memory_space<hbm>> -> memref<16x1024xf32, #tpu.memory_space<hbm>>
    %dma_wait3A_435 = arith.constant 0 : i32
    %dma_wait3A_436 = tpu.memref_slice %arg5[%mul3A_428, %dma_wait3A_435] : memref<8192x1024xf32, #tpu.memory_space<hbm>> -> memref<16x1024xf32, #tpu.memory_space<hbm>>
    tpu.wait_dma2 semaphore(%arg15 : memref<!tpu.dma_semaphore, #tpu.memory_space<semaphore_mem>>) src(%arg9 : memref<16x1024xf32, #tpu.memory_space<vmem>>) dst(%dma_wait3A_436 : memref<16x1024xf32, #tpu.memory_space<hbm>>)
    %dma_start3A_437 = arith.constant 11 : i32
    %dma_start3A_438 = arith.constant 0 : i32
    %dma_start3A_439 = tpu.memref_slice %arg6[%dma_start3A_437, %dma_start3A_438] : memref<16x16xi32, #tpu.memory_space<vmem>> -> memref<1x16xi32, #tpu.memory_space<vmem>>
    %dma_start3A_440 = tpu.memref_squeeze %dma_start3A_439 : memref<1x16xi32, #tpu.memory_space<vmem>> -> memref<16xi32, #tpu.memory_space<vmem>>
    %dma_start3A_441 = arith.constant 0 : i32
    %dma_start3A_442 = arith.constant 0 : i32
    %dma_start3A_443 = tpu.memref_slice %arg4[%dma_start3A_441, %dma_start3A_442] : memref<2048x1024xf32, #tpu.memory_space<hbm>> -> memref<2048x1024xf32, #tpu.memory_space<hbm>>
    tpu.enqueue_indirect_dma source(%dma_start3A_443 : memref<2048x1024xf32, #tpu.memory_space<hbm>>) target(%arg12 : memref<16x1024xf32, #tpu.memory_space<vmem>>) offsets(%dma_start3A_440 : memref<16xi32, #tpu.memory_space<vmem>>) semaphore(%arg13 : memref<!tpu.dma_semaphore, #tpu.memory_space<semaphore_mem>>)
    %mul3A_444 = arith.constant 16 : i32
    %mul3A_445 = arith.muli %add3A, %mul3A_444 : i32
    %add3A_446 = arith.constant 11 : i32
    %add3A_447 = arith.addi %mul3A_445, %add3A_446 : i32
    %mul3A_448 = arith.constant 16 : i32
    %mul3A_449 = arith.muli %add3A_447, %mul3A_448 : i32
    %dma_start3A_450 = arith.constant 0 : i32
    %dma_start3A_451 = tpu.memref_slice %arg2[%mul3A_449, %dma_start3A_450] : memref<8192x1024xf32, #tpu.memory_space<hbm>> -> memref<16x1024xf32, #tpu.memory_space<hbm>>
    %dma_start3A_452 = arith.constant 0 : i32
    %dma_start3A_453 = tpu.memref_slice %arg2[%mul3A_449, %dma_start3A_452] : memref<8192x1024xf32, #tpu.memory_space<hbm>> -> memref<16x1024xf32, #tpu.memory_space<hbm>>
    tpu.enqueue_dma source(%dma_start3A_453 : memref<16x1024xf32, #tpu.memory_space<hbm>>) target(%arg9 : memref<16x1024xf32, #tpu.memory_space<vmem>>) target_semaphore(%arg14 : memref<!tpu.dma_semaphore, #tpu.memory_space<semaphore_mem>>)
    %dma_wait3A_454 = arith.constant 9 : i32
    %dma_wait3A_455 = arith.constant 0 : i32
    %dma_wait3A_456 = tpu.memref_slice %arg6[%dma_wait3A_454, %dma_wait3A_455] : memref<16x16xi32, #tpu.memory_space<vmem>> -> memref<1x16xi32, #tpu.memory_space<vmem>>
    %dma_wait3A_457 = tpu.memref_squeeze %dma_wait3A_456 : memref<1x16xi32, #tpu.memory_space<vmem>> -> memref<16xi32, #tpu.memory_space<vmem>>
    %dma_wait3A_458 = arith.constant 0 : i32
    %dma_wait3A_459 = arith.constant 0 : i32
    %dma_wait3A_460 = tpu.memref_slice %arg4[%dma_wait3A_458, %dma_wait3A_459] : memref<2048x1024xf32, #tpu.memory_space<hbm>> -> memref<2048x1024xf32, #tpu.memory_space<hbm>>
    tpu.wait_indirect_dma semaphore(%arg13 : memref<!tpu.dma_semaphore, #tpu.memory_space<semaphore_mem>>) src(%dma_wait3A_460 : memref<2048x1024xf32, #tpu.memory_space<hbm>>) dst(%arg10 : memref<16x1024xf32, #tpu.memory_space<vmem>>)
    %dma_wait3A_461 = arith.constant 0 : i32
    %dma_wait3A_462 = tpu.memref_slice %arg2[%mul3A_359, %dma_wait3A_461] : memref<8192x1024xf32, #tpu.memory_space<hbm>> -> memref<16x1024xf32, #tpu.memory_space<hbm>>
    %dma_wait3A_463 = arith.constant 0 : i32
    %dma_wait3A_464 = tpu.memref_slice %arg2[%mul3A_359, %dma_wait3A_463] : memref<8192x1024xf32, #tpu.memory_space<hbm>> -> memref<16x1024xf32, #tpu.memory_space<hbm>>
    tpu.wait_dma2 semaphore(%arg14 : memref<!tpu.dma_semaphore, #tpu.memory_space<semaphore_mem>>) src(%dma_wait3A_464 : memref<16x1024xf32, #tpu.memory_space<hbm>>) dst(%arg7 : memref<16x1024xf32, #tpu.memory_space<vmem>>)
    %parallel_loop3A_465 = arith.constant 0 : i32
    %parallel_loop3A_466 = arith.constant 16 : i32
    %parallel_loop3A_467 = arith.constant 1 : i32
    scf.for %parallel_loop3A_718 = %parallel_loop3A_465 to %parallel_loop3A_466 step %parallel_loop3A_467  : i32 {
      %parallel_loop3A_719 = arith.constant 0 : i32
      %parallel_loop3A_720 = arith.constant 1024 : i32
      %parallel_loop3A_721 = arith.constant 16 : i32
      scf.for %parallel_loop3A_722 = %parallel_loop3A_719 to %parallel_loop3A_720 step %parallel_loop3A_721  : i32 {
        %parallel_loop3A_723 = arith.index_cast %parallel_loop3A_718 : i32 to index
        %parallel_loop3A_724 = arith.index_cast %parallel_loop3A_722 : i32 to index
        %parallel_loop3A_725 = tpu.vector_load %arg10[%parallel_loop3A_723, %parallel_loop3A_724] {strides = array<i32>} : memref<16x1024xf32, #tpu.memory_space<vmem>>, vector<1x16xf32>,
        %parallel_loop3A_726 = vector.shape_cast %parallel_loop3A_725 : vector<1x16xf32> to vector<16xf32>
        %parallel_loop3A_727 = arith.index_cast %parallel_loop3A_718 : i32 to index
        %parallel_loop3A_728 = arith.index_cast %parallel_loop3A_722 : i32 to index
        %parallel_loop3A_729 = tpu.vector_load %arg7[%parallel_loop3A_727, %parallel_loop3A_728] {strides = array<i32>} : memref<16x1024xf32, #tpu.memory_space<vmem>>, vector<1x16xf32>,
        %parallel_loop3A_730 = vector.shape_cast %parallel_loop3A_729 : vector<1x16xf32> to vector<16xf32>
        %parallel_loop3A_731 = vector.shape_cast %parallel_loop3A_726 : vector<16xf32> to vector<1x16xf32>
        tpu.vector_store %arg7[%parallel_loop3A_727, %parallel_loop3A_728], %parallel_loop3A_731 {add = true, strides = array<i32>} : memref<16x1024xf32, #tpu.memory_space<vmem>>, vector<1x16xf32>,
      } {sc.loop_unroll_factor = 8 : i64, sc.parallel_access}
    } {sc.loop_unroll_factor = 2 : i64, sc.parallel_access}
    %mul3A_468 = arith.constant 16 : i32
    %mul3A_469 = arith.muli %add3A, %mul3A_468 : i32
    %add3A_470 = arith.constant 9 : i32
    %add3A_471 = arith.addi %mul3A_469, %add3A_470 : i32
    %mul3A_472 = arith.constant 16 : i32
    %mul3A_473 = arith.muli %add3A_471, %mul3A_472 : i32
    %dma_start3A_474 = arith.constant 0 : i32
    %dma_start3A_475 = tpu.memref_slice %arg5[%mul3A_473, %dma_start3A_474] : memref<8192x1024xf32, #tpu.memory_space<hbm>> -> memref<16x1024xf32, #tpu.memory_space<hbm>>
    %dma_start3A_476 = arith.constant 0 : i32
    %dma_start3A_477 = tpu.memref_slice %arg5[%mul3A_473, %dma_start3A_476] : memref<8192x1024xf32, #tpu.memory_space<hbm>> -> memref<16x1024xf32, #tpu.memory_space<hbm>>
    tpu.enqueue_dma source(%arg7 : memref<16x1024xf32, #tpu.memory_space<vmem>>) target(%dma_start3A_477 : memref<16x1024xf32, #tpu.memory_space<hbm>>) target_semaphore(%arg15 : memref<!tpu.dma_semaphore, #tpu.memory_space<semaphore_mem>>)
    %dma_wait3A_478 = arith.constant 0 : i32
    %dma_wait3A_479 = tpu.memref_slice %arg5[%mul3A_473, %dma_wait3A_478] : memref<8192x1024xf32, #tpu.memory_space<hbm>> -> memref<16x1024xf32, #tpu.memory_space<hbm>>
    %dma_wait3A_480 = arith.constant 0 : i32
    %dma_wait3A_481 = tpu.memref_slice %arg5[%mul3A_473, %dma_wait3A_480] : memref<8192x1024xf32, #tpu.memory_space<hbm>> -> memref<16x1024xf32, #tpu.memory_space<hbm>>
    tpu.wait_dma2 semaphore(%arg15 : memref<!tpu.dma_semaphore, #tpu.memory_space<semaphore_mem>>) src(%arg7 : memref<16x1024xf32, #tpu.memory_space<vmem>>) dst(%dma_wait3A_481 : memref<16x1024xf32, #tpu.memory_space<hbm>>)
    %dma_start3A_482 = arith.constant 12 : i32
    %dma_start3A_483 = arith.constant 0 : i32
    %dma_start3A_484 = tpu.memref_slice %arg6[%dma_start3A_482, %dma_start3A_483] : memref<16x16xi32, #tpu.memory_space<vmem>> -> memref<1x16xi32, #tpu.memory_space<vmem>>
    %dma_start3A_485 = tpu.memref_squeeze %dma_start3A_484 : memref<1x16xi32, #tpu.memory_space<vmem>> -> memref<16xi32, #tpu.memory_space<vmem>>
    %dma_start3A_486 = arith.constant 0 : i32
    %dma_start3A_487 = arith.constant 0 : i32
    %dma_start3A_488 = tpu.memref_slice %arg4[%dma_start3A_486, %dma_start3A_487] : memref<2048x1024xf32, #tpu.memory_space<hbm>> -> memref<2048x1024xf32, #tpu.memory_space<hbm>>
    tpu.enqueue_indirect_dma source(%dma_start3A_488 : memref<2048x1024xf32, #tpu.memory_space<hbm>>) target(%arg10 : memref<16x1024xf32, #tpu.memory_space<vmem>>) offsets(%dma_start3A_485 : memref<16xi32, #tpu.memory_space<vmem>>) semaphore(%arg13 : memref<!tpu.dma_semaphore, #tpu.memory_space<semaphore_mem>>)
    %mul3A_489 = arith.constant 16 : i32
    %mul3A_490 = arith.muli %add3A, %mul3A_489 : i32
    %add3A_491 = arith.constant 12 : i32
    %add3A_492 = arith.addi %mul3A_490, %add3A_491 : i32
    %mul3A_493 = arith.constant 16 : i32
    %mul3A_494 = arith.muli %add3A_492, %mul3A_493 : i32
    %dma_start3A_495 = arith.constant 0 : i32
    %dma_start3A_496 = tpu.memref_slice %arg2[%mul3A_494, %dma_start3A_495] : memref<8192x1024xf32, #tpu.memory_space<hbm>> -> memref<16x1024xf32, #tpu.memory_space<hbm>>
    %dma_start3A_497 = arith.constant 0 : i32
    %dma_start3A_498 = tpu.memref_slice %arg2[%mul3A_494, %dma_start3A_497] : memref<8192x1024xf32, #tpu.memory_space<hbm>> -> memref<16x1024xf32, #tpu.memory_space<hbm>>
    tpu.enqueue_dma source(%dma_start3A_498 : memref<16x1024xf32, #tpu.memory_space<hbm>>) target(%arg7 : memref<16x1024xf32, #tpu.memory_space<vmem>>) target_semaphore(%arg14 : memref<!tpu.dma_semaphore, #tpu.memory_space<semaphore_mem>>)
    %dma_wait3A_499 = arith.constant 10 : i32
    %dma_wait3A_500 = arith.constant 0 : i32
    %dma_wait3A_501 = tpu.memref_slice %arg6[%dma_wait3A_499, %dma_wait3A_500] : memref<16x16xi32, #tpu.memory_space<vmem>> -> memref<1x16xi32, #tpu.memory_space<vmem>>
    %dma_wait3A_502 = tpu.memref_squeeze %dma_wait3A_501 : memref<1x16xi32, #tpu.memory_space<vmem>> -> memref<16xi32, #tpu.memory_space<vmem>>
    %dma_wait3A_503 = arith.constant 0 : i32
    %dma_wait3A_504 = arith.constant 0 : i32
    %dma_wait3A_505 = tpu.memref_slice %arg4[%dma_wait3A_503, %dma_wait3A_504] : memref<2048x1024xf32, #tpu.memory_space<hbm>> -> memref<2048x1024xf32, #tpu.memory_space<hbm>>
    tpu.wait_indirect_dma semaphore(%arg13 : memref<!tpu.dma_semaphore, #tpu.memory_space<semaphore_mem>>) src(%dma_wait3A_505 : memref<2048x1024xf32, #tpu.memory_space<hbm>>) dst(%arg11 : memref<16x1024xf32, #tpu.memory_space<vmem>>)
    %dma_wait3A_506 = arith.constant 0 : i32
    %dma_wait3A_507 = tpu.memref_slice %arg2[%mul3A_404, %dma_wait3A_506] : memref<8192x1024xf32, #tpu.memory_space<hbm>> -> memref<16x1024xf32, #tpu.memory_space<hbm>>
    %dma_wait3A_508 = arith.constant 0 : i32
    %dma_wait3A_509 = tpu.memref_slice %arg2[%mul3A_404, %dma_wait3A_508] : memref<8192x1024xf32, #tpu.memory_space<hbm>> -> memref<16x1024xf32, #tpu.memory_space<hbm>>
    tpu.wait_dma2 semaphore(%arg14 : memref<!tpu.dma_semaphore, #tpu.memory_space<semaphore_mem>>) src(%dma_wait3A_509 : memref<16x1024xf32, #tpu.memory_space<hbm>>) dst(%arg8 : memref<16x1024xf32, #tpu.memory_space<vmem>>)
    %parallel_loop3A_510 = arith.constant 0 : i32
    %parallel_loop3A_511 = arith.constant 16 : i32
    %parallel_loop3A_512 = arith.constant 1 : i32
    scf.for %parallel_loop3A_718 = %parallel_loop3A_510 to %parallel_loop3A_511 step %parallel_loop3A_512  : i32 {
      %parallel_loop3A_719 = arith.constant 0 : i32
      %parallel_loop3A_720 = arith.constant 1024 : i32
      %parallel_loop3A_721 = arith.constant 16 : i32
      scf.for %parallel_loop3A_722 = %parallel_loop3A_719 to %parallel_loop3A_720 step %parallel_loop3A_721  : i32 {
        %parallel_loop3A_723 = arith.index_cast %parallel_loop3A_718 : i32 to index
        %parallel_loop3A_724 = arith.index_cast %parallel_loop3A_722 : i32 to index
        %parallel_loop3A_725 = tpu.vector_load %arg11[%parallel_loop3A_723, %parallel_loop3A_724] {strides = array<i32>} : memref<16x1024xf32, #tpu.memory_space<vmem>>, vector<1x16xf32>,
        %parallel_loop3A_726 = vector.shape_cast %parallel_loop3A_725 : vector<1x16xf32> to vector<16xf32>
        %parallel_loop3A_727 = arith.index_cast %parallel_loop3A_718 : i32 to index
        %parallel_loop3A_728 = arith.index_cast %parallel_loop3A_722 : i32 to index
        %parallel_loop3A_729 = tpu.vector_load %arg8[%parallel_loop3A_727, %parallel_loop3A_728] {strides = array<i32>} : memref<16x1024xf32, #tpu.memory_space<vmem>>, vector<1x16xf32>,
        %parallel_loop3A_730 = vector.shape_cast %parallel_loop3A_729 : vector<1x16xf32> to vector<16xf32>
        %parallel_loop3A_731 = vector.shape_cast %parallel_loop3A_726 : vector<16xf32> to vector<1x16xf32>
        tpu.vector_store %arg8[%parallel_loop3A_727, %parallel_loop3A_728], %parallel_loop3A_731 {add = true, strides = array<i32>} : memref<16x1024xf32, #tpu.memory_space<vmem>>, vector<1x16xf32>,
      } {sc.loop_unroll_factor = 8 : i64, sc.parallel_access}
    } {sc.loop_unroll_factor = 2 : i64, sc.parallel_access}
    %mul3A_513 = arith.constant 16 : i32
    %mul3A_514 = arith.muli %add3A, %mul3A_513 : i32
    %add3A_515 = arith.constant 10 : i32
    %add3A_516 = arith.addi %mul3A_514, %add3A_515 : i32
    %mul3A_517 = arith.constant 16 : i32
    %mul3A_518 = arith.muli %add3A_516, %mul3A_517 : i32
    %dma_start3A_519 = arith.constant 0 : i32
    %dma_start3A_520 = tpu.memref_slice %arg5[%mul3A_518, %dma_start3A_519] : memref<8192x1024xf32, #tpu.memory_space<hbm>> -> memref<16x1024xf32, #tpu.memory_space<hbm>>
    %dma_start3A_521 = arith.constant 0 : i32
    %dma_start3A_522 = tpu.memref_slice %arg5[%mul3A_518, %dma_start3A_521] : memref<8192x1024xf32, #tpu.memory_space<hbm>> -> memref<16x1024xf32, #tpu.memory_space<hbm>>
    tpu.enqueue_dma source(%arg8 : memref<16x1024xf32, #tpu.memory_space<vmem>>) target(%dma_start3A_522 : memref<16x1024xf32, #tpu.memory_space<hbm>>) target_semaphore(%arg15 : memref<!tpu.dma_semaphore, #tpu.memory_space<semaphore_mem>>)
    %dma_wait3A_523 = arith.constant 0 : i32
    %dma_wait3A_524 = tpu.memref_slice %arg5[%mul3A_518, %dma_wait3A_523] : memref<8192x1024xf32, #tpu.memory_space<hbm>> -> memref<16x1024xf32, #tpu.memory_space<hbm>>
    %dma_wait3A_525 = arith.constant 0 : i32
    %dma_wait3A_526 = tpu.memref_slice %arg5[%mul3A_518, %dma_wait3A_525] : memref<8192x1024xf32, #tpu.memory_space<hbm>> -> memref<16x1024xf32, #tpu.memory_space<hbm>>
    tpu.wait_dma2 semaphore(%arg15 : memref<!tpu.dma_semaphore, #tpu.memory_space<semaphore_mem>>) src(%arg8 : memref<16x1024xf32, #tpu.memory_space<vmem>>) dst(%dma_wait3A_526 : memref<16x1024xf32, #tpu.memory_space<hbm>>)
    %dma_start3A_527 = arith.constant 13 : i32
    %dma_start3A_528 = arith.constant 0 : i32
    %dma_start3A_529 = tpu.memref_slice %arg6[%dma_start3A_527, %dma_start3A_528] : memref<16x16xi32, #tpu.memory_space<vmem>> -> memref<1x16xi32, #tpu.memory_space<vmem>>
    %dma_start3A_530 = tpu.memref_squeeze %dma_start3A_529 : memref<1x16xi32, #tpu.memory_space<vmem>> -> memref<16xi32, #tpu.memory_space<vmem>>
    %dma_start3A_531 = arith.constant 0 : i32
    %dma_start3A_532 = arith.constant 0 : i32
    %dma_start3A_533 = tpu.memref_slice %arg4[%dma_start3A_531, %dma_start3A_532] : memref<2048x1024xf32, #tpu.memory_space<hbm>> -> memref<2048x1024xf32, #tpu.memory_space<hbm>>
    tpu.enqueue_indirect_dma source(%dma_start3A_533 : memref<2048x1024xf32, #tpu.memory_space<hbm>>) target(%arg11 : memref<16x1024xf32, #tpu.memory_space<vmem>>) offsets(%dma_start3A_530 : memref<16xi32, #tpu.memory_space<vmem>>) semaphore(%arg13 : memref<!tpu.dma_semaphore, #tpu.memory_space<semaphore_mem>>)
    %mul3A_534 = arith.constant 16 : i32
    %mul3A_535 = arith.muli %add3A, %mul3A_534 : i32
    %add3A_536 = arith.constant 13 : i32
    %add3A_537 = arith.addi %mul3A_535, %add3A_536 : i32
    %mul3A_538 = arith.constant 16 : i32
    %mul3A_539 = arith.muli %add3A_537, %mul3A_538 : i32
    %dma_start3A_540 = arith.constant 0 : i32
    %dma_start3A_541 = tpu.memref_slice %arg2[%mul3A_539, %dma_start3A_540] : memref<8192x1024xf32, #tpu.memory_space<hbm>> -> memref<16x1024xf32, #tpu.memory_space<hbm>>
    %dma_start3A_542 = arith.constant 0 : i32
    %dma_start3A_543 = tpu.memref_slice %arg2[%mul3A_539, %dma_start3A_542] : memref<8192x1024xf32, #tpu.memory_space<hbm>> -> memref<16x1024xf32, #tpu.memory_space<hbm>>
    tpu.enqueue_dma source(%dma_start3A_543 : memref<16x1024xf32, #tpu.memory_space<hbm>>) target(%arg8 : memref<16x1024xf32, #tpu.memory_space<vmem>>) target_semaphore(%arg14 : memref<!tpu.dma_semaphore, #tpu.memory_space<semaphore_mem>>)
    %dma_wait3A_544 = arith.constant 11 : i32
    %dma_wait3A_545 = arith.constant 0 : i32
    %dma_wait3A_546 = tpu.memref_slice %arg6[%dma_wait3A_544, %dma_wait3A_545] : memref<16x16xi32, #tpu.memory_space<vmem>> -> memref<1x16xi32, #tpu.memory_space<vmem>>
    %dma_wait3A_547 = tpu.memref_squeeze %dma_wait3A_546 : memref<1x16xi32, #tpu.memory_space<vmem>> -> memref<16xi32, #tpu.memory_space<vmem>>
    %dma_wait3A_548 = arith.constant 0 : i32
    %dma_wait3A_549 = arith.constant 0 : i32
    %dma_wait3A_550 = tpu.memref_slice %arg4[%dma_wait3A_548, %dma_wait3A_549] : memref<2048x1024xf32, #tpu.memory_space<hbm>> -> memref<2048x1024xf32, #tpu.memory_space<hbm>>
    tpu.wait_indirect_dma semaphore(%arg13 : memref<!tpu.dma_semaphore, #tpu.memory_space<semaphore_mem>>) src(%dma_wait3A_550 : memref<2048x1024xf32, #tpu.memory_space<hbm>>) dst(%arg12 : memref<16x1024xf32, #tpu.memory_space<vmem>>)
    %dma_wait3A_551 = arith.constant 0 : i32
    %dma_wait3A_552 = tpu.memref_slice %arg2[%mul3A_449, %dma_wait3A_551] : memref<8192x1024xf32, #tpu.memory_space<hbm>> -> memref<16x1024xf32, #tpu.memory_space<hbm>>
    %dma_wait3A_553 = arith.constant 0 : i32
    %dma_wait3A_554 = tpu.memref_slice %arg2[%mul3A_449, %dma_wait3A_553] : memref<8192x1024xf32, #tpu.memory_space<hbm>> -> memref<16x1024xf32, #tpu.memory_space<hbm>>
    tpu.wait_dma2 semaphore(%arg14 : memref<!tpu.dma_semaphore, #tpu.memory_space<semaphore_mem>>) src(%dma_wait3A_554 : memref<16x1024xf32, #tpu.memory_space<hbm>>) dst(%arg9 : memref<16x1024xf32, #tpu.memory_space<vmem>>)
    %parallel_loop3A_555 = arith.constant 0 : i32
    %parallel_loop3A_556 = arith.constant 16 : i32
    %parallel_loop3A_557 = arith.constant 1 : i32
    scf.for %parallel_loop3A_718 = %parallel_loop3A_555 to %parallel_loop3A_556 step %parallel_loop3A_557  : i32 {
      %parallel_loop3A_719 = arith.constant 0 : i32
      %parallel_loop3A_720 = arith.constant 1024 : i32
      %parallel_loop3A_721 = arith.constant 16 : i32
      scf.for %parallel_loop3A_722 = %parallel_loop3A_719 to %parallel_loop3A_720 step %parallel_loop3A_721  : i32 {
        %parallel_loop3A_723 = arith.index_cast %parallel_loop3A_718 : i32 to index
        %parallel_loop3A_724 = arith.index_cast %parallel_loop3A_722 : i32 to index
        %parallel_loop3A_725 = tpu.vector_load %arg12[%parallel_loop3A_723, %parallel_loop3A_724] {strides = array<i32>} : memref<16x1024xf32, #tpu.memory_space<vmem>>, vector<1x16xf32>,
        %parallel_loop3A_726 = vector.shape_cast %parallel_loop3A_725 : vector<1x16xf32> to vector<16xf32>
        %parallel_loop3A_727 = arith.index_cast %parallel_loop3A_718 : i32 to index
        %parallel_loop3A_728 = arith.index_cast %parallel_loop3A_722 : i32 to index
        %parallel_loop3A_729 = tpu.vector_load %arg9[%parallel_loop3A_727, %parallel_loop3A_728] {strides = array<i32>} : memref<16x1024xf32, #tpu.memory_space<vmem>>, vector<1x16xf32>,
        %parallel_loop3A_730 = vector.shape_cast %parallel_loop3A_729 : vector<1x16xf32> to vector<16xf32>
        %parallel_loop3A_731 = vector.shape_cast %parallel_loop3A_726 : vector<16xf32> to vector<1x16xf32>
        tpu.vector_store %arg9[%parallel_loop3A_727, %parallel_loop3A_728], %parallel_loop3A_731 {add = true, strides = array<i32>} : memref<16x1024xf32, #tpu.memory_space<vmem>>, vector<1x16xf32>,
      } {sc.loop_unroll_factor = 8 : i64, sc.parallel_access}
    } {sc.loop_unroll_factor = 2 : i64, sc.parallel_access}
    %mul3A_558 = arith.constant 16 : i32
    %mul3A_559 = arith.muli %add3A, %mul3A_558 : i32
    %add3A_560 = arith.constant 11 : i32
    %add3A_561 = arith.addi %mul3A_559, %add3A_560 : i32
    %mul3A_562 = arith.constant 16 : i32
    %mul3A_563 = arith.muli %add3A_561, %mul3A_562 : i32
    %dma_start3A_564 = arith.constant 0 : i32
    %dma_start3A_565 = tpu.memref_slice %arg5[%mul3A_563, %dma_start3A_564] : memref<8192x1024xf32, #tpu.memory_space<hbm>> -> memref<16x1024xf32, #tpu.memory_space<hbm>>
    %dma_start3A_566 = arith.constant 0 : i32
    %dma_start3A_567 = tpu.memref_slice %arg5[%mul3A_563, %dma_start3A_566] : memref<8192x1024xf32, #tpu.memory_space<hbm>> -> memref<16x1024xf32, #tpu.memory_space<hbm>>
    tpu.enqueue_dma source(%arg9 : memref<16x1024xf32, #tpu.memory_space<vmem>>) target(%dma_start3A_567 : memref<16x1024xf32, #tpu.memory_space<hbm>>) target_semaphore(%arg15 : memref<!tpu.dma_semaphore, #tpu.memory_space<semaphore_mem>>)
    %dma_wait3A_568 = arith.constant 0 : i32
    %dma_wait3A_569 = tpu.memref_slice %arg5[%mul3A_563, %dma_wait3A_568] : memref<8192x1024xf32, #tpu.memory_space<hbm>> -> memref<16x1024xf32, #tpu.memory_space<hbm>>
    %dma_wait3A_570 = arith.constant 0 : i32
    %dma_wait3A_571 = tpu.memref_slice %arg5[%mul3A_563, %dma_wait3A_570] : memref<8192x1024xf32, #tpu.memory_space<hbm>> -> memref<16x1024xf32, #tpu.memory_space<hbm>>
    tpu.wait_dma2 semaphore(%arg15 : memref<!tpu.dma_semaphore, #tpu.memory_space<semaphore_mem>>) src(%arg9 : memref<16x1024xf32, #tpu.memory_space<vmem>>) dst(%dma_wait3A_571 : memref<16x1024xf32, #tpu.memory_space<hbm>>)
    %dma_start3A_572 = arith.constant 14 : i32
    %dma_start3A_573 = arith.constant 0 : i32
    %dma_start3A_574 = tpu.memref_slice %arg6[%dma_start3A_572, %dma_start3A_573] : memref<16x16xi32, #tpu.memory_space<vmem>> -> memref<1x16xi32, #tpu.memory_space<vmem>>
    %dma_start3A_575 = tpu.memref_squeeze %dma_start3A_574 : memref<1x16xi32, #tpu.memory_space<vmem>> -> memref<16xi32, #tpu.memory_space<vmem>>
    %dma_start3A_576 = arith.constant 0 : i32
    %dma_start3A_577 = arith.constant 0 : i32
    %dma_start3A_578 = tpu.memref_slice %arg4[%dma_start3A_576, %dma_start3A_577] : memref<2048x1024xf32, #tpu.memory_space<hbm>> -> memref<2048x1024xf32, #tpu.memory_space<hbm>>
    tpu.enqueue_indirect_dma source(%dma_start3A_578 : memref<2048x1024xf32, #tpu.memory_space<hbm>>) target(%arg12 : memref<16x1024xf32, #tpu.memory_space<vmem>>) offsets(%dma_start3A_575 : memref<16xi32, #tpu.memory_space<vmem>>) semaphore(%arg13 : memref<!tpu.dma_semaphore, #tpu.memory_space<semaphore_mem>>)
    %mul3A_579 = arith.constant 16 : i32
    %mul3A_580 = arith.muli %add3A, %mul3A_579 : i32
    %add3A_581 = arith.constant 14 : i32
    %add3A_582 = arith.addi %mul3A_580, %add3A_581 : i32
    %mul3A_583 = arith.constant 16 : i32
    %mul3A_584 = arith.muli %add3A_582, %mul3A_583 : i32
    %dma_start3A_585 = arith.constant 0 : i32
    %dma_start3A_586 = tpu.memref_slice %arg2[%mul3A_584, %dma_start3A_585] : memref<8192x1024xf32, #tpu.memory_space<hbm>> -> memref<16x1024xf32, #tpu.memory_space<hbm>>
    %dma_start3A_587 = arith.constant 0 : i32
    %dma_start3A_588 = tpu.memref_slice %arg2[%mul3A_584, %dma_start3A_587] : memref<8192x1024xf32, #tpu.memory_space<hbm>> -> memref<16x1024xf32, #tpu.memory_space<hbm>>
    tpu.enqueue_dma source(%dma_start3A_588 : memref<16x1024xf32, #tpu.memory_space<hbm>>) target(%arg9 : memref<16x1024xf32, #tpu.memory_space<vmem>>) target_semaphore(%arg14 : memref<!tpu.dma_semaphore, #tpu.memory_space<semaphore_mem>>)
    %dma_wait3A_589 = arith.constant 12 : i32
    %dma_wait3A_590 = arith.constant 0 : i32
    %dma_wait3A_591 = tpu.memref_slice %arg6[%dma_wait3A_589, %dma_wait3A_590] : memref<16x16xi32, #tpu.memory_space<vmem>> -> memref<1x16xi32, #tpu.memory_space<vmem>>
    %dma_wait3A_592 = tpu.memref_squeeze %dma_wait3A_591 : memref<1x16xi32, #tpu.memory_space<vmem>> -> memref<16xi32, #tpu.memory_space<vmem>>
    %dma_wait3A_593 = arith.constant 0 : i32
    %dma_wait3A_594 = arith.constant 0 : i32
    %dma_wait3A_595 = tpu.memref_slice %arg4[%dma_wait3A_593, %dma_wait3A_594] : memref<2048x1024xf32, #tpu.memory_space<hbm>> -> memref<2048x1024xf32, #tpu.memory_space<hbm>>
    tpu.wait_indirect_dma semaphore(%arg13 : memref<!tpu.dma_semaphore, #tpu.memory_space<semaphore_mem>>) src(%dma_wait3A_595 : memref<2048x1024xf32, #tpu.memory_space<hbm>>) dst(%arg10 : memref<16x1024xf32, #tpu.memory_space<vmem>>)
    %dma_wait3A_596 = arith.constant 0 : i32
    %dma_wait3A_597 = tpu.memref_slice %arg2[%mul3A_494, %dma_wait3A_596] : memref<8192x1024xf32, #tpu.memory_space<hbm>> -> memref<16x1024xf32, #tpu.memory_space<hbm>>
    %dma_wait3A_598 = arith.constant 0 : i32
    %dma_wait3A_599 = tpu.memref_slice %arg2[%mul3A_494, %dma_wait3A_598] : memref<8192x1024xf32, #tpu.memory_space<hbm>> -> memref<16x1024xf32, #tpu.memory_space<hbm>>
    tpu.wait_dma2 semaphore(%arg14 : memref<!tpu.dma_semaphore, #tpu.memory_space<semaphore_mem>>) src(%dma_wait3A_599 : memref<16x1024xf32, #tpu.memory_space<hbm>>) dst(%arg7 : memref<16x1024xf32, #tpu.memory_space<vmem>>)
    %parallel_loop3A_600 = arith.constant 0 : i32
    %parallel_loop3A_601 = arith.constant 16 : i32
    %parallel_loop3A_602 = arith.constant 1 : i32
    scf.for %parallel_loop3A_718 = %parallel_loop3A_600 to %parallel_loop3A_601 step %parallel_loop3A_602  : i32 {
      %parallel_loop3A_719 = arith.constant 0 : i32
      %parallel_loop3A_720 = arith.constant 1024 : i32
      %parallel_loop3A_721 = arith.constant 16 : i32
      scf.for %parallel_loop3A_722 = %parallel_loop3A_719 to %parallel_loop3A_720 step %parallel_loop3A_721  : i32 {
        %parallel_loop3A_723 = arith.index_cast %parallel_loop3A_718 : i32 to index
        %parallel_loop3A_724 = arith.index_cast %parallel_loop3A_722 : i32 to index
        %parallel_loop3A_725 = tpu.vector_load %arg10[%parallel_loop3A_723, %parallel_loop3A_724] {strides = array<i32>} : memref<16x1024xf32, #tpu.memory_space<vmem>>, vector<1x16xf32>,
        %parallel_loop3A_726 = vector.shape_cast %parallel_loop3A_725 : vector<1x16xf32> to vector<16xf32>
        %parallel_loop3A_727 = arith.index_cast %parallel_loop3A_718 : i32 to index
        %parallel_loop3A_728 = arith.index_cast %parallel_loop3A_722 : i32 to index
        %parallel_loop3A_729 = tpu.vector_load %arg7[%parallel_loop3A_727, %parallel_loop3A_728] {strides = array<i32>} : memref<16x1024xf32, #tpu.memory_space<vmem>>, vector<1x16xf32>,
        %parallel_loop3A_730 = vector.shape_cast %parallel_loop3A_729 : vector<1x16xf32> to vector<16xf32>
        %parallel_loop3A_731 = vector.shape_cast %parallel_loop3A_726 : vector<16xf32> to vector<1x16xf32>
        tpu.vector_store %arg7[%parallel_loop3A_727, %parallel_loop3A_728], %parallel_loop3A_731 {add = true, strides = array<i32>} : memref<16x1024xf32, #tpu.memory_space<vmem>>, vector<1x16xf32>,
      } {sc.loop_unroll_factor = 8 : i64, sc.parallel_access}
    } {sc.loop_unroll_factor = 2 : i64, sc.parallel_access}
    %mul3A_603 = arith.constant 16 : i32
    %mul3A_604 = arith.muli %add3A, %mul3A_603 : i32
    %add3A_605 = arith.constant 12 : i32
    %add3A_606 = arith.addi %mul3A_604, %add3A_605 : i32
    %mul3A_607 = arith.constant 16 : i32
    %mul3A_608 = arith.muli %add3A_606, %mul3A_607 : i32
    %dma_start3A_609 = arith.constant 0 : i32
    %dma_start3A_610 = tpu.memref_slice %arg5[%mul3A_608, %dma_start3A_609] : memref<8192x1024xf32, #tpu.memory_space<hbm>> -> memref<16x1024xf32, #tpu.memory_space<hbm>>
    %dma_start3A_611 = arith.constant 0 : i32
    %dma_start3A_612 = tpu.memref_slice %arg5[%mul3A_608, %dma_start3A_611] : memref<8192x1024xf32, #tpu.memory_space<hbm>> -> memref<16x1024xf32, #tpu.memory_space<hbm>>
    tpu.enqueue_dma source(%arg7 : memref<16x1024xf32, #tpu.memory_space<vmem>>) target(%dma_start3A_612 : memref<16x1024xf32, #tpu.memory_space<hbm>>) target_semaphore(%arg15 : memref<!tpu.dma_semaphore, #tpu.memory_space<semaphore_mem>>)
    %dma_wait3A_613 = arith.constant 0 : i32
    %dma_wait3A_614 = tpu.memref_slice %arg5[%mul3A_608, %dma_wait3A_613] : memref<8192x1024xf32, #tpu.memory_space<hbm>> -> memref<16x1024xf32, #tpu.memory_space<hbm>>
    %dma_wait3A_615 = arith.constant 0 : i32
    %dma_wait3A_616 = tpu.memref_slice %arg5[%mul3A_608, %dma_wait3A_615] : memref<8192x1024xf32, #tpu.memory_space<hbm>> -> memref<16x1024xf32, #tpu.memory_space<hbm>>
    tpu.wait_dma2 semaphore(%arg15 : memref<!tpu.dma_semaphore, #tpu.memory_space<semaphore_mem>>) src(%arg7 : memref<16x1024xf32, #tpu.memory_space<vmem>>) dst(%dma_wait3A_616 : memref<16x1024xf32, #tpu.memory_space<hbm>>)
    %dma_start3A_617 = arith.constant 15 : i32
    %dma_start3A_618 = arith.constant 0 : i32
    %dma_start3A_619 = tpu.memref_slice %arg6[%dma_start3A_617, %dma_start3A_618] : memref<16x16xi32, #tpu.memory_space<vmem>> -> memref<1x16xi32, #tpu.memory_space<vmem>>
    %dma_start3A_620 = tpu.memref_squeeze %dma_start3A_619 : memref<1x16xi32, #tpu.memory_space<vmem>> -> memref<16xi32, #tpu.memory_space<vmem>>
    %dma_start3A_621 = arith.constant 0 : i32
    %dma_start3A_622 = arith.constant 0 : i32
    %dma_start3A_623 = tpu.memref_slice %arg4[%dma_start3A_621, %dma_start3A_622] : memref<2048x1024xf32, #tpu.memory_space<hbm>> -> memref<2048x1024xf32, #tpu.memory_space<hbm>>
    tpu.enqueue_indirect_dma source(%dma_start3A_623 : memref<2048x1024xf32, #tpu.memory_space<hbm>>) target(%arg10 : memref<16x1024xf32, #tpu.memory_space<vmem>>) offsets(%dma_start3A_620 : memref<16xi32, #tpu.memory_space<vmem>>) semaphore(%arg13 : memref<!tpu.dma_semaphore, #tpu.memory_space<semaphore_mem>>)
    %mul3A_624 = arith.constant 16 : i32
    %mul3A_625 = arith.muli %add3A, %mul3A_624 : i32
    %add3A_626 = arith.constant 15 : i32
    %add3A_627 = arith.addi %mul3A_625, %add3A_626 : i32
    %mul3A_628 = arith.constant 16 : i32
    %mul3A_629 = arith.muli %add3A_627, %mul3A_628 : i32
    %dma_start3A_630 = arith.constant 0 : i32
    %dma_start3A_631 = tpu.memref_slice %arg2[%mul3A_629, %dma_start3A_630] : memref<8192x1024xf32, #tpu.memory_space<hbm>> -> memref<16x1024xf32, #tpu.memory_space<hbm>>
    %dma_start3A_632 = arith.constant 0 : i32
    %dma_start3A_633 = tpu.memref_slice %arg2[%mul3A_629, %dma_start3A_632] : memref<8192x1024xf32, #tpu.memory_space<hbm>> -> memref<16x1024xf32, #tpu.memory_space<hbm>>
    tpu.enqueue_dma source(%dma_start3A_633 : memref<16x1024xf32, #tpu.memory_space<hbm>>) target(%arg7 : memref<16x1024xf32, #tpu.memory_space<vmem>>) target_semaphore(%arg14 : memref<!tpu.dma_semaphore, #tpu.memory_space<semaphore_mem>>)
    %dma_wait3A_634 = arith.constant 13 : i32
    %dma_wait3A_635 = arith.constant 0 : i32
    %dma_wait3A_636 = tpu.memref_slice %arg6[%dma_wait3A_634, %dma_wait3A_635] : memref<16x16xi32, #tpu.memory_space<vmem>> -> memref<1x16xi32, #tpu.memory_space<vmem>>
    %dma_wait3A_637 = tpu.memref_squeeze %dma_wait3A_636 : memref<1x16xi32, #tpu.memory_space<vmem>> -> memref<16xi32, #tpu.memory_space<vmem>>
    %dma_wait3A_638 = arith.constant 0 : i32
    %dma_wait3A_639 = arith.constant 0 : i32
    %dma_wait3A_640 = tpu.memref_slice %arg4[%dma_wait3A_638, %dma_wait3A_639] : memref<2048x1024xf32, #tpu.memory_space<hbm>> -> memref<2048x1024xf32, #tpu.memory_space<hbm>>
    tpu.wait_indirect_dma semaphore(%arg13 : memref<!tpu.dma_semaphore, #tpu.memory_space<semaphore_mem>>) src(%dma_wait3A_640 : memref<2048x1024xf32, #tpu.memory_space<hbm>>) dst(%arg11 : memref<16x1024xf32, #tpu.memory_space<vmem>>)
    %dma_wait3A_641 = arith.constant 0 : i32
    %dma_wait3A_642 = tpu.memref_slice %arg2[%mul3A_539, %dma_wait3A_641] : memref<8192x1024xf32, #tpu.memory_space<hbm>> -> memref<16x1024xf32, #tpu.memory_space<hbm>>
    %dma_wait3A_643 = arith.constant 0 : i32
    %dma_wait3A_644 = tpu.memref_slice %arg2[%mul3A_539, %dma_wait3A_643] : memref<8192x1024xf32, #tpu.memory_space<hbm>> -> memref<16x1024xf32, #tpu.memory_space<hbm>>
    tpu.wait_dma2 semaphore(%arg14 : memref<!tpu.dma_semaphore, #tpu.memory_space<semaphore_mem>>) src(%dma_wait3A_644 : memref<16x1024xf32, #tpu.memory_space<hbm>>) dst(%arg8 : memref<16x1024xf32, #tpu.memory_space<vmem>>)
    %parallel_loop3A_645 = arith.constant 0 : i32
    %parallel_loop3A_646 = arith.constant 16 : i32
    %parallel_loop3A_647 = arith.constant 1 : i32
    scf.for %parallel_loop3A_718 = %parallel_loop3A_645 to %parallel_loop3A_646 step %parallel_loop3A_647  : i32 {
      %parallel_loop3A_719 = arith.constant 0 : i32
      %parallel_loop3A_720 = arith.constant 1024 : i32
      %parallel_loop3A_721 = arith.constant 16 : i32
      scf.for %parallel_loop3A_722 = %parallel_loop3A_719 to %parallel_loop3A_720 step %parallel_loop3A_721  : i32 {
        %parallel_loop3A_723 = arith.index_cast %parallel_loop3A_718 : i32 to index
        %parallel_loop3A_724 = arith.index_cast %parallel_loop3A_722 : i32 to index
        %parallel_loop3A_725 = tpu.vector_load %arg11[%parallel_loop3A_723, %parallel_loop3A_724] {strides = array<i32>} : memref<16x1024xf32, #tpu.memory_space<vmem>>, vector<1x16xf32>,
        %parallel_loop3A_726 = vector.shape_cast %parallel_loop3A_725 : vector<1x16xf32> to vector<16xf32>
        %parallel_loop3A_727 = arith.index_cast %parallel_loop3A_718 : i32 to index
        %parallel_loop3A_728 = arith.index_cast %parallel_loop3A_722 : i32 to index
        %parallel_loop3A_729 = tpu.vector_load %arg8[%parallel_loop3A_727, %parallel_loop3A_728] {strides = array<i32>} : memref<16x1024xf32, #tpu.memory_space<vmem>>, vector<1x16xf32>,
        %parallel_loop3A_730 = vector.shape_cast %parallel_loop3A_729 : vector<1x16xf32> to vector<16xf32>
        %parallel_loop3A_731 = vector.shape_cast %parallel_loop3A_726 : vector<16xf32> to vector<1x16xf32>
        tpu.vector_store %arg8[%parallel_loop3A_727, %parallel_loop3A_728], %parallel_loop3A_731 {add = true, strides = array<i32>} : memref<16x1024xf32, #tpu.memory_space<vmem>>, vector<1x16xf32>,
      } {sc.loop_unroll_factor = 8 : i64, sc.parallel_access}
    } {sc.loop_unroll_factor = 2 : i64, sc.parallel_access}
    %mul3A_648 = arith.constant 16 : i32
    %mul3A_649 = arith.muli %add3A, %mul3A_648 : i32
    %add3A_650 = arith.constant 13 : i32
    %add3A_651 = arith.addi %mul3A_649, %add3A_650 : i32
    %mul3A_652 = arith.constant 16 : i32
    %mul3A_653 = arith.muli %add3A_651, %mul3A_652 : i32
    %dma_start3A_654 = arith.constant 0 : i32
    %dma_start3A_655 = tpu.memref_slice %arg5[%mul3A_653, %dma_start3A_654] : memref<8192x1024xf32, #tpu.memory_space<hbm>> -> memref<16x1024xf32, #tpu.memory_space<hbm>>
    %dma_start3A_656 = arith.constant 0 : i32
    %dma_start3A_657 = tpu.memref_slice %arg5[%mul3A_653, %dma_start3A_656] : memref<8192x1024xf32, #tpu.memory_space<hbm>> -> memref<16x1024xf32, #tpu.memory_space<hbm>>
    tpu.enqueue_dma source(%arg8 : memref<16x1024xf32, #tpu.memory_space<vmem>>) target(%dma_start3A_657 : memref<16x1024xf32, #tpu.memory_space<hbm>>) target_semaphore(%arg15 : memref<!tpu.dma_semaphore, #tpu.memory_space<semaphore_mem>>)
    %dma_wait3A_658 = arith.constant 14 : i32
    %dma_wait3A_659 = arith.constant 0 : i32
    %dma_wait3A_660 = tpu.memref_slice %arg6[%dma_wait3A_658, %dma_wait3A_659] : memref<16x16xi32, #tpu.memory_space<vmem>> -> memref<1x16xi32, #tpu.memory_space<vmem>>
    %dma_wait3A_661 = tpu.memref_squeeze %dma_wait3A_660 : memref<1x16xi32, #tpu.memory_space<vmem>> -> memref<16xi32, #tpu.memory_space<vmem>>
    %dma_wait3A_662 = arith.constant 0 : i32
    %dma_wait3A_663 = arith.constant 0 : i32
    %dma_wait3A_664 = tpu.memref_slice %arg4[%dma_wait3A_662, %dma_wait3A_663] : memref<2048x1024xf32, #tpu.memory_space<hbm>> -> memref<2048x1024xf32, #tpu.memory_space<hbm>>
    tpu.wait_indirect_dma semaphore(%arg13 : memref<!tpu.dma_semaphore, #tpu.memory_space<semaphore_mem>>) src(%dma_wait3A_664 : memref<2048x1024xf32, #tpu.memory_space<hbm>>) dst(%arg12 : memref<16x1024xf32, #tpu.memory_space<vmem>>)
    %dma_wait3A_665 = arith.constant 0 : i32
    %dma_wait3A_666 = tpu.memref_slice %arg2[%mul3A_584, %dma_wait3A_665] : memref<8192x1024xf32, #tpu.memory_space<hbm>> -> memref<16x1024xf32, #tpu.memory_space<hbm>>
    %dma_wait3A_667 = arith.constant 0 : i32
    %dma_wait3A_668 = tpu.memref_slice %arg2[%mul3A_584, %dma_wait3A_667] : memref<8192x1024xf32, #tpu.memory_space<hbm>> -> memref<16x1024xf32, #tpu.memory_space<hbm>>
    tpu.wait_dma2 semaphore(%arg14 : memref<!tpu.dma_semaphore, #tpu.memory_space<semaphore_mem>>) src(%dma_wait3A_668 : memref<16x1024xf32, #tpu.memory_space<hbm>>) dst(%arg9 : memref<16x1024xf32, #tpu.memory_space<vmem>>)
    %parallel_loop3A_669 = arith.constant 0 : i32
    %parallel_loop3A_670 = arith.constant 16 : i32
    %parallel_loop3A_671 = arith.constant 1 : i32
    scf.for %parallel_loop3A_718 = %parallel_loop3A_669 to %parallel_loop3A_670 step %parallel_loop3A_671  : i32 {
      %parallel_loop3A_719 = arith.constant 0 : i32
      %parallel_loop3A_720 = arith.constant 1024 : i32
      %parallel_loop3A_721 = arith.constant 16 : i32
      scf.for %parallel_loop3A_722 = %parallel_loop3A_719 to %parallel_loop3A_720 step %parallel_loop3A_721  : i32 {
        %parallel_loop3A_723 = arith.index_cast %parallel_loop3A_718 : i32 to index
        %parallel_loop3A_724 = arith.index_cast %parallel_loop3A_722 : i32 to index
        %parallel_loop3A_725 = tpu.vector_load %arg12[%parallel_loop3A_723, %parallel_loop3A_724] {strides = array<i32>} : memref<16x1024xf32, #tpu.memory_space<vmem>>, vector<1x16xf32>,
        %parallel_loop3A_726 = vector.shape_cast %parallel_loop3A_725 : vector<1x16xf32> to vector<16xf32>
        %parallel_loop3A_727 = arith.index_cast %parallel_loop3A_718 : i32 to index
        %parallel_loop3A_728 = arith.index_cast %parallel_loop3A_722 : i32 to index
        %parallel_loop3A_729 = tpu.vector_load %arg9[%parallel_loop3A_727, %parallel_loop3A_728] {strides = array<i32>} : memref<16x1024xf32, #tpu.memory_space<vmem>>, vector<1x16xf32>,
        %parallel_loop3A_730 = vector.shape_cast %parallel_loop3A_729 : vector<1x16xf32> to vector<16xf32>
        %parallel_loop3A_731 = vector.shape_cast %parallel_loop3A_726 : vector<16xf32> to vector<1x16xf32>
        tpu.vector_store %arg9[%parallel_loop3A_727, %parallel_loop3A_728], %parallel_loop3A_731 {add = true, strides = array<i32>} : memref<16x1024xf32, #tpu.memory_space<vmem>>, vector<1x16xf32>,
      } {sc.loop_unroll_factor = 8 : i64, sc.parallel_access}
    } {sc.loop_unroll_factor = 2 : i64, sc.parallel_access}
    %mul3A_672 = arith.constant 16 : i32
    %mul3A_673 = arith.muli %add3A, %mul3A_672 : i32
    %add3A_674 = arith.constant 14 : i32
    %add3A_675 = arith.addi %mul3A_673, %add3A_674 : i32
    %mul3A_676 = arith.constant 16 : i32
    %mul3A_677 = arith.muli %add3A_675, %mul3A_676 : i32
    %dma_start3A_678 = arith.constant 0 : i32
    %dma_start3A_679 = tpu.memref_slice %arg5[%mul3A_677, %dma_start3A_678] : memref<8192x1024xf32, #tpu.memory_space<hbm>> -> memref<16x1024xf32, #tpu.memory_space<hbm>>
    %dma_start3A_680 = arith.constant 0 : i32
    %dma_start3A_681 = tpu.memref_slice %arg5[%mul3A_677, %dma_start3A_680] : memref<8192x1024xf32, #tpu.memory_space<hbm>> -> memref<16x1024xf32, #tpu.memory_space<hbm>>
    tpu.enqueue_dma source(%arg9 : memref<16x1024xf32, #tpu.memory_space<vmem>>) target(%dma_start3A_681 : memref<16x1024xf32, #tpu.memory_space<hbm>>) target_semaphore(%arg15 : memref<!tpu.dma_semaphore, #tpu.memory_space<semaphore_mem>>)
    %dma_wait3A_682 = arith.constant 15 : i32
    %dma_wait3A_683 = arith.constant 0 : i32
    %dma_wait3A_684 = tpu.memref_slice %arg6[%dma_wait3A_682, %dma_wait3A_683] : memref<16x16xi32, #tpu.memory_space<vmem>> -> memref<1x16xi32, #tpu.memory_space<vmem>>
    %dma_wait3A_685 = tpu.memref_squeeze %dma_wait3A_684 : memref<1x16xi32, #tpu.memory_space<vmem>> -> memref<16xi32, #tpu.memory_space<vmem>>
    %dma_wait3A_686 = arith.constant 0 : i32
    %dma_wait3A_687 = arith.constant 0 : i32
    %dma_wait3A_688 = tpu.memref_slice %arg4[%dma_wait3A_686, %dma_wait3A_687] : memref<2048x1024xf32, #tpu.memory_space<hbm>> -> memref<2048x1024xf32, #tpu.memory_space<hbm>>
    tpu.wait_indirect_dma semaphore(%arg13 : memref<!tpu.dma_semaphore, #tpu.memory_space<semaphore_mem>>) src(%dma_wait3A_688 : memref<2048x1024xf32, #tpu.memory_space<hbm>>) dst(%arg10 : memref<16x1024xf32, #tpu.memory_space<vmem>>)
    %dma_wait3A_689 = arith.constant 0 : i32
    %dma_wait3A_690 = tpu.memref_slice %arg2[%mul3A_629, %dma_wait3A_689] : memref<8192x1024xf32, #tpu.memory_space<hbm>> -> memref<16x1024xf32, #tpu.memory_space<hbm>>
    %dma_wait3A_691 = arith.constant 0 : i32
    %dma_wait3A_692 = tpu.memref_slice %arg2[%mul3A_629, %dma_wait3A_691] : memref<8192x1024xf32, #tpu.memory_space<hbm>> -> memref<16x1024xf32, #tpu.memory_space<hbm>>
    tpu.wait_dma2 semaphore(%arg14 : memref<!tpu.dma_semaphore, #tpu.memory_space<semaphore_mem>>) src(%dma_wait3A_692 : memref<16x1024xf32, #tpu.memory_space<hbm>>) dst(%arg7 : memref<16x1024xf32, #tpu.memory_space<vmem>>)
    %parallel_loop3A_693 = arith.constant 0 : i32
    %parallel_loop3A_694 = arith.constant 16 : i32
    %parallel_loop3A_695 = arith.constant 1 : i32
    scf.for %parallel_loop3A_718 = %parallel_loop3A_693 to %parallel_loop3A_694 step %parallel_loop3A_695  : i32 {
      %parallel_loop3A_719 = arith.constant 0 : i32
      %parallel_loop3A_720 = arith.constant 1024 : i32
      %parallel_loop3A_721 = arith.constant 16 : i32
      scf.for %parallel_loop3A_722 = %parallel_loop3A_719 to %parallel_loop3A_720 step %parallel_loop3A_721  : i32 {
        %parallel_loop3A_723 = arith.index_cast %parallel_loop3A_718 : i32 to index
        %parallel_loop3A_724 = arith.index_cast %parallel_loop3A_722 : i32 to index
        %parallel_loop3A_725 = tpu.vector_load %arg10[%parallel_loop3A_723, %parallel_loop3A_724] {strides = array<i32>} : memref<16x1024xf32, #tpu.memory_space<vmem>>, vector<1x16xf32>,
        %parallel_loop3A_726 = vector.shape_cast %parallel_loop3A_725 : vector<1x16xf32> to vector<16xf32>
        %parallel_loop3A_727 = arith.index_cast %parallel_loop3A_718 : i32 to index
        %parallel_loop3A_728 = arith.index_cast %parallel_loop3A_722 : i32 to index
        %parallel_loop3A_729 = tpu.vector_load %arg7[%parallel_loop3A_727, %parallel_loop3A_728] {strides = array<i32>} : memref<16x1024xf32, #tpu.memory_space<vmem>>, vector<1x16xf32>,
        %parallel_loop3A_730 = vector.shape_cast %parallel_loop3A_729 : vector<1x16xf32> to vector<16xf32>
        %parallel_loop3A_731 = vector.shape_cast %parallel_loop3A_726 : vector<16xf32> to vector<1x16xf32>
        tpu.vector_store %arg7[%parallel_loop3A_727, %parallel_loop3A_728], %parallel_loop3A_731 {add = true, strides = array<i32>} : memref<16x1024xf32, #tpu.memory_space<vmem>>, vector<1x16xf32>,
      } {sc.loop_unroll_factor = 8 : i64, sc.parallel_access}
    } {sc.loop_unroll_factor = 2 : i64, sc.parallel_access}
    %mul3A_696 = arith.constant 16 : i32
    %mul3A_697 = arith.muli %add3A, %mul3A_696 : i32
    %add3A_698 = arith.constant 15 : i32
    %add3A_699 = arith.addi %mul3A_697, %add3A_698 : i32
    %mul3A_700 = arith.constant 16 : i32
    %mul3A_701 = arith.muli %add3A_699, %mul3A_700 : i32
    %dma_start3A_702 = arith.constant 0 : i32
    %dma_start3A_703 = tpu.memref_slice %arg5[%mul3A_701, %dma_start3A_702] : memref<8192x1024xf32, #tpu.memory_space<hbm>> -> memref<16x1024xf32, #tpu.memory_space<hbm>>
    %dma_start3A_704 = arith.constant 0 : i32
    %dma_start3A_705 = tpu.memref_slice %arg5[%mul3A_701, %dma_start3A_704] : memref<8192x1024xf32, #tpu.memory_space<hbm>> -> memref<16x1024xf32, #tpu.memory_space<hbm>>
    tpu.enqueue_dma source(%arg7 : memref<16x1024xf32, #tpu.memory_space<vmem>>) target(%dma_start3A_705 : memref<16x1024xf32, #tpu.memory_space<hbm>>) target_semaphore(%arg15 : memref<!tpu.dma_semaphore, #tpu.memory_space<semaphore_mem>>)
    %dma_wait3A_706 = arith.constant 0 : i32
    %dma_wait3A_707 = tpu.memref_slice %arg5[%mul3A_653, %dma_wait3A_706] : memref<8192x1024xf32, #tpu.memory_space<hbm>> -> memref<16x1024xf32, #tpu.memory_space<hbm>>
    %dma_wait3A_708 = arith.constant 0 : i32
    %dma_wait3A_709 = tpu.memref_slice %arg5[%mul3A_653, %dma_wait3A_708] : memref<8192x1024xf32, #tpu.memory_space<hbm>> -> memref<16x1024xf32, #tpu.memory_space<hbm>>
    tpu.wait_dma2 semaphore(%arg15 : memref<!tpu.dma_semaphore, #tpu.memory_space<semaphore_mem>>) src(%arg8 : memref<16x1024xf32, #tpu.memory_space<vmem>>) dst(%dma_wait3A_709 : memref<16x1024xf32, #tpu.memory_space<hbm>>)
    %dma_wait3A_710 = arith.constant 0 : i32
    %dma_wait3A_711 = tpu.memref_slice %arg5[%mul3A_677, %dma_wait3A_710] : memref<8192x1024xf32, #tpu.memory_space<hbm>> -> memref<16x1024xf32, #tpu.memory_space<hbm>>
    %dma_wait3A_712 = arith.constant 0 : i32
    %dma_wait3A_713 = tpu.memref_slice %arg5[%mul3A_677, %dma_wait3A_712] : memref<8192x1024xf32, #tpu.memory_space<hbm>> -> memref<16x1024xf32, #tpu.memory_space<hbm>>
    tpu.wait_dma2 semaphore(%arg15 : memref<!tpu.dma_semaphore, #tpu.memory_space<semaphore_mem>>) src(%arg9 : memref<16x1024xf32, #tpu.memory_space<vmem>>) dst(%dma_wait3A_713 : memref<16x1024xf32, #tpu.memory_space<hbm>>)
    %dma_wait3A_714 = arith.constant 0 : i32
    %dma_wait3A_715 = tpu.memref_slice %arg5[%mul3A_701, %dma_wait3A_714] : memref<8192x1024xf32, #tpu.memory_space<hbm>> -> memref<16x1024xf32, #tpu.memory_space<hbm>>
    %dma_wait3A_716 = arith.constant 0 : i32
    %dma_wait3A_717 = tpu.memref_slice %arg5[%mul3A_701, %dma_wait3A_716] : memref<8192x1024xf32, #tpu.memory_space<hbm>> -> memref<16x1024xf32, #tpu.memory_space<hbm>>
    tpu.wait_dma2 semaphore(%arg15 : memref<!tpu.dma_semaphore, #tpu.memory_space<semaphore_mem>>) src(%arg7 : memref<16x1024xf32, #tpu.memory_space<vmem>>) dst(%dma_wait3A_717 : memref<16x1024xf32, #tpu.memory_space<hbm>>)
    return
  }
}

</mosaic_0001>

<sc_bundles>
// kernel: kernel.3.cloned.1.call-start
scs
__scs_entry_jumppad:
0x0: {  	(pc) =	sbr.rel $0x88, $3  }
0x1: {  	(tag) =	ssettag $0x0;
	lr =	simm.s32 $0x1  }
0x2: {  	[smem:$0x3F9E] =	sst lr;
	_ =	strace $0xD0000000  }
0x3: {  	_ = 	snop  }
0x4: {  	_ = 	snop  }
0x5: {  	_ = 	snop  }
0x6: {  	_ = 	snop  }
0x7: {  	_ = 	snop  }
__scs_overlays_trampoline_lowered:
0x8: {  	[smem:$0x3FAD] =	sst s0  }
0x9: {  	[smem:$0x3FAE] =	sst s1  }
0xa: {  	[smem:$0x3FAF] =	sst s2  }
0xb: {  	[smem:$0x3FB0] =	sst s3  }
0xc: {  	[smem:$0x3FB1] =	sst s4  }
0xd: {  	[smem:$0x3FB2] =	sst s5  }
0xe: {  	[smem:$0x3FB3] =	sst s6  }
0xf: {  	[smem:$0x3FB4] =	sst s7  }
0x10: {  	[smem:$0x3FB5] =	sst s8  }
0x11: {  	[smem:$0x3FB6] =	sst s9;
	s0 =	simm.s32 @!p0 $0x0  }
0x12: {  	s1 =	sld [smem:$0x3F9C];
	s0 =	simm.s32 @p0 $0x1  }
0x13: {  	[smem:$0x3FB7] =	sst s0;
	s0 =	simm.s32 @!p1 $0x0  }
0x14: {  	s2 =	sld [smem:$0x3F9B];
	s0 =	simm.s32 @p1 $0x1  }
0x15: {  	[smem:$0x3FB8] =	sst s0;
	s0 =	simm.s32 @!p2 $0x0  }
0x16: {  	s3 =	sld [smem:$0x3FDB];
	s0 =	simm.s32 @p2 $0x1  }
0x17: {  	s4 =	simm.s32 $0x1BF5;
	[smem:$0x3FBA] =	sst s0  }
0x18: {  	s0 =	sld [smem:$0x3F9D];
	_ =	swait.ge [sflag:s4], $0x0  }
0x19: {  	s7 =	sld [smem:$0x3F9E]  }
0x1a: {  	s8 =	sadd.s32 $0xFFFFE003, lr  }
0x1b: {  	s9 =	sadd.s32 $0xFFFFFEF7, lr;
	s5 =	simm.s32 $0xFFFFFFFF;
	p2 =	slt.u32 s8, $0xFFFFF086  }
0x1c: {  	p1 =	slt.u32 s9, $0xF7A;
	s5 =	simm.s32 @!p2 $0x0  }
0x1d: {  	s5 =	simm.s32 @p1 $0x1;
	p0 =	seq.s32 s7, s2  }
0x1e: {  	s7 =	smul.u32 @!p0 $0xF7A, s2;
	p2 =	seq.s32 @!p0 s5, $0x0  }
0x1f: {  	s9 =	smul.u32 $0xF7A, s1;
	s8 =	simm.s32 @!p0 $0x1BF5;
	p2 =	por !p2, p0  }
0x20: {  	[sflag:s8] =	ssyncset.s32 @!p0 $0xFFFFF086;
	s6 =	sadd.s32 @!p0 s3, s7;
	s7 =	simm.s32 @!p0 $0x108  }
0x21: {  	s3 =	sadd.s32 s3, s9;
	s6 =	sadd.s32 @!p0 $0x88, s6;
	s7 =	simm.s32 @p2 $0x1082  }
0x22: {  	[simem:s7], [sflag:s8] =	dma.local @!p0 [hbm:s6], $0xF7A  }
0x23: {  	s9 =	sor.u32 $0xD0000000, s2;
	s6 =	simm.s32 $0x108;
	_ =	swait.ge @!p0 [sflag:s8], $0x0  }
0x24: {  	s3 =	sadd.s32 $0x88, s3;
	s6 =	simm.s32 @!p1 $0x1082;
	[sflag:s4] =	ssyncset.s32 $0xFFFFF086  }
0x25: {  	[simem:s6], [sflag:s4] =	dma.local [hbm:s3], $0xF7A  }
0x26: {  	[smem:$0x3F9E] =	sst s1;
	(tag) =	ssettag s2;
	_ =	strace s9  }
0x27: {  	s1 =	sld [smem:$0x3FAE]  }
0x28: {  	s2 =	sld [smem:$0x3FAF]  }
0x29: {  	s4 =	sld [smem:$0x3FB1]  }
0x2a: {  	p0 =	seq.s32 s5, $0x0;
	s5 =	sld [smem:$0x3FB2]  }
0x2b: {  	s6 =	sld [smem:$0x3FB3]  }
0x2c: {  	s7 =	sld [smem:$0x3FB4]  }
0x2d: {  	s3 =	simm.s32 $0x108;
	s8 =	sld [smem:$0x3FB5]  }
0x2e: {  	s3 =	simm.s32 @!p0 $0x1082;
	s9 =	sld [smem:$0x3FB6]  }
0x2f: {  	lr =	sadd.s32 s0, s3;
	s0 =	sld [smem:$0x3FAD]  }
0x30: {  	s3 =	sld [smem:$0x3FB0]  }
0x31: {  	[smem:$0x3FB9] =	sst s10  }
0x32: {  	s10 =	sld [smem:$0x3FB7];
	_ =	sdelay $0x3  }
0x33: {  	p0 =	seq.s32 s10, $0x1;
	s10 =	sld [smem:$0x3FB9];
	_ =	sdelay $0x3  }
0x34: {  	[smem:$0x3FB9] =	sst s10  }
0x35: {  	s10 =	sld [smem:$0x3FB8];
	_ =	sdelay $0x3  }
0x36: {  	p1 =	seq.s32 s10, $0x1;
	s10 =	sld [smem:$0x3FB9];
	_ =	sdelay $0x3  }
0x37: {  	[smem:$0x3FB9] =	sst s10  }
0x38: {  	s10 =	sld [smem:$0x3FBA]  }
0x39: {  	_ = 	snop;
	(pc) =	sbr.ind lr, $3  }
0x3a: {  	_ = 	snop  }
0x3b: {  	_ = 	snop  }
0x3c: {  	p2 =	seq.s32 s10, $0x1;
	s10 =	sld [smem:$0x3FB9]  }
0x3d: {  	_ =	shalt  }
0x3e: {  	_ =	shalt  }
0x3f: {  	_ =	shalt  }
0x40: {  	_ =	shalt  }
0x41: {  	_ =	shalt  }
0x42: {  	_ =	shalt  }
0x43: {  	_ =	shalt  }
0x44: {  	_ =	shalt  }
0x45: {  	_ =	shalt  }
0x46: {  	_ =	shalt  }
0x47: {  	_ =	shalt  }
0x48: {  	_ =	shalt  }
0x49: {  	_ =	shalt  }
0x4a: {  	_ =	shalt  }
0x4b: {  	_ =	shalt  }
0x4c: {  	_ =	shalt  }
0x4d: {  	_ =	shalt  }
0x4e: {  	_ =	shalt  }
0x4f: {  	_ =	shalt  }
0x50: {  	_ =	shalt  }
0x51: {  	_ =	shalt  }
0x52: {  	_ =	shalt  }
0x53: {  	_ =	shalt  }
0x54: {  	_ =	shalt  }
0x55: {  	_ =	shalt  }
0x56: {  	_ =	shalt  }
0x57: {  	_ =	shalt  }
0x58: {  	_ =	shalt  }
0x59: {  	_ =	shalt  }
0x5a: {  	_ =	shalt  }
0x5b: {  	_ =	shalt  }
0x5c: {  	_ =	shalt  }
0x5d: {  	_ =	shalt  }
0x5e: {  	_ =	shalt  }
0x5f: {  	_ =	shalt  }
0x60: {  	_ =	shalt  }
0x61: {  	_ =	shalt  }
0x62: {  	_ =	shalt  }
0x63: {  	_ =	shalt  }
0x64: {  	_ =	shalt  }
0x65: {  	_ =	shalt  }
0x66: {  	_ =	shalt  }
0x67: {  	_ =	shalt  }
0x68: {  	_ =	shalt  }
0x69: {  	_ =	shalt  }
0x6a: {  	_ =	shalt  }
0x6b: {  	_ =	shalt  }
0x6c: {  	_ =	shalt  }
0x6d: {  	_ =	shalt  }
0x6e: {  	_ =	shalt  }
0x6f: {  	_ =	shalt  }
0x70: {  	_ =	shalt  }
0x71: {  	_ =	shalt  }
0x72: {  	_ =	shalt  }
0x73: {  	_ =	shalt  }
0x74: {  	_ =	shalt  }
0x75: {  	_ =	shalt  }
0x76: {  	_ =	shalt  }
0x77: {  	_ =	shalt  }
0x78: {  	_ =	shalt  }
0x79: {  	_ =	shalt  }
0x7a: {  	_ =	shalt  }
0x7b: {  	_ =	shalt  }
0x7c: {  	_ =	shalt  }
0x7d: {  	_ =	shalt  }
0x7e: {  	_ =	shalt  }
0x7f: {  	_ =	shalt  }
0x80: {  	_ =	shalt  }
0x81: {  	_ =	shalt  }
0x82: {  	_ =	shalt  }
0x83: {  	_ =	shalt  }
0x84: {  	_ =	shalt  }
0x85: {  	_ =	shalt  }
0x86: {  	_ =	shalt  }
0x87: {  	_ =	shalt  }
.Lfunc_end0:
.L_simem_size_0:
called_computation_lowered:
.L_overlay_start_0:
0x88: {  	s2 =	sld [smem:$0x3FD9]  }
0x89: {  	s3 =	sld [smem:$0x3FFE];
	_ =	sdelay $0x1  }
0x8a: {  	s1 =	srdreg.scid  }
0x8b: {  	s0 =	sand.u32 $0x1, s1  }
0x8c: {  	s17 =	sshll.u32 s0, $0xA;
	s2 =	sadd.s32 s3, s2  }
0x8d: {  	s2 =	sadd.s32 s2, s17  }
0x8e: {  	[smem:$0x3FC5] =	sst s2  }
0x8f: {  	_ = 	snop  }
0x90: {  	s2 =	sld [smem:$0x3FC9]  }
0x91: {  	s18 =	sld [smem:$0x3FC7]  }
0x92: {  	s4 =	sld [smem:$0x3FD0];
	(tm) =	ssettm $0x1  }
0x93: {  	s5 =	sld [smem:$0x3FFB];
	_ =	sdelay $0x3  }
0x94: {  	_ =	strace s5  }
0x95: {  	s5 =	sld [smem:$0x3FFC];
	_ =	sdelay $0x3  }
0x96: {  	_ =	strace s5  }
0x97: {  	s5 =	sld [smem:$0x3FFD];
	_ =	sdelay $0x3  }
0x98: {  	_ =	strace s5  }
0x99: {  	_ =	strace $0x8FFFFFFF  }
0x9a: {  	s19 =	sld [smem:$0x3FDB];
	_ =	sdelay $0x1  }
0x9b: {  	s6 =	simm.s32 $_scs_section_size  }
0x9c: {  	s7 =	simm.s32 $_size__tile_overlayer_lowered;
	s8 =	simm.s32 $_tile_overlayer_lowered  }
0x9d: {  	s22 =	simm.s32 $0x1BFF;
	s21 =	sshll.u32 s8, $0x1;
	s5 =	sadd.s32 s6, s19  }
0x9e: {  	s9 =	simm.s32 $0x0;
	s20 =	sshll.u32 s7, $0x1;
	s7 =	sadd.s32 s21, s5  }
0x9f: {  	[timem:s9], [sflag:s22] =	dma.local [hbm:s7], s20  }
0xa0: {  	_ =	swait.ge [sflag:s22], s20  }
0xa1: {  	s6 =	ssub.s32 $0x0, s20;
	[sflag:s22] =	ssyncset.done $0x0  }
0xa2: {  	[sflag:s22] =	ssyncadd.s32 s6;
	_ =	sdelay $0x1  }
0xa3: {  	s23 =	simm.s32 $0x1B8B  }
0xa4: {  	_ =	swait.ge [sflag:s23], $0x1  }
0xa5: {  	[sflag:s23] =	ssyncset.done $0x0  }
0xa6: {  	s25 =	simm.s32 $0x1B8E;
	s24 =	sld [smem:$0x3FFE];
	[sflag:s23] =	ssyncadd.s32 $0xFFFFFFFF  }
0xa7: {  	s26 =	simm.s32 $execute0_lowered;
	[smem:$0x3FD2] =	sst s25  }
0xa8: {  	s7 =	sshll.u32 s26, $0x1;
	_ =	strace $0x80000046;
	[dreg:$0x1] =	wrdreg $0xFFFFFFFF  }
0xa9: {  	s28 =	simm.s32 $_size_execute0_lowered;
	s5 =	sadd.s32 s5, s7;
	[dreg:$0x0] =	wrdreg $0x0  }
0xaa: {  	s7 =	sshll.u32 s28, $0x1;
	[dreg:$0x2] =	wrdreg s5  }
0xab: {  	[dreg:$0x3] =	wrdreg s7  }
0xac: {  	[dreg:$0x4] =	wrdreg $0xC0  }
0xad: {  	_ =	task [dreg:s9], $0x5FFFF  }
0xae: {  	[dreg:$0x1] =	wrdreg $0xFFFFFFFF  }
0xaf: {  	[dreg:$0x0] =	wrdreg $0x60  }
0xb0: {  	[dreg:$0x2] =	wrdreg s2  }
0xb1: {  	[dreg:$0x3] =	wrdreg s24  }
0xb2: {  	[dreg:$0x4] =	wrdreg s18  }
0xb3: {  	[dreg:$0x5] =	wrdreg s4  }
0xb4: {  	[dreg:$0x6] =	wrdreg $0x9  }
0xb5: {  	_ =	task.clear_ibuf [dreg:s9], $0x7FFFF;
	_ =	strace $0x90000046  }
0xb6: {  	s29 =	simm.s32 $0x9;
	_ =	strace $0x80000048  }
0xb7: {  	_ =	swait.ge [sflag:s29], $0x1  }
0xb8: {  	[sflag:s29] =	ssyncadd.s32 $0xFFFFFFFF  }
0xb9: {  	_ =	strace $0x90000048  }
0xba: {  	_ =	sfence  }
0xbb: {  	s30 =	sld [smem:$0x0];
	_ =	sdelay $0x2  }
0xbc: {  	s31 =	sshll.u32 s1, $0xD;
	s1 =	sshrl.u32 s1, $0x2  }
0xbd: {  	s3 =	sand.u32 $0x4000, s31;
	s1 =	sadd.s32 s1, s30  }
0xbe: {  	s0 =	sor.u32 s3, s0;
	s1 =	sshll.u32 s1, $0x11  }
0xbf: {  	s0 =	sor.u32 s1, s0  }
0xc0: {  	s0 =	sadd.s32 $0x8F2B, s0  }
0xc1: {  	[sflag:s0] =	ssyncadd.remote.s32 $0x1  }
0xc2: {  	_ =	sfence.sel $0xFFFF  }
0xc3: {  	[dreg:$0x0] =	wrdreg $0xFFFFFFFF;
	(pc) =	sbr.abs _section_cstart, $3  }
0xc4: {  	[dreg:$0x1] =	wrdreg $0xFFFFFFFF  }
0xc5: {  	_ =	task.clear_ibuf [dreg:s9], $0x2FFFF;
	_ =	strace $0x9FFFFFFF  }
0xc6: {  	(tm) =	ssettm $0x7FFFFFFF  }
0xc7: {  	_ =	shalt  }
tec
execute0_lowered:
.L_overlay_start_1:
0x0: {  	(tag) =	ssettag $0x1  }
0x1: {  	s0 =	rddreg [dreg:$0x0]  }
0x2: {  	s1 =	srdreg.scid;
	s5 =	stileid.u32  }
0x3: {  	s2 =	rddreg [dreg:$0x1];
	s4 =	sand.u32 $0x1, s1;
	s5 =	sshll.u32 s5, $0x1  }
0x4: {  	s3 =	rddreg [dreg:$0x3];
	s5 =	sor.u32 s4, s5  }
0x5: {  	s1 =	simm.s32 $0x0;
	s6 =	sshll.u32 s5, $0x8;
	s5 =	sshll.u32 s5, $0xF  }
0x6: {  	s4 =	ssub.s32 $0x2, s4;
	[smem:$0x7FF] =	sst s1;
	s15 =	sor.u32 $0x800, s5  }
0x7: {  	s7 =	sshrl.u32 s4, $0x1;
	s16 =	sor.u32 $0x1000, s5;
	s9 =	sadd.s32 s0, s15  }
0x8: {  	s8 =	sor.u32 $0x1800, s5;
	s17 =	sadd.s32 s0, s16;
	[dreg:$0x5] =	wrdreg s9  }
0x9: {  	s2 =	sadd.s32 s6, s2;
	s18 =	sadd.s32 s0, s8;
	[dreg:$0x6] =	wrdreg s17  }
0xa: {  	s19 =	sor.u32 $0x2000, s5;
	s6 =	sadd.s32 s3, s15;
	[dreg:$0x7] =	wrdreg s18  }
0xb: {  	s4 =	ssub.s32 s4, s7;
	s10 =	sadd.s32 s0, s19;
	[dreg:$0x8] =	wrdreg s6  }
0xc: {  	s20 =	sor.u32 $0x2800, s5;
	s7 =	sadd.s32 s3, s16;
	[dreg:$0x9] =	wrdreg s10  }
0xd: {  	s21 =	sadd.s32 s0, s20;
	[dreg:$0xa] =	wrdreg s7  }
0xe: {  	s23 =	sor.u32 $0x3000, s5;
	s22 =	sadd.s32 s3, s8;
	[dreg:$0xb] =	wrdreg s21  }
0xf: {  	s24 =	sor.u32 $0x3800, s5;
	s25 =	sadd.s32 s0, s23;
	[dreg:$0xc] =	wrdreg s22  }
0x10: {  	s26 =	sadd.s32 s0, s24;
	[dreg:$0xd] =	wrdreg s25  }
0x11: {  	s29 =	sor.u32 $0x4000, s5;
	s28 =	sadd.s32 s3, s20;
	[dreg:$0xf] =	wrdreg s26  }
0x12: {  	s31 =	sor.u32 $0x4800, s5;
	s11 =	sadd.s32 s0, s29;
	[dreg:$0x10] =	wrdreg s28  }
0x13: {  	s12 =	sadd.s32 s0, s31;
	[dreg:$0x11] =	wrdreg s11  }
0x14: {  	s30 =	simm.s32 $0x4800;
	s13 =	sadd.s32 s3, s24;
	[dreg:$0x13] =	wrdreg s12  }
0x15: {  	s14 =	sor.u32 $0x5000, s5;
	s15 =	sadd.s32 s3, s31;
	[dreg:$0x14] =	wrdreg s13  }
0x16: {  	s16 =	sadd.s32 s0, s14;
	s24 =	sor.u32 $0x6800, s5;
	[dreg:$0x16] =	wrdreg s15  }
0x17: {  	s2 =	sadd.s32 $0x400, s2;
	s6 =	sadd.s32 s3, s19;
	[dreg:$0x17] =	wrdreg s16  }
0x18: {  	s31 =	smax.u32 s4, $0x1;
	s7 =	sadd.s32 s3, s23;
	[dreg:$0xe] =	wrdreg s6  }
0x19: {  	s17 =	sor.u32 $0x5800, s5;
	s22 =	sadd.s32 s0, s5;
	[dreg:$0x12] =	wrdreg s7  }
0x1a: {  	s19 =	sor.u32 $0x6000, s5;
	s23 =	sadd.s32 s3, s5;
	[dreg:$0x1d] =	wrdreg s22  }
0x1b: {  	s25 =	sor.u32 $0x7000, s5;
	s26 =	sadd.s32 s0, s24;
	[dreg:$0x1e] =	wrdreg s23  }
0x1c: {  	s5 =	sor.u32 $0x7800, s5;
	s6 =	sadd.s32 s3, s29;
	[dreg:$0x1f] =	wrdreg s26  }
0x1d: {  	s11 =	simm.s32 $0xC800;
	s7 =	sadd.s32 s3, s14;
	[dreg:$0x15] =	wrdreg s6  }
0x1e: {  	s12 =	simm.s32 $0xD000;
	s18 =	sadd.s32 s0, s17;
	[dreg:$0x18] =	wrdreg s7  }
0x1f: {  	s13 =	simm.s32 $0xD800;
	s20 =	sadd.s32 s0, s19;
	[dreg:$0x19] =	wrdreg s18  }
0x20: {  	s15 =	simm.s32 $0xE800;
	s21 =	sadd.s32 s3, s19;
	[dreg:$0x1b] =	wrdreg s20  }
0x21: {  	s16 =	simm.s32 $0xF000;
	s28 =	sadd.s32 s0, s25;
	[dreg:$0x1c] =	wrdreg s21  }
0x22: {  	s0 =	sadd.s32 s0, s5;
	s29 =	sadd.s32 s3, s25;
	[smem:$0x7F7] =	sst s28  }
0x23: {  	s14 =	simm.s32 $0xE000;
	s19 =	simm.s32 $0x800;
	[smem:$0x7F8] =	sst s0  }
0x24: {  	s22 =	simm.s32 $0x2;
	s23 =	simm.s32 $0x3;
	s0 =	rddreg [dreg:$0x2]  }
0x25: {  	s6 =	sadd.s32 s3, s17;
	[smem:$0x7FA] =	sst s29;
	s17 =	simm.s32 $0xF800  }
0x26: {  	s18 =	simm.s32 $0x10000;
	[dreg:$0x1a] =	wrdreg s6;
	s6 =	sadd.s32 s3, s24  }
0x27: {  	s20 =	simm.s32 $0x8800;
	s3 =	sadd.s32 s3, s5;
	[smem:$0x7F9] =	sst s6  }
0x28: {  	v2 =	vlaneseq.u32;
	s21 =	simm.s32 $0x1;
	s7 =	sadd.s32 $0x100, s0;
	[smem:$0x7FB] =	sst s3  }
0x29: {  	vm0 =	vmmov $0xffff;
	v1 =	vshrl.u32 v2, $0x3;
	s8 =	sadd.s32 $0x200, s0;
	_ =	strace $0x80000047;
	[smem:$0x7FC] =	sst s2  }
0x2a: {  	v0 =	vand.u32 $0x7, v2;
	v2 =	vor.u32 $0x8, v2;
	v1 =	vmul.u32 $0x8, v1;
	s9 =	sadd.s32 $0x300, s0;
	s24 =	simm.s32 $0x0;
	[smem:$0x7FD] =	sst s31  }
.LBB2_1:
0x2b: {  	s2 =	sld [smem:$0x7FC];
	_ =	sdelay $0x1  }
0x2c: {  	s29 =	simm.s32 $0x4  }
0x2d: {  	[tilespmem:s1], [sflag:$0x4] =	stream.linear.gather [hbm4b:s2+s1], $0x800, $0x38;
	[tilespmem:$0x18800] =	vst v63  }
0x2e: {  	_ =	swait.ge [sflag:s29], $0x800  }
0x2f: {  	[sflag:s29] =	ssyncset.done $0x0  }
0x30: {  	[sflag:s29] =	ssyncadd.s32 $0xFFFFF800  }
0x31: {  	v3 =	vld [tilespmem:$0x0];
	_ =	sdelay $0x4  }
0x32: {  	v4 =	vshll.u32 v3, $0x3  }
0x33: {  	v3 =	vand.u32 $0x7, v3;
	v4 =	vand.u32 $0xFFFFFFC0, v4  }
0x34: {  	v3 =	vor.u32 v3, v4  }
0x35: {  	v4 =	vperm.xlane v3, v0;
	_ =	sdelay $0x1  }
0x36: {  	v4 =	vadd.s32 v1, v4;
	_ =	sdelay $0x4  }
0x37: {  	[tilespmem:s11], [sflag:$0x1] =	stream.indirect_vreg.gather [hbm4b:s0+s1], $0x80, v4, vm0, $0xb8;
	[tilespmem:$0x18800] =	vst v63  }
0x38: {  	v3 =	vperm.xlane v3, v2  }
0x39: {  	[tilespmem:s12], [sflag:$0x1] =	stream.indirect_vreg.gather [hbm4b:s7+s1], $0x80, v4, vm0, $0xb8;
	[tilespmem:$0x18800] =	vst v63  }
0x3a: {  	v3 =	vadd.s32 v1, v3  }
0x3b: {  	[tilespmem:s13], [sflag:$0x1] =	stream.indirect_vreg.gather [hbm4b:s8+s1], $0x80, v4, vm0, $0xb8;
	[tilespmem:$0x18800] =	vst v63  }
0x3c: {  	_ = 	snop  }
0x3d: {  	[tilespmem:s14], [sflag:$0x1] =	stream.indirect_vreg.gather [hbm4b:s9+s1], $0x80, v4, vm0, $0xb8;
	[tilespmem:$0x18800] =	vst v63  }
0x3e: {  	_ = 	snop  }
0x3f: {  	[tilespmem:s15], [sflag:$0x1] =	stream.indirect_vreg.gather [hbm4b:s0+s1], $0x80, v3, vm0, $0xb8;
	[tilespmem:$0x18800] =	vst v63  }
0x40: {  	_ = 	snop  }
0x41: {  	[tilespmem:s16], [sflag:$0x1] =	stream.indirect_vreg.gather [hbm4b:s7+s1], $0x80, v3, vm0, $0xb8;
	[tilespmem:$0x18800] =	vst v63  }
0x42: {  	_ = 	snop  }
0x43: {  	[tilespmem:s17], [sflag:$0x1] =	stream.indirect_vreg.gather [hbm4b:s8+s1], $0x80, v3, vm0, $0xb8;
	[tilespmem:$0x18800] =	vst v63  }
0x44: {  	_ = 	snop  }
0x45: {  	[tilespmem:s18], [sflag:$0x1] =	stream.indirect_vreg.gather [hbm4b:s9+s1], $0x80, v3, vm0, $0xb8;
	[tilespmem:$0x18800] =	vst v63  }
0x46: {  	s31 =	rddreg [dreg:$0x1d]  }
0x47: {  	[tilespmem:s19], [sflag:$0x2] =	stream.linear.gather [hbm4b:s31+s1], $0x4000, $0x38;
	[tilespmem:$0x18800] =	vst v63  }
0x48: {  	v3 =	vld [tilespmem:$0x80];
	_ =	sdelay $0x4  }
0x49: {  	v62 =	vshll.u32 v3, $0x3  }
0x4a: {  	v3 =	vand.u32 $0x7, v3;
	v4 =	vand.u32 $0xFFFFFFC0, v62  }
0x4b: {  	v3 =	vor.u32 v3, v4  }
0x4c: {  	v4 =	vperm.xlane v3, v0;
	_ =	sdelay $0x1  }
0x4d: {  	v4 =	vadd.s32 v1, v4;
	_ =	sdelay $0x3  }
0x4e: {  	s3 =	simm.s32 $0x10800  }
0x4f: {  	[tilespmem:s3], [sflag:$0x1] =	stream.indirect_vreg.gather [hbm4b:s0+s1], $0x80, v4, vm0, $0xb8;
	[tilespmem:$0x18800] =	vst v63  }
0x50: {  	s4 =	simm.s32 $0x11000;
	v3 =	vperm.xlane v3, v2  }
0x51: {  	[tilespmem:s4], [sflag:$0x1] =	stream.indirect_vreg.gather [hbm4b:s7+s1], $0x80, v4, vm0, $0xb8;
	[tilespmem:$0x18800] =	vst v63  }
0x52: {  	s5 =	simm.s32 $0x11800;
	v3 =	vadd.s32 v1, v3  }
0x53: {  	[tilespmem:s5], [sflag:$0x1] =	stream.indirect_vreg.gather [hbm4b:s8+s1], $0x80, v4, vm0, $0xb8;
	[tilespmem:$0x18800] =	vst v63  }
0x54: {  	s6 =	simm.s32 $0x12000  }
0x55: {  	[tilespmem:s6], [sflag:$0x1] =	stream.indirect_vreg.gather [hbm4b:s9+s1], $0x80, v4, vm0, $0xb8;
	[tilespmem:$0x18800] =	vst v63  }
0x56: {  	s10 =	simm.s32 $0x12800  }
0x57: {  	[tilespmem:s10], [sflag:$0x1] =	stream.indirect_vreg.gather [hbm4b:s0+s1], $0x80, v3, vm0, $0xb8;
	[tilespmem:$0x18800] =	vst v63  }
0x58: {  	s25 =	simm.s32 $0x13000  }
0x59: {  	[tilespmem:s25], [sflag:$0x1] =	stream.indirect_vreg.gather [hbm4b:s7+s1], $0x80, v3, vm0, $0xb8;
	[tilespmem:$0x18800] =	vst v63  }
0x5a: {  	s26 =	simm.s32 $0x13800  }
0x5b: {  	[tilespmem:s26], [sflag:$0x1] =	stream.indirect_vreg.gather [hbm4b:s8+s1], $0x80, v3, vm0, $0xb8;
	[tilespmem:$0x18800] =	vst v63  }
0x5c: {  	s29 =	simm.s32 $0x14000  }
0x5d: {  	[tilespmem:s29], [sflag:$0x1] =	stream.indirect_vreg.gather [hbm4b:s9+s1], $0x80, v3, vm0, $0xb8;
	[tilespmem:$0x18800] =	vst v63  }
0x5e: {  	s31 =	rddreg [dreg:$0x5]  }
0x5f: {  	[tilespmem:s30], [sflag:$0x2] =	stream.linear.gather [hbm4b:s31+s1], $0x4000, $0x38;
	[tilespmem:$0x18800] =	vst v63  }
0x60: {  	v3 =	vld [tilespmem:$0x100];
	_ =	sdelay $0x4  }
0x61: {  	v63 =	vshll.u32 v3, $0x3  }
0x62: {  	v3 =	vand.u32 $0x7, v3;
	v4 =	vand.u32 $0xFFFFFFC0, v63  }
0x63: {  	v3 =	vor.u32 v3, v4  }
0x64: {  	v4 =	vperm.xlane v3, v0;
	_ =	sdelay $0x1  }
0x65: {  	v4 =	vadd.s32 v1, v4;
	_ =	sdelay $0x3  }
0x66: {  	s3 =	simm.s32 $0x14800  }
0x67: {  	[tilespmem:s3], [sflag:$0x1] =	stream.indirect_vreg.gather [hbm4b:s0+s1], $0x80, v4, vm0, $0xb8;
	[tilespmem:$0x18800] =	vst v63  }
0x68: {  	s4 =	simm.s32 $0x15000;
	v3 =	vperm.xlane v3, v2  }
0x69: {  	[tilespmem:s4], [sflag:$0x1] =	stream.indirect_vreg.gather [hbm4b:s7+s1], $0x80, v4, vm0, $0xb8;
	[tilespmem:$0x18800] =	vst v63  }
0x6a: {  	s5 =	simm.s32 $0x15800;
	v3 =	vadd.s32 v1, v3  }
0x6b: {  	[tilespmem:s5], [sflag:$0x1] =	stream.indirect_vreg.gather [hbm4b:s8+s1], $0x80, v4, vm0, $0xb8;
	[tilespmem:$0x18800] =	vst v63  }
0x6c: {  	s6 =	simm.s32 $0x16000  }
0x6d: {  	[tilespmem:s6], [sflag:$0x1] =	stream.indirect_vreg.gather [hbm4b:s9+s1], $0x80, v4, vm0, $0xb8;
	[tilespmem:$0x18800] =	vst v63  }
0x6e: {  	s10 =	simm.s32 $0x16800  }
0x6f: {  	[tilespmem:s10], [sflag:$0x1] =	stream.indirect_vreg.gather [hbm4b:s0+s1], $0x80, v3, vm0, $0xb8;
	[tilespmem:$0x18800] =	vst v63  }
0x70: {  	s25 =	simm.s32 $0x17000  }
0x71: {  	[tilespmem:s25], [sflag:$0x1] =	stream.indirect_vreg.gather [hbm4b:s7+s1], $0x80, v3, vm0, $0xb8;
	[tilespmem:$0x18800] =	vst v63  }
0x72: {  	s26 =	simm.s32 $0x17800  }
0x73: {  	[tilespmem:s26], [sflag:$0x1] =	stream.indirect_vreg.gather [hbm4b:s8+s1], $0x80, v3, vm0, $0xb8;
	[tilespmem:$0x18800] =	vst v63  }
0x74: {  	s29 =	simm.s32 $0x18000  }
0x75: {  	[tilespmem:s29], [sflag:$0x1] =	stream.indirect_vreg.gather [hbm4b:s9+s1], $0x80, v3, vm0, $0xb8;
	[tilespmem:$0x18800] =	vst v63  }
0x76: {  	s31 =	rddreg [dreg:$0x6]  }
0x77: {  	[tilespmem:s20], [sflag:$0x2] =	stream.linear.gather [hbm4b:s31+s1], $0x4000, $0x38;
	[tilespmem:$0x18800] =	vst v63  }
0x78: {  	_ =	swait.ge [sflag:s21], $0x4000  }
0x79: {  	[sflag:s21] =	ssyncset.done $0x0  }
0x7a: {  	[sflag:s21] =	ssyncadd.s32 $0xFFFFC000  }
0x7b: {  	_ =	swait.ge [sflag:s22], $0x4000  }
0x7c: {  	s28 =	simm.s32 $0x0;
	[sflag:s22] =	ssyncset.done $0x0  }
0x7d: {  	s25 =	simm.s32 $0x0;
	s26 =	simm.s32 $0x0;
	[sflag:s22] =	ssyncadd.s32 $0xFFFFC000  }
.LBB2_2:
0x7e: {  	s2 =	sshll.u32 s26, $0xA  }
0x7f: {  	s5 =	sand.u32 $0x3FFFE000, s25;
	s2 =	sand.u32 $0xC00, s2  }
0x80: {  	s3 =	sadd.s32 $0xC840, s5;
	s31 =	sshrl.u32 s2, $0x2  }
0x81: {  	s2 =	sadd.s32 s31, s3  }
0x82: {  	v3 =	vld [tilespmem:s2+$0x30]  }
0x83: {  	v5 =	vld [tilespmem:s2+$0xFFFFFFC0]  }
0x84: {  	v6 =	vld [tilespmem:s2+$0xFFFFFFD0]  }
0x85: {  	v7 =	vld [tilespmem:s2+$0xFFFFFFE0]  }
0x86: {  	v8 =	vld [tilespmem:s2+$0xFFFFFFF0]  }
0x87: {  	s6 =	sor.u32 $0x800, s5;
	v9 =	vld [tilespmem:s2+$0x0]  }
0x88: {  	s4 =	sadd.s32 s31, s6;
	v4 =	vld [tilespmem:s2+$0x10]  }
0x89: {  	[tilespmem:s4+$0x70] =	vst.add.f32.msk $0xffff, v3  }
0x8a: {  	v3 =	vld [tilespmem:s2+$0x20]  }
0x8b: {  	[tilespmem:s4+$0x0] =	vst.add.f32.msk $0xffff, v5  }
0x8c: {  	[tilespmem:s4+$0x10] =	vst.add.f32.msk $0xffff, v6  }
0x8d: {  	[tilespmem:s4+$0x20] =	vst.add.f32.msk $0xffff, v7  }
0x8e: {  	[tilespmem:s4+$0x30] =	vst.add.f32.msk $0xffff, v8  }
0x8f: {  	s29 =	smov.u32 s6;
	s2 =	sadd.s32 $0xC880, s5;
	s5 =	simm.s32 $0x0;
	[tilespmem:s4+$0x40] =	vst.add.f32.msk $0xffff, v9  }
.LBB2_3:
0x90: {  	s5 =	sadd.s32 $0x80, s5;
	[tilespmem:s4+$0x50] =	vst.add.f32.msk $0xffff, v4;
	s3 =	sadd.s32 $0x400, s3  }
0x91: {  	s10 =	sadd.s32 s31, s3;
	p0 =	slt.u32 s5, $0x380;
	[tilespmem:s4+$0x60] =	vst.add.f32.msk $0xffff, v3  }
0x92: {  	v3 =	vld [tilespmem:s10+$0x30]  }
0x93: {  	v5 =	vld [tilespmem:s10+$0xFFFFFFC0]  }
0x94: {  	v6 =	vld [tilespmem:s10+$0xFFFFFFD0]  }
0x95: {  	s29 =	sadd.s32 $0x400, s29;
	v7 =	vld [tilespmem:s10+$0xFFFFFFE0]  }
0x96: {  	s4 =	sadd.s32 s31, s29;
	v8 =	vld [tilespmem:s10+$0xFFFFFFF0]  }
0x97: {  	[tilespmem:s4+$0x70] =	vst.add.f32.msk $0xffff, v3  }
0x98: {  	v9 =	vld [tilespmem:s10+$0x0]  }
0x99: {  	v4 =	vld [tilespmem:s10+$0x10]  }
0x9a: {  	v3 =	vld [tilespmem:s10+$0x20]  }
.Ltmp0:
0x9b: {  	[tilespmem:s4+$0x0] =	vst.add.f32.msk $0xffff, v5;
	(pc) =	sbr.rel @p0 .LBB2_3-.Ltmp0, $4  }
0x9c: {  	[tilespmem:s4+$0x10] =	vst.add.f32.msk $0xffff, v6  }
0x9d: {  	[tilespmem:s4+$0x20] =	vst.add.f32.msk $0xffff, v7  }
0x9e: {  	[tilespmem:s4+$0x30] =	vst.add.f32.msk $0xffff, v8  }
0x9f: {  	[tilespmem:s4+$0x40] =	vst.add.f32.msk $0xffff, v9  }
0xa0: {  	[tilespmem:s4+$0x50] =	vst.add.f32.msk $0xffff, v4  }
0xa1: {  	[tilespmem:s4+$0x60] =	vst.add.f32.msk $0xffff, v3;
	s29 =	sadd.s32 s31, s2  }
0xa2: {  	v3 =	vld [tilespmem:s29+$0x70]  }
0xa3: {  	v4 =	vld [tilespmem:s29+$0x0]  }
0xa4: {  	v5 =	vld [tilespmem:s29+$0x10]  }
0xa5: {  	v6 =	vld [tilespmem:s29+$0x20]  }
0xa6: {  	v7 =	vld [tilespmem:s29+$0x30]  }
0xa7: {  	v8 =	vld [tilespmem:s29+$0x40]  }
0xa8: {  	s3 =	sadd.s32 s31, s6;
	v9 =	vld [tilespmem:s29+$0x50]  }
0xa9: {  	[tilespmem:s3+$0xF0] =	vst.add.f32.msk $0xffff, v3  }
0xaa: {  	v3 =	vld [tilespmem:s29+$0x60]  }
0xab: {  	[tilespmem:s3+$0x80] =	vst.add.f32.msk $0xffff, v4  }
0xac: {  	[tilespmem:s3+$0x90] =	vst.add.f32.msk $0xffff, v5  }
0xad: {  	[tilespmem:s3+$0xA0] =	vst.add.f32.msk $0xffff, v6  }
0xae: {  	[tilespmem:s3+$0xB0] =	vst.add.f32.msk $0xffff, v7  }
0xaf: {  	[tilespmem:s3+$0xC0] =	vst.add.f32.msk $0xffff, v8  }
0xb0: {  	s4 =	simm.s32 $0x0;
	s2 =	sadd.s32 $0x400, s2;
	[tilespmem:s3+$0xD0] =	vst.add.f32.msk $0xffff, v9  }
.LBB2_5:
0xb1: {  	s5 =	sadd.s32 s31, s2;
	s4 =	sadd.s32 $0x80, s4;
	[tilespmem:s3+$0xE0] =	vst.add.f32.msk $0xffff, v3  }
0xb2: {  	v3 =	vld [tilespmem:s5+$0x70];
	p0 =	slt.u32 s4, $0x380  }
0xb3: {  	v4 =	vld [tilespmem:s5+$0x0]  }
0xb4: {  	v5 =	vld [tilespmem:s5+$0x10]  }
0xb5: {  	s6 =	sadd.s32 $0x400, s6;
	v6 =	vld [tilespmem:s5+$0x20]  }
0xb6: {  	s3 =	sadd.s32 s31, s6;
	v7 =	vld [tilespmem:s5+$0x30]  }
0xb7: {  	[tilespmem:s3+$0xF0] =	vst.add.f32.msk $0xffff, v3  }
0xb8: {  	v8 =	vld [tilespmem:s5+$0x40]  }
0xb9: {  	v9 =	vld [tilespmem:s5+$0x50]  }
0xba: {  	v3 =	vld [tilespmem:s5+$0x60]  }
0xbb: {  	[tilespmem:s3+$0x80] =	vst.add.f32.msk $0xffff, v4  }
.Ltmp1:
0xbc: {  	[tilespmem:s3+$0x90] =	vst.add.f32.msk $0xffff, v5;
	(pc) =	sbr.rel @p0 .LBB2_5-.Ltmp1, $4  }
0xbd: {  	[tilespmem:s3+$0xA0] =	vst.add.f32.msk $0xffff, v6  }
0xbe: {  	[tilespmem:s3+$0xB0] =	vst.add.f32.msk $0xffff, v7  }
0xbf: {  	[tilespmem:s3+$0xC0] =	vst.add.f32.msk $0xffff, v8  }
0xc0: {  	s2 =	sadd.s32 $0x400, s2;
	[tilespmem:s3+$0xD0] =	vst.add.f32.msk $0xffff, v9  }
0xc1: {  	p0 =	slt.u32 s28, $0xE  }
.Ltmp2:
0xc2: {  	_ = 	snop;
	(pc) =	sbr.rel @p0 .LBB2_2-.Ltmp2, $3  }
0xc3: {  	_ =	sdelay $0x1  }
0xc4: {  	s2 =	sadd.s32 $0x2, s28  }
0xc5: {  	[tilespmem:s3+$0xE0] =	vst.add.f32.msk $0xffff, v3;
	s26 =	sadd.s32 $0x1, s26;
	s25 =	sadd.s32 $0x800, s25;
	s28 =	smov.u32 s2  }
0xc6: {  	s25 =	simm.s32 $0x0;
	s2 =	rddreg [dreg:$0x1e]  }
0xc7: {  	[hbm4b:s2+s25] =	stream.linear.scatter [tilespmem:s19], [sflag:$0x3], $0x4000, $0x38;
	[tilespmem:$0x18800] =	vst v63  }
0xc8: {  	_ =	swait.ge [sflag:s23], $0x4000  }
0xc9: {  	[sflag:s23] =	ssyncset.done $0x0  }
0xca: {  	[sflag:s23] =	ssyncadd.s32 $0xFFFFC000  }
0xcb: {  	v3 =	vld [tilespmem:$0x180];
	_ =	sdelay $0x4  }
0xcc: {  	v4 =	vshll.u32 v3, $0x3  }
0xcd: {  	v3 =	vand.u32 $0x7, v3;
	v4 =	vand.u32 $0xFFFFFFC0, v4  }
0xce: {  	v3 =	vor.u32 v3, v4  }
0xcf: {  	v4 =	vperm.xlane v3, v0;
	_ =	sdelay $0x1  }
0xd0: {  	v4 =	vadd.s32 v1, v4;
	_ =	sdelay $0x4  }
0xd1: {  	[tilespmem:s11], [sflag:$0x1] =	stream.indirect_vreg.gather [hbm4b:s0+s25], $0x80, v4, vm0, $0xb8;
	[tilespmem:$0x18800] =	vst v63  }
0xd2: {  	v3 =	vperm.xlane v3, v2  }
0xd3: {  	[tilespmem:s12], [sflag:$0x1] =	stream.indirect_vreg.gather [hbm4b:s7+s25], $0x80, v4, vm0, $0xb8;
	[tilespmem:$0x18800] =	vst v63  }
0xd4: {  	v3 =	vadd.s32 v1, v3  }
0xd5: {  	[tilespmem:s13], [sflag:$0x1] =	stream.indirect_vreg.gather [hbm4b:s8+s25], $0x80, v4, vm0, $0xb8;
	[tilespmem:$0x18800] =	vst v63  }
0xd6: {  	_ = 	snop  }
0xd7: {  	[tilespmem:s14], [sflag:$0x1] =	stream.indirect_vreg.gather [hbm4b:s9+s25], $0x80, v4, vm0, $0xb8;
	[tilespmem:$0x18800] =	vst v63  }
0xd8: {  	_ = 	snop  }
0xd9: {  	[tilespmem:s15], [sflag:$0x1] =	stream.indirect_vreg.gather [hbm4b:s0+s25], $0x80, v3, vm0, $0xb8;
	[tilespmem:$0x18800] =	vst v63  }
0xda: {  	_ = 	snop  }
0xdb: {  	[tilespmem:s16], [sflag:$0x1] =	stream.indirect_vreg.gather [hbm4b:s7+s25], $0x80, v3, vm0, $0xb8;
	[tilespmem:$0x18800] =	vst v63  }
0xdc: {  	_ = 	snop  }
0xdd: {  	[tilespmem:s17], [sflag:$0x1] =	stream.indirect_vreg.gather [hbm4b:s8+s25], $0x80, v3, vm0, $0xb8;
	[tilespmem:$0x18800] =	vst v63  }
0xde: {  	_ = 	snop  }
0xdf: {  	[tilespmem:s18], [sflag:$0x1] =	stream.indirect_vreg.gather [hbm4b:s9+s25], $0x80, v3, vm0, $0xb8;
	[tilespmem:$0x18800] =	vst v63  }
0xe0: {  	s31 =	rddreg [dreg:$0x7]  }
0xe1: {  	[tilespmem:s19], [sflag:$0x2] =	stream.linear.gather [hbm4b:s31+s25], $0x4000, $0x38;
	[tilespmem:$0x18800] =	vst v63  }
0xe2: {  	_ =	swait.ge [sflag:s21], $0x4000  }
0xe3: {  	[sflag:s21] =	ssyncset.done $0x0  }
0xe4: {  	[sflag:s21] =	ssyncadd.s32 $0xFFFFC000  }
0xe5: {  	_ =	swait.ge [sflag:s22], $0x4000  }
0xe6: {  	[sflag:s22] =	ssyncset.done $0x0  }
0xe7: {  	s26 =	simm.s32 $0x0;
	s28 =	simm.s32 $0x0;
	[sflag:s22] =	ssyncadd.s32 $0xFFFFC000  }
.LBB2_8:
0xe8: {  	s2 =	sshll.u32 s28, $0xA  }
0xe9: {  	s5 =	sand.u32 $0x3FFFE000, s26;
	s2 =	sand.u32 $0xC00, s2  }
0xea: {  	s3 =	sadd.s32 $0x10840, s5;
	s31 =	sshrl.u32 s2, $0x2  }
0xeb: {  	s2 =	sadd.s32 s31, s3  }
0xec: {  	v3 =	vld [tilespmem:s2+$0x30]  }
0xed: {  	v5 =	vld [tilespmem:s2+$0xFFFFFFC0]  }
0xee: {  	v6 =	vld [tilespmem:s2+$0xFFFFFFD0]  }
0xef: {  	v7 =	vld [tilespmem:s2+$0xFFFFFFE0]  }
0xf0: {  	v8 =	vld [tilespmem:s2+$0xFFFFFFF0]  }
0xf1: {  	s29 =	sadd.s32 $0x4800, s5;
	v9 =	vld [tilespmem:s2+$0x0]  }
0xf2: {  	s4 =	sadd.s32 s31, s29;
	v4 =	vld [tilespmem:s2+$0x10]  }
0xf3: {  	[tilespmem:s4+$0x70] =	vst.add.f32.msk $0xffff, v3  }
0xf4: {  	v3 =	vld [tilespmem:s2+$0x20]  }
0xf5: {  	[tilespmem:s4+$0x0] =	vst.add.f32.msk $0xffff, v5  }
0xf6: {  	[tilespmem:s4+$0x10] =	vst.add.f32.msk $0xffff, v6  }
0xf7: {  	[tilespmem:s4+$0x20] =	vst.add.f32.msk $0xffff, v7  }
0xf8: {  	[tilespmem:s4+$0x30] =	vst.add.f32.msk $0xffff, v8  }
0xf9: {  	s6 =	smov.u32 s29;
	s2 =	sadd.s32 $0x10880, s5;
	s5 =	simm.s32 $0x0;
	[tilespmem:s4+$0x40] =	vst.add.f32.msk $0xffff, v9  }
.LBB2_9:
0xfa: {  	s5 =	sadd.s32 $0x80, s5;
	[tilespmem:s4+$0x50] =	vst.add.f32.msk $0xffff, v4;
	s3 =	sadd.s32 $0x400, s3  }
0xfb: {  	s10 =	sadd.s32 s31, s3;
	p0 =	slt.u32 s5, $0x380;
	[tilespmem:s4+$0x60] =	vst.add.f32.msk $0xffff, v3  }
0xfc: {  	v3 =	vld [tilespmem:s10+$0x30]  }
0xfd: {  	v5 =	vld [tilespmem:s10+$0xFFFFFFC0]  }
0xfe: {  	v6 =	vld [tilespmem:s10+$0xFFFFFFD0]  }
0xff: {  	s6 =	sadd.s32 $0x400, s6;
	v7 =	vld [tilespmem:s10+$0xFFFFFFE0]  }
0x100: {  	s4 =	sadd.s32 s31, s6;
	v8 =	vld [tilespmem:s10+$0xFFFFFFF0]  }
0x101: {  	[tilespmem:s4+$0x70] =	vst.add.f32.msk $0xffff, v3  }
0x102: {  	v9 =	vld [tilespmem:s10+$0x0]  }
0x103: {  	v4 =	vld [tilespmem:s10+$0x10]  }
0x104: {  	v3 =	vld [tilespmem:s10+$0x20]  }
.Ltmp3:
0x105: {  	[tilespmem:s4+$0x0] =	vst.add.f32.msk $0xffff, v5;
	(pc) =	sbr.rel @p0 .LBB2_9-.Ltmp3, $4  }
0x106: {  	[tilespmem:s4+$0x10] =	vst.add.f32.msk $0xffff, v6  }
0x107: {  	[tilespmem:s4+$0x20] =	vst.add.f32.msk $0xffff, v7  }
0x108: {  	[tilespmem:s4+$0x30] =	vst.add.f32.msk $0xffff, v8  }
0x109: {  	[tilespmem:s4+$0x40] =	vst.add.f32.msk $0xffff, v9  }
0x10a: {  	[tilespmem:s4+$0x50] =	vst.add.f32.msk $0xffff, v4  }
0x10b: {  	[tilespmem:s4+$0x60] =	vst.add.f32.msk $0xffff, v3;
	s10 =	sadd.s32 s31, s2  }
0x10c: {  	v3 =	vld [tilespmem:s10+$0x70]  }
0x10d: {  	v4 =	vld [tilespmem:s10+$0x0]  }
0x10e: {  	v5 =	vld [tilespmem:s10+$0x10]  }
0x10f: {  	v6 =	vld [tilespmem:s10+$0x20]  }
0x110: {  	v7 =	vld [tilespmem:s10+$0x30]  }
0x111: {  	v8 =	vld [tilespmem:s10+$0x40]  }
0x112: {  	s3 =	sadd.s32 s31, s29;
	v9 =	vld [tilespmem:s10+$0x50]  }
0x113: {  	[tilespmem:s3+$0xF0] =	vst.add.f32.msk $0xffff, v3  }
0x114: {  	v3 =	vld [tilespmem:s10+$0x60]  }
0x115: {  	[tilespmem:s3+$0x80] =	vst.add.f32.msk $0xffff, v4  }
0x116: {  	[tilespmem:s3+$0x90] =	vst.add.f32.msk $0xffff, v5  }
0x117: {  	[tilespmem:s3+$0xA0] =	vst.add.f32.msk $0xffff, v6  }
0x118: {  	[tilespmem:s3+$0xB0] =	vst.add.f32.msk $0xffff, v7  }
0x119: {  	[tilespmem:s3+$0xC0] =	vst.add.f32.msk $0xffff, v8  }
0x11a: {  	s4 =	simm.s32 $0x0;
	s2 =	sadd.s32 $0x400, s2;
	[tilespmem:s3+$0xD0] =	vst.add.f32.msk $0xffff, v9  }
.LBB2_11:
0x11b: {  	s5 =	sadd.s32 s31, s2;
	s4 =	sadd.s32 $0x80, s4;
	[tilespmem:s3+$0xE0] =	vst.add.f32.msk $0xffff, v3  }
0x11c: {  	v3 =	vld [tilespmem:s5+$0x70];
	p0 =	slt.u32 s4, $0x380  }
0x11d: {  	v4 =	vld [tilespmem:s5+$0x0]  }
0x11e: {  	v5 =	vld [tilespmem:s5+$0x10]  }
0x11f: {  	s29 =	sadd.s32 $0x400, s29;
	v6 =	vld [tilespmem:s5+$0x20]  }
0x120: {  	s3 =	sadd.s32 s31, s29;
	v7 =	vld [tilespmem:s5+$0x30]  }
0x121: {  	[tilespmem:s3+$0xF0] =	vst.add.f32.msk $0xffff, v3  }
0x122: {  	v8 =	vld [tilespmem:s5+$0x40]  }
0x123: {  	v9 =	vld [tilespmem:s5+$0x50]  }
0x124: {  	v3 =	vld [tilespmem:s5+$0x60]  }
0x125: {  	[tilespmem:s3+$0x80] =	vst.add.f32.msk $0xffff, v4  }
.Ltmp4:
0x126: {  	[tilespmem:s3+$0x90] =	vst.add.f32.msk $0xffff, v5;
	(pc) =	sbr.rel @p0 .LBB2_11-.Ltmp4, $4  }
0x127: {  	[tilespmem:s3+$0xA0] =	vst.add.f32.msk $0xffff, v6  }
0x128: {  	[tilespmem:s3+$0xB0] =	vst.add.f32.msk $0xffff, v7  }
0x129: {  	[tilespmem:s3+$0xC0] =	vst.add.f32.msk $0xffff, v8  }
0x12a: {  	s2 =	sadd.s32 $0x400, s2;
	[tilespmem:s3+$0xD0] =	vst.add.f32.msk $0xffff, v9  }
0x12b: {  	p0 =	slt.u32 s25, $0xE  }
.Ltmp5:
0x12c: {  	_ = 	snop;
	(pc) =	sbr.rel @p0 .LBB2_8-.Ltmp5, $3  }
0x12d: {  	_ =	sdelay $0x1  }
0x12e: {  	s2 =	sadd.s32 $0x2, s25  }
0x12f: {  	[tilespmem:s3+$0xE0] =	vst.add.f32.msk $0xffff, v3;
	s28 =	sadd.s32 $0x1, s28;
	s26 =	sadd.s32 $0x800, s26;
	s25 =	smov.u32 s2  }
0x130: {  	s25 =	simm.s32 $0x0;
	s2 =	rddreg [dreg:$0x8]  }
0x131: {  	[hbm4b:s2+s25] =	stream.linear.scatter [tilespmem:s30], [sflag:$0x3], $0x4000, $0x38;
	[tilespmem:$0x18800] =	vst v63  }
0x132: {  	_ =	swait.ge [sflag:s23], $0x4000  }
0x133: {  	[sflag:s23] =	ssyncset.done $0x0  }
0x134: {  	[sflag:s23] =	ssyncadd.s32 $0xFFFFC000  }
0x135: {  	v3 =	vld [tilespmem:$0x200];
	_ =	sdelay $0x4  }
0x136: {  	v4 =	vshll.u32 v3, $0x3  }
0x137: {  	v3 =	vand.u32 $0x7, v3;
	v4 =	vand.u32 $0xFFFFFFC0, v4  }
0x138: {  	v3 =	vor.u32 v3, v4  }
0x139: {  	v4 =	vperm.xlane v3, v0;
	_ =	sdelay $0x1  }
0x13a: {  	v4 =	vadd.s32 v1, v4;
	_ =	sdelay $0x3  }
0x13b: {  	s31 =	simm.s32 $0x10800  }
0x13c: {  	[tilespmem:s31], [sflag:$0x1] =	stream.indirect_vreg.gather [hbm4b:s0+s25], $0x80, v4, vm0, $0xb8;
	[tilespmem:$0x18800] =	vst v63  }
0x13d: {  	s3 =	simm.s32 $0x11000;
	v3 =	vperm.xlane v3, v2  }
0x13e: {  	[tilespmem:s3], [sflag:$0x1] =	stream.indirect_vreg.gather [hbm4b:s7+s25], $0x80, v4, vm0, $0xb8;
	[tilespmem:$0x18800] =	vst v63  }
0x13f: {  	s4 =	simm.s32 $0x11800;
	v3 =	vadd.s32 v1, v3  }
0x140: {  	[tilespmem:s4], [sflag:$0x1] =	stream.indirect_vreg.gather [hbm4b:s8+s25], $0x80, v4, vm0, $0xb8;
	[tilespmem:$0x18800] =	vst v63  }
0x141: {  	s5 =	simm.s32 $0x12000  }
0x142: {  	[tilespmem:s5], [sflag:$0x1] =	stream.indirect_vreg.gather [hbm4b:s9+s25], $0x80, v4, vm0, $0xb8;
	[tilespmem:$0x18800] =	vst v63  }
0x143: {  	s6 =	simm.s32 $0x12800  }
0x144: {  	[tilespmem:s6], [sflag:$0x1] =	stream.indirect_vreg.gather [hbm4b:s0+s25], $0x80, v3, vm0, $0xb8;
	[tilespmem:$0x18800] =	vst v63  }
0x145: {  	s10 =	simm.s32 $0x13000  }
0x146: {  	[tilespmem:s10], [sflag:$0x1] =	stream.indirect_vreg.gather [hbm4b:s7+s25], $0x80, v3, vm0, $0xb8;
	[tilespmem:$0x18800] =	vst v63  }
0x147: {  	s26 =	simm.s32 $0x13800  }
0x148: {  	[tilespmem:s26], [sflag:$0x1] =	stream.indirect_vreg.gather [hbm4b:s8+s25], $0x80, v3, vm0, $0xb8;
	[tilespmem:$0x18800] =	vst v63  }
0x149: {  	s29 =	simm.s32 $0x14000  }
0x14a: {  	[tilespmem:s29], [sflag:$0x1] =	stream.indirect_vreg.gather [hbm4b:s9+s25], $0x80, v3, vm0, $0xb8;
	[tilespmem:$0x18800] =	vst v63  }
0x14b: {  	s31 =	rddreg [dreg:$0x9]  }
0x14c: {  	[tilespmem:s30], [sflag:$0x2] =	stream.linear.gather [hbm4b:s31+s25], $0x4000, $0x38;
	[tilespmem:$0x18800] =	vst v63  }
0x14d: {  	_ =	swait.ge [sflag:s21], $0x4000  }
0x14e: {  	[sflag:s21] =	ssyncset.done $0x0  }
0x14f: {  	[sflag:s21] =	ssyncadd.s32 $0xFFFFC000  }
0x150: {  	_ =	swait.ge [sflag:s22], $0x4000  }
0x151: {  	[sflag:s22] =	ssyncset.done $0x0  }
0x152: {  	s28 =	simm.s32 $0x0;
	s26 =	simm.s32 $0x0;
	[sflag:s22] =	ssyncadd.s32 $0xFFFFC000  }
.LBB2_14:
0x153: {  	s2 =	sshll.u32 s28, $0xA  }
0x154: {  	s5 =	sand.u32 $0x3FFFE000, s26;
	s2 =	sand.u32 $0xC00, s2  }
0x155: {  	s3 =	sadd.s32 $0x14840, s5;
	s31 =	sshrl.u32 s2, $0x2  }
0x156: {  	s2 =	sadd.s32 s31, s3  }
0x157: {  	v3 =	vld [tilespmem:s2+$0x30]  }
0x158: {  	v5 =	vld [tilespmem:s2+$0xFFFFFFC0]  }
0x159: {  	v6 =	vld [tilespmem:s2+$0xFFFFFFD0]  }
0x15a: {  	v7 =	vld [tilespmem:s2+$0xFFFFFFE0]  }
0x15b: {  	v8 =	vld [tilespmem:s2+$0xFFFFFFF0]  }
0x15c: {  	s29 =	sadd.s32 $0x8800, s5;
	v9 =	vld [tilespmem:s2+$0x0]  }
0x15d: {  	s4 =	sadd.s32 s31, s29;
	v4 =	vld [tilespmem:s2+$0x10]  }
0x15e: {  	[tilespmem:s4+$0x70] =	vst.add.f32.msk $0xffff, v3  }
0x15f: {  	v3 =	vld [tilespmem:s2+$0x20]  }
0x160: {  	[tilespmem:s4+$0x0] =	vst.add.f32.msk $0xffff, v5  }
0x161: {  	[tilespmem:s4+$0x10] =	vst.add.f32.msk $0xffff, v6  }
0x162: {  	[tilespmem:s4+$0x20] =	vst.add.f32.msk $0xffff, v7  }
0x163: {  	[tilespmem:s4+$0x30] =	vst.add.f32.msk $0xffff, v8  }
0x164: {  	s6 =	smov.u32 s29;
	s2 =	sadd.s32 $0x14880, s5;
	s5 =	simm.s32 $0x0;
	[tilespmem:s4+$0x40] =	vst.add.f32.msk $0xffff, v9  }
.LBB2_15:
0x165: {  	s5 =	sadd.s32 $0x80, s5;
	[tilespmem:s4+$0x50] =	vst.add.f32.msk $0xffff, v4;
	s3 =	sadd.s32 $0x400, s3  }
0x166: {  	s10 =	sadd.s32 s31, s3;
	p0 =	slt.u32 s5, $0x380;
	[tilespmem:s4+$0x60] =	vst.add.f32.msk $0xffff, v3  }
0x167: {  	v3 =	vld [tilespmem:s10+$0x30]  }
0x168: {  	v5 =	vld [tilespmem:s10+$0xFFFFFFC0]  }
0x169: {  	v6 =	vld [tilespmem:s10+$0xFFFFFFD0]  }
0x16a: {  	s6 =	sadd.s32 $0x400, s6;
	v7 =	vld [tilespmem:s10+$0xFFFFFFE0]  }
0x16b: {  	s4 =	sadd.s32 s31, s6;
	v8 =	vld [tilespmem:s10+$0xFFFFFFF0]  }
0x16c: {  	[tilespmem:s4+$0x70] =	vst.add.f32.msk $0xffff, v3  }
0x16d: {  	v9 =	vld [tilespmem:s10+$0x0]  }
0x16e: {  	v4 =	vld [tilespmem:s10+$0x10]  }
0x16f: {  	v3 =	vld [tilespmem:s10+$0x20]  }
.Ltmp6:
0x170: {  	[tilespmem:s4+$0x0] =	vst.add.f32.msk $0xffff, v5;
	(pc) =	sbr.rel @p0 .LBB2_15-.Ltmp6, $4  }
0x171: {  	[tilespmem:s4+$0x10] =	vst.add.f32.msk $0xffff, v6  }
0x172: {  	[tilespmem:s4+$0x20] =	vst.add.f32.msk $0xffff, v7  }
0x173: {  	[tilespmem:s4+$0x30] =	vst.add.f32.msk $0xffff, v8  }
0x174: {  	[tilespmem:s4+$0x40] =	vst.add.f32.msk $0xffff, v9  }
0x175: {  	[tilespmem:s4+$0x50] =	vst.add.f32.msk $0xffff, v4  }
0x176: {  	[tilespmem:s4+$0x60] =	vst.add.f32.msk $0xffff, v3;
	s10 =	sadd.s32 s31, s2  }
0x177: {  	v3 =	vld [tilespmem:s10+$0x70]  }
0x178: {  	v4 =	vld [tilespmem:s10+$0x0]  }
0x179: {  	v5 =	vld [tilespmem:s10+$0x10]  }
0x17a: {  	v6 =	vld [tilespmem:s10+$0x20]  }
0x17b: {  	v7 =	vld [tilespmem:s10+$0x30]  }
0x17c: {  	v8 =	vld [tilespmem:s10+$0x40]  }
0x17d: {  	s3 =	sadd.s32 s31, s29;
	v9 =	vld [tilespmem:s10+$0x50]  }
0x17e: {  	[tilespmem:s3+$0xF0] =	vst.add.f32.msk $0xffff, v3  }
0x17f: {  	v3 =	vld [tilespmem:s10+$0x60]  }
0x180: {  	[tilespmem:s3+$0x80] =	vst.add.f32.msk $0xffff, v4  }
0x181: {  	[tilespmem:s3+$0x90] =	vst.add.f32.msk $0xffff, v5  }
0x182: {  	[tilespmem:s3+$0xA0] =	vst.add.f32.msk $0xffff, v6  }
0x183: {  	[tilespmem:s3+$0xB0] =	vst.add.f32.msk $0xffff, v7  }
0x184: {  	[tilespmem:s3+$0xC0] =	vst.add.f32.msk $0xffff, v8  }
0x185: {  	s4 =	simm.s32 $0x0;
	s2 =	sadd.s32 $0x400, s2;
	[tilespmem:s3+$0xD0] =	vst.add.f32.msk $0xffff, v9  }
.LBB2_17:
0x186: {  	s5 =	sadd.s32 s31, s2;
	s4 =	sadd.s32 $0x80, s4;
	[tilespmem:s3+$0xE0] =	vst.add.f32.msk $0xffff, v3  }
0x187: {  	v3 =	vld [tilespmem:s5+$0x70];
	p0 =	slt.u32 s4, $0x380  }
0x188: {  	v4 =	vld [tilespmem:s5+$0x0]  }
0x189: {  	v5 =	vld [tilespmem:s5+$0x10]  }
0x18a: {  	s29 =	sadd.s32 $0x400, s29;
	v6 =	vld [tilespmem:s5+$0x20]  }
0x18b: {  	s3 =	sadd.s32 s31, s29;
	v7 =	vld [tilespmem:s5+$0x30]  }
0x18c: {  	[tilespmem:s3+$0xF0] =	vst.add.f32.msk $0xffff, v3  }
0x18d: {  	v8 =	vld [tilespmem:s5+$0x40]  }
0x18e: {  	v9 =	vld [tilespmem:s5+$0x50]  }
0x18f: {  	v3 =	vld [tilespmem:s5+$0x60]  }
0x190: {  	[tilespmem:s3+$0x80] =	vst.add.f32.msk $0xffff, v4  }
.Ltmp7:
0x191: {  	[tilespmem:s3+$0x90] =	vst.add.f32.msk $0xffff, v5;
	(pc) =	sbr.rel @p0 .LBB2_17-.Ltmp7, $4  }
0x192: {  	[tilespmem:s3+$0xA0] =	vst.add.f32.msk $0xffff, v6  }
0x193: {  	[tilespmem:s3+$0xB0] =	vst.add.f32.msk $0xffff, v7  }
0x194: {  	[tilespmem:s3+$0xC0] =	vst.add.f32.msk $0xffff, v8  }
0x195: {  	s2 =	sadd.s32 $0x400, s2;
	[tilespmem:s3+$0xD0] =	vst.add.f32.msk $0xffff, v9  }
0x196: {  	p0 =	slt.u32 s25, $0xE  }
.Ltmp8:
0x197: {  	_ = 	snop;
	(pc) =	sbr.rel @p0 .LBB2_14-.Ltmp8, $3  }
0x198: {  	_ =	sdelay $0x1  }
0x199: {  	s2 =	sadd.s32 $0x2, s25  }
0x19a: {  	[tilespmem:s3+$0xE0] =	vst.add.f32.msk $0xffff, v3;
	s28 =	sadd.s32 $0x1, s28;
	s26 =	sadd.s32 $0x800, s26;
	s25 =	smov.u32 s2  }
0x19b: {  	s25 =	simm.s32 $0x0;
	s2 =	rddreg [dreg:$0xa]  }
0x19c: {  	[hbm4b:s2+s25] =	stream.linear.scatter [tilespmem:s20], [sflag:$0x3], $0x4000, $0x38;
	[tilespmem:$0x18800] =	vst v63  }
0x19d: {  	_ =	swait.ge [sflag:s23], $0x4000  }
0x19e: {  	[sflag:s23] =	ssyncset.done $0x0  }
0x19f: {  	[sflag:s23] =	ssyncadd.s32 $0xFFFFC000  }
0x1a0: {  	v3 =	vld [tilespmem:$0x280];
	_ =	sdelay $0x4  }
0x1a1: {  	v4 =	vshll.u32 v3, $0x3  }
0x1a2: {  	v3 =	vand.u32 $0x7, v3;
	v4 =	vand.u32 $0xFFFFFFC0, v4  }
0x1a3: {  	v3 =	vor.u32 v3, v4  }
0x1a4: {  	v4 =	vperm.xlane v3, v0;
	_ =	sdelay $0x1  }
0x1a5: {  	v4 =	vadd.s32 v1, v4;
	_ =	sdelay $0x3  }
0x1a6: {  	s31 =	simm.s32 $0x14800  }
0x1a7: {  	[tilespmem:s31], [sflag:$0x1] =	stream.indirect_vreg.gather [hbm4b:s0+s25], $0x80, v4, vm0, $0xb8;
	[tilespmem:$0x18800] =	vst v63  }
0x1a8: {  	s3 =	simm.s32 $0x15000;
	v3 =	vperm.xlane v3, v2  }
0x1a9: {  	[tilespmem:s3], [sflag:$0x1] =	stream.indirect_vreg.gather [hbm4b:s7+s25], $0x80, v4, vm0, $0xb8;
	[tilespmem:$0x18800] =	vst v63  }
0x1aa: {  	s4 =	simm.s32 $0x15800;
	v3 =	vadd.s32 v1, v3  }
0x1ab: {  	[tilespmem:s4], [sflag:$0x1] =	stream.indirect_vreg.gather [hbm4b:s8+s25], $0x80, v4, vm0, $0xb8;
	[tilespmem:$0x18800] =	vst v63  }
0x1ac: {  	s5 =	simm.s32 $0x16000  }
0x1ad: {  	[tilespmem:s5], [sflag:$0x1] =	stream.indirect_vreg.gather [hbm4b:s9+s25], $0x80, v4, vm0, $0xb8;
	[tilespmem:$0x18800] =	vst v63  }
0x1ae: {  	s6 =	simm.s32 $0x16800  }
0x1af: {  	[tilespmem:s6], [sflag:$0x1] =	stream.indirect_vreg.gather [hbm4b:s0+s25], $0x80, v3, vm0, $0xb8;
	[tilespmem:$0x18800] =	vst v63  }
0x1b0: {  	s10 =	simm.s32 $0x17000  }
0x1b1: {  	[tilespmem:s10], [sflag:$0x1] =	stream.indirect_vreg.gather [hbm4b:s7+s25], $0x80, v3, vm0, $0xb8;
	[tilespmem:$0x18800] =	vst v63  }
0x1b2: {  	s26 =	simm.s32 $0x17800  }
0x1b3: {  	[tilespmem:s26], [sflag:$0x1] =	stream.indirect_vreg.gather [hbm4b:s8+s25], $0x80, v3, vm0, $0xb8;
	[tilespmem:$0x18800] =	vst v63  }
0x1b4: {  	s29 =	simm.s32 $0x18000  }
0x1b5: {  	[tilespmem:s29], [sflag:$0x1] =	stream.indirect_vreg.gather [hbm4b:s9+s25], $0x80, v3, vm0, $0xb8;
	[tilespmem:$0x18800] =	vst v63  }
0x1b6: {  	s31 =	rddreg [dreg:$0xb]  }
0x1b7: {  	[tilespmem:s20], [sflag:$0x2] =	stream.linear.gather [hbm4b:s31+s25], $0x4000, $0x38;
	[tilespmem:$0x18800] =	vst v63  }
0x1b8: {  	_ =	swait.ge [sflag:s21], $0x4000  }
0x1b9: {  	[sflag:s21] =	ssyncset.done $0x0  }
0x1ba: {  	[sflag:s21] =	ssyncadd.s32 $0xFFFFC000  }
0x1bb: {  	_ =	swait.ge [sflag:s22], $0x4000  }
0x1bc: {  	[sflag:s22] =	ssyncset.done $0x0  }
0x1bd: {  	s28 =	simm.s32 $0x0;
	s26 =	simm.s32 $0x0;
	[sflag:s22] =	ssyncadd.s32 $0xFFFFC000  }
.LBB2_20:
0x1be: {  	s2 =	sshll.u32 s28, $0xA  }
0x1bf: {  	s5 =	sand.u32 $0x3FFFE000, s26;
	s2 =	sand.u32 $0xC00, s2  }
0x1c0: {  	s3 =	sadd.s32 $0xC840, s5;
	s31 =	sshrl.u32 s2, $0x2  }
0x1c1: {  	s2 =	sadd.s32 s31, s3  }
0x1c2: {  	v3 =	vld [tilespmem:s2+$0x30]  }
0x1c3: {  	v5 =	vld [tilespmem:s2+$0xFFFFFFC0]  }
0x1c4: {  	v6 =	vld [tilespmem:s2+$0xFFFFFFD0]  }
0x1c5: {  	v7 =	vld [tilespmem:s2+$0xFFFFFFE0]  }
0x1c6: {  	v8 =	vld [tilespmem:s2+$0xFFFFFFF0]  }
0x1c7: {  	s29 =	sor.u32 $0x800, s5;
	v9 =	vld [tilespmem:s2+$0x0]  }
0x1c8: {  	s4 =	sadd.s32 s31, s29;
	v4 =	vld [tilespmem:s2+$0x10]  }
0x1c9: {  	[tilespmem:s4+$0x70] =	vst.add.f32.msk $0xffff, v3  }
0x1ca: {  	v3 =	vld [tilespmem:s2+$0x20]  }
0x1cb: {  	[tilespmem:s4+$0x0] =	vst.add.f32.msk $0xffff, v5  }
0x1cc: {  	[tilespmem:s4+$0x10] =	vst.add.f32.msk $0xffff, v6  }
0x1cd: {  	[tilespmem:s4+$0x20] =	vst.add.f32.msk $0xffff, v7  }
0x1ce: {  	[tilespmem:s4+$0x30] =	vst.add.f32.msk $0xffff, v8  }
0x1cf: {  	s6 =	smov.u32 s29;
	s2 =	sadd.s32 $0xC880, s5;
	s5 =	simm.s32 $0x0;
	[tilespmem:s4+$0x40] =	vst.add.f32.msk $0xffff, v9  }
.LBB2_21:
0x1d0: {  	s5 =	sadd.s32 $0x80, s5;
	[tilespmem:s4+$0x50] =	vst.add.f32.msk $0xffff, v4;
	s3 =	sadd.s32 $0x400, s3  }
0x1d1: {  	s10 =	sadd.s32 s31, s3;
	p0 =	slt.u32 s5, $0x380;
	[tilespmem:s4+$0x60] =	vst.add.f32.msk $0xffff, v3  }
0x1d2: {  	v3 =	vld [tilespmem:s10+$0x30]  }
0x1d3: {  	v5 =	vld [tilespmem:s10+$0xFFFFFFC0]  }
0x1d4: {  	v6 =	vld [tilespmem:s10+$0xFFFFFFD0]  }
0x1d5: {  	s6 =	sadd.s32 $0x400, s6;
	v7 =	vld [tilespmem:s10+$0xFFFFFFE0]  }
0x1d6: {  	s4 =	sadd.s32 s31, s6;
	v8 =	vld [tilespmem:s10+$0xFFFFFFF0]  }
0x1d7: {  	[tilespmem:s4+$0x70] =	vst.add.f32.msk $0xffff, v3  }
0x1d8: {  	v9 =	vld [tilespmem:s10+$0x0]  }
0x1d9: {  	v4 =	vld [tilespmem:s10+$0x10]  }
0x1da: {  	v3 =	vld [tilespmem:s10+$0x20]  }
.Ltmp9:
0x1db: {  	[tilespmem:s4+$0x0] =	vst.add.f32.msk $0xffff, v5;
	(pc) =	sbr.rel @p0 .LBB2_21-.Ltmp9, $4  }
0x1dc: {  	[tilespmem:s4+$0x10] =	vst.add.f32.msk $0xffff, v6  }
0x1dd: {  	[tilespmem:s4+$0x20] =	vst.add.f32.msk $0xffff, v7  }
0x1de: {  	[tilespmem:s4+$0x30] =	vst.add.f32.msk $0xffff, v8  }
0x1df: {  	[tilespmem:s4+$0x40] =	vst.add.f32.msk $0xffff, v9  }
0x1e0: {  	[tilespmem:s4+$0x50] =	vst.add.f32.msk $0xffff, v4  }
0x1e1: {  	[tilespmem:s4+$0x60] =	vst.add.f32.msk $0xffff, v3;
	s10 =	sadd.s32 s31, s2  }
0x1e2: {  	v3 =	vld [tilespmem:s10+$0x70]  }
0x1e3: {  	v4 =	vld [tilespmem:s10+$0x0]  }
0x1e4: {  	v5 =	vld [tilespmem:s10+$0x10]  }
0x1e5: {  	v6 =	vld [tilespmem:s10+$0x20]  }
0x1e6: {  	v7 =	vld [tilespmem:s10+$0x30]  }
0x1e7: {  	v8 =	vld [tilespmem:s10+$0x40]  }
0x1e8: {  	s3 =	sadd.s32 s31, s29;
	v9 =	vld [tilespmem:s10+$0x50]  }
0x1e9: {  	[tilespmem:s3+$0xF0] =	vst.add.f32.msk $0xffff, v3  }
0x1ea: {  	v3 =	vld [tilespmem:s10+$0x60]  }
0x1eb: {  	[tilespmem:s3+$0x80] =	vst.add.f32.msk $0xffff, v4  }
0x1ec: {  	[tilespmem:s3+$0x90] =	vst.add.f32.msk $0xffff, v5  }
0x1ed: {  	[tilespmem:s3+$0xA0] =	vst.add.f32.msk $0xffff, v6  }
0x1ee: {  	[tilespmem:s3+$0xB0] =	vst.add.f32.msk $0xffff, v7  }
0x1ef: {  	[tilespmem:s3+$0xC0] =	vst.add.f32.msk $0xffff, v8  }
0x1f0: {  	s4 =	simm.s32 $0x0;
	s2 =	sadd.s32 $0x400, s2;
	[tilespmem:s3+$0xD0] =	vst.add.f32.msk $0xffff, v9  }
.LBB2_23:
0x1f1: {  	s5 =	sadd.s32 s31, s2;
	s4 =	sadd.s32 $0x80, s4;
	[tilespmem:s3+$0xE0] =	vst.add.f32.msk $0xffff, v3  }
0x1f2: {  	v3 =	vld [tilespmem:s5+$0x70];
	p0 =	slt.u32 s4, $0x380  }
0x1f3: {  	v4 =	vld [tilespmem:s5+$0x0]  }
0x1f4: {  	v5 =	vld [tilespmem:s5+$0x10]  }
0x1f5: {  	s29 =	sadd.s32 $0x400, s29;
	v6 =	vld [tilespmem:s5+$0x20]  }
0x1f6: {  	s3 =	sadd.s32 s31, s29;
	v7 =	vld [tilespmem:s5+$0x30]  }
0x1f7: {  	[tilespmem:s3+$0xF0] =	vst.add.f32.msk $0xffff, v3  }
0x1f8: {  	v8 =	vld [tilespmem:s5+$0x40]  }
0x1f9: {  	v9 =	vld [tilespmem:s5+$0x50]  }
0x1fa: {  	v3 =	vld [tilespmem:s5+$0x60]  }
0x1fb: {  	[tilespmem:s3+$0x80] =	vst.add.f32.msk $0xffff, v4  }
.Ltmp10:
0x1fc: {  	[tilespmem:s3+$0x90] =	vst.add.f32.msk $0xffff, v5;
	(pc) =	sbr.rel @p0 .LBB2_23-.Ltmp10, $4  }
0x1fd: {  	[tilespmem:s3+$0xA0] =	vst.add.f32.msk $0xffff, v6  }
0x1fe: {  	[tilespmem:s3+$0xB0] =	vst.add.f32.msk $0xffff, v7  }
0x1ff: {  	[tilespmem:s3+$0xC0] =	vst.add.f32.msk $0xffff, v8  }
0x200: {  	s2 =	sadd.s32 $0x400, s2;
	[tilespmem:s3+$0xD0] =	vst.add.f32.msk $0xffff, v9  }
0x201: {  	p0 =	slt.u32 s25, $0xE  }
.Ltmp11:
0x202: {  	_ = 	snop;
	(pc) =	sbr.rel @p0 .LBB2_20-.Ltmp11, $3  }
0x203: {  	_ =	sdelay $0x1  }
0x204: {  	s2 =	sadd.s32 $0x2, s25  }
0x205: {  	[tilespmem:s3+$0xE0] =	vst.add.f32.msk $0xffff, v3;
	s28 =	sadd.s32 $0x1, s28;
	s26 =	sadd.s32 $0x800, s26;
	s25 =	smov.u32 s2  }
0x206: {  	s25 =	simm.s32 $0x0;
	s2 =	rddreg [dreg:$0xc]  }
0x207: {  	[hbm4b:s2+s25] =	stream.linear.scatter [tilespmem:s19], [sflag:$0x3], $0x4000, $0x38;
	[tilespmem:$0x18800] =	vst v63  }
0x208: {  	_ =	swait.ge [sflag:s23], $0x4000  }
0x209: {  	[sflag:s23] =	ssyncset.done $0x0  }
0x20a: {  	[sflag:s23] =	ssyncadd.s32 $0xFFFFC000  }
0x20b: {  	v3 =	vld [tilespmem:$0x300];
	_ =	sdelay $0x4  }
0x20c: {  	v4 =	vshll.u32 v3, $0x3  }
0x20d: {  	v3 =	vand.u32 $0x7, v3;
	v4 =	vand.u32 $0xFFFFFFC0, v4  }
0x20e: {  	v3 =	vor.u32 v3, v4  }
0x20f: {  	v4 =	vperm.xlane v3, v0;
	_ =	sdelay $0x1  }
0x210: {  	v4 =	vadd.s32 v1, v4;
	_ =	sdelay $0x4  }
0x211: {  	[tilespmem:s11], [sflag:$0x1] =	stream.indirect_vreg.gather [hbm4b:s0+s25], $0x80, v4, vm0, $0xb8;
	[tilespmem:$0x18800] =	vst v63  }
0x212: {  	v3 =	vperm.xlane v3, v2  }
0x213: {  	[tilespmem:s12], [sflag:$0x1] =	stream.indirect_vreg.gather [hbm4b:s7+s25], $0x80, v4, vm0, $0xb8;
	[tilespmem:$0x18800] =	vst v63  }
0x214: {  	v3 =	vadd.s32 v1, v3  }
0x215: {  	[tilespmem:s13], [sflag:$0x1] =	stream.indirect_vreg.gather [hbm4b:s8+s25], $0x80, v4, vm0, $0xb8;
	[tilespmem:$0x18800] =	vst v63  }
0x216: {  	_ = 	snop  }
0x217: {  	[tilespmem:s14], [sflag:$0x1] =	stream.indirect_vreg.gather [hbm4b:s9+s25], $0x80, v4, vm0, $0xb8;
	[tilespmem:$0x18800] =	vst v63  }
0x218: {  	_ = 	snop  }
0x219: {  	[tilespmem:s15], [sflag:$0x1] =	stream.indirect_vreg.gather [hbm4b:s0+s25], $0x80, v3, vm0, $0xb8;
	[tilespmem:$0x18800] =	vst v63  }
0x21a: {  	_ = 	snop  }
0x21b: {  	[tilespmem:s16], [sflag:$0x1] =	stream.indirect_vreg.gather [hbm4b:s7+s25], $0x80, v3, vm0, $0xb8;
	[tilespmem:$0x18800] =	vst v63  }
0x21c: {  	_ = 	snop  }
0x21d: {  	[tilespmem:s17], [sflag:$0x1] =	stream.indirect_vreg.gather [hbm4b:s8+s25], $0x80, v3, vm0, $0xb8;
	[tilespmem:$0x18800] =	vst v63  }
0x21e: {  	_ = 	snop  }
0x21f: {  	[tilespmem:s18], [sflag:$0x1] =	stream.indirect_vreg.gather [hbm4b:s9+s25], $0x80, v3, vm0, $0xb8;
	[tilespmem:$0x18800] =	vst v63  }
0x220: {  	s31 =	rddreg [dreg:$0xd]  }
0x221: {  	[tilespmem:s19], [sflag:$0x2] =	stream.linear.gather [hbm4b:s31+s25], $0x4000, $0x38;
	[tilespmem:$0x18800] =	vst v63  }
0x222: {  	_ =	swait.ge [sflag:s21], $0x4000  }
0x223: {  	[sflag:s21] =	ssyncset.done $0x0  }
0x224: {  	[sflag:s21] =	ssyncadd.s32 $0xFFFFC000  }
0x225: {  	_ =	swait.ge [sflag:s22], $0x4000  }
0x226: {  	[sflag:s22] =	ssyncset.done $0x0  }
0x227: {  	s26 =	simm.s32 $0x0;
	s28 =	simm.s32 $0x0;
	[sflag:s22] =	ssyncadd.s32 $0xFFFFC000  }
.LBB2_26:
0x228: {  	s2 =	sshll.u32 s28, $0xA  }
0x229: {  	s5 =	sand.u32 $0x3FFFE000, s26;
	s2 =	sand.u32 $0xC00, s2  }
0x22a: {  	s3 =	sadd.s32 $0x10840, s5;
	s31 =	sshrl.u32 s2, $0x2  }
0x22b: {  	s2 =	sadd.s32 s31, s3  }
0x22c: {  	v3 =	vld [tilespmem:s2+$0x30]  }
0x22d: {  	v5 =	vld [tilespmem:s2+$0xFFFFFFC0]  }
0x22e: {  	v6 =	vld [tilespmem:s2+$0xFFFFFFD0]  }
0x22f: {  	v7 =	vld [tilespmem:s2+$0xFFFFFFE0]  }
0x230: {  	v8 =	vld [tilespmem:s2+$0xFFFFFFF0]  }
0x231: {  	s29 =	sadd.s32 $0x4800, s5;
	v9 =	vld [tilespmem:s2+$0x0]  }
0x232: {  	s4 =	sadd.s32 s31, s29;
	v4 =	vld [tilespmem:s2+$0x10]  }
0x233: {  	[tilespmem:s4+$0x70] =	vst.add.f32.msk $0xffff, v3  }
0x234: {  	v3 =	vld [tilespmem:s2+$0x20]  }
0x235: {  	[tilespmem:s4+$0x0] =	vst.add.f32.msk $0xffff, v5  }
0x236: {  	[tilespmem:s4+$0x10] =	vst.add.f32.msk $0xffff, v6  }
0x237: {  	[tilespmem:s4+$0x20] =	vst.add.f32.msk $0xffff, v7  }
0x238: {  	[tilespmem:s4+$0x30] =	vst.add.f32.msk $0xffff, v8  }
0x239: {  	s6 =	smov.u32 s29;
	s2 =	sadd.s32 $0x10880, s5;
	s5 =	simm.s32 $0x0;
	[tilespmem:s4+$0x40] =	vst.add.f32.msk $0xffff, v9  }
.LBB2_27:
0x23a: {  	s5 =	sadd.s32 $0x80, s5;
	[tilespmem:s4+$0x50] =	vst.add.f32.msk $0xffff, v4;
	s3 =	sadd.s32 $0x400, s3  }
0x23b: {  	s10 =	sadd.s32 s31, s3;
	p0 =	slt.u32 s5, $0x380;
	[tilespmem:s4+$0x60] =	vst.add.f32.msk $0xffff, v3  }
0x23c: {  	v3 =	vld [tilespmem:s10+$0x30]  }
0x23d: {  	v5 =	vld [tilespmem:s10+$0xFFFFFFC0]  }
0x23e: {  	v6 =	vld [tilespmem:s10+$0xFFFFFFD0]  }
0x23f: {  	s6 =	sadd.s32 $0x400, s6;
	v7 =	vld [tilespmem:s10+$0xFFFFFFE0]  }
0x240: {  	s4 =	sadd.s32 s31, s6;
	v8 =	vld [tilespmem:s10+$0xFFFFFFF0]  }
0x241: {  	[tilespmem:s4+$0x70] =	vst.add.f32.msk $0xffff, v3  }
0x242: {  	v9 =	vld [tilespmem:s10+$0x0]  }
0x243: {  	v4 =	vld [tilespmem:s10+$0x10]  }
0x244: {  	v3 =	vld [tilespmem:s10+$0x20]  }
.Ltmp12:
0x245: {  	[tilespmem:s4+$0x0] =	vst.add.f32.msk $0xffff, v5;
	(pc) =	sbr.rel @p0 .LBB2_27-.Ltmp12, $4  }
0x246: {  	[tilespmem:s4+$0x10] =	vst.add.f32.msk $0xffff, v6  }
0x247: {  	[tilespmem:s4+$0x20] =	vst.add.f32.msk $0xffff, v7  }
0x248: {  	[tilespmem:s4+$0x30] =	vst.add.f32.msk $0xffff, v8  }
0x249: {  	[tilespmem:s4+$0x40] =	vst.add.f32.msk $0xffff, v9  }
0x24a: {  	[tilespmem:s4+$0x50] =	vst.add.f32.msk $0xffff, v4  }
0x24b: {  	[tilespmem:s4+$0x60] =	vst.add.f32.msk $0xffff, v3;
	s10 =	sadd.s32 s31, s2  }
0x24c: {  	v3 =	vld [tilespmem:s10+$0x70]  }
0x24d: {  	v4 =	vld [tilespmem:s10+$0x0]  }
0x24e: {  	v5 =	vld [tilespmem:s10+$0x10]  }
0x24f: {  	v6 =	vld [tilespmem:s10+$0x20]  }
0x250: {  	v7 =	vld [tilespmem:s10+$0x30]  }
0x251: {  	v8 =	vld [tilespmem:s10+$0x40]  }
0x252: {  	s3 =	sadd.s32 s31, s29;
	v9 =	vld [tilespmem:s10+$0x50]  }
0x253: {  	[tilespmem:s3+$0xF0] =	vst.add.f32.msk $0xffff, v3  }
0x254: {  	v3 =	vld [tilespmem:s10+$0x60]  }
0x255: {  	[tilespmem:s3+$0x80] =	vst.add.f32.msk $0xffff, v4  }
0x256: {  	[tilespmem:s3+$0x90] =	vst.add.f32.msk $0xffff, v5  }
0x257: {  	[tilespmem:s3+$0xA0] =	vst.add.f32.msk $0xffff, v6  }
0x258: {  	[tilespmem:s3+$0xB0] =	vst.add.f32.msk $0xffff, v7  }
0x259: {  	[tilespmem:s3+$0xC0] =	vst.add.f32.msk $0xffff, v8  }
0x25a: {  	s4 =	simm.s32 $0x0;
	s2 =	sadd.s32 $0x400, s2;
	[tilespmem:s3+$0xD0] =	vst.add.f32.msk $0xffff, v9  }
.LBB2_29:
0x25b: {  	s5 =	sadd.s32 s31, s2;
	s4 =	sadd.s32 $0x80, s4;
	[tilespmem:s3+$0xE0] =	vst.add.f32.msk $0xffff, v3  }
0x25c: {  	v3 =	vld [tilespmem:s5+$0x70];
	p0 =	slt.u32 s4, $0x380  }
0x25d: {  	v4 =	vld [tilespmem:s5+$0x0]  }
0x25e: {  	v5 =	vld [tilespmem:s5+$0x10]  }
0x25f: {  	s29 =	sadd.s32 $0x400, s29;
	v6 =	vld [tilespmem:s5+$0x20]  }
0x260: {  	s3 =	sadd.s32 s31, s29;
	v7 =	vld [tilespmem:s5+$0x30]  }
0x261: {  	[tilespmem:s3+$0xF0] =	vst.add.f32.msk $0xffff, v3  }
0x262: {  	v8 =	vld [tilespmem:s5+$0x40]  }
0x263: {  	v9 =	vld [tilespmem:s5+$0x50]  }
0x264: {  	v3 =	vld [tilespmem:s5+$0x60]  }
0x265: {  	[tilespmem:s3+$0x80] =	vst.add.f32.msk $0xffff, v4  }
.Ltmp13:
0x266: {  	[tilespmem:s3+$0x90] =	vst.add.f32.msk $0xffff, v5;
	(pc) =	sbr.rel @p0 .LBB2_29-.Ltmp13, $4  }
0x267: {  	[tilespmem:s3+$0xA0] =	vst.add.f32.msk $0xffff, v6  }
0x268: {  	[tilespmem:s3+$0xB0] =	vst.add.f32.msk $0xffff, v7  }
0x269: {  	[tilespmem:s3+$0xC0] =	vst.add.f32.msk $0xffff, v8  }
0x26a: {  	s2 =	sadd.s32 $0x400, s2;
	[tilespmem:s3+$0xD0] =	vst.add.f32.msk $0xffff, v9  }
0x26b: {  	p0 =	slt.u32 s25, $0xE  }
.Ltmp14:
0x26c: {  	_ = 	snop;
	(pc) =	sbr.rel @p0 .LBB2_26-.Ltmp14, $3  }
0x26d: {  	_ =	sdelay $0x1  }
0x26e: {  	s2 =	sadd.s32 $0x2, s25  }
0x26f: {  	[tilespmem:s3+$0xE0] =	vst.add.f32.msk $0xffff, v3;
	s28 =	sadd.s32 $0x1, s28;
	s26 =	sadd.s32 $0x800, s26;
	s25 =	smov.u32 s2  }
0x270: {  	s25 =	simm.s32 $0x0;
	s2 =	rddreg [dreg:$0xe]  }
0x271: {  	[hbm4b:s2+s25] =	stream.linear.scatter [tilespmem:s30], [sflag:$0x3], $0x4000, $0x38;
	[tilespmem:$0x18800] =	vst v63  }
0x272: {  	_ =	swait.ge [sflag:s23], $0x4000  }
0x273: {  	[sflag:s23] =	ssyncset.done $0x0  }
0x274: {  	[sflag:s23] =	ssyncadd.s32 $0xFFFFC000  }
0x275: {  	v3 =	vld [tilespmem:$0x380];
	_ =	sdelay $0x4  }
0x276: {  	v4 =	vshll.u32 v3, $0x3  }
0x277: {  	v3 =	vand.u32 $0x7, v3;
	v4 =	vand.u32 $0xFFFFFFC0, v4  }
0x278: {  	v3 =	vor.u32 v3, v4  }
0x279: {  	v4 =	vperm.xlane v3, v0;
	_ =	sdelay $0x1  }
0x27a: {  	v4 =	vadd.s32 v1, v4;
	_ =	sdelay $0x3  }
0x27b: {  	s31 =	simm.s32 $0x10800  }
0x27c: {  	[tilespmem:s31], [sflag:$0x1] =	stream.indirect_vreg.gather [hbm4b:s0+s25], $0x80, v4, vm0, $0xb8;
	[tilespmem:$0x18800] =	vst v63  }
0x27d: {  	s3 =	simm.s32 $0x11000;
	v3 =	vperm.xlane v3, v2  }
0x27e: {  	[tilespmem:s3], [sflag:$0x1] =	stream.indirect_vreg.gather [hbm4b:s7+s25], $0x80, v4, vm0, $0xb8;
	[tilespmem:$0x18800] =	vst v63  }
0x27f: {  	s4 =	simm.s32 $0x11800;
	v3 =	vadd.s32 v1, v3  }
0x280: {  	[tilespmem:s4], [sflag:$0x1] =	stream.indirect_vreg.gather [hbm4b:s8+s25], $0x80, v4, vm0, $0xb8;
	[tilespmem:$0x18800] =	vst v63  }
0x281: {  	s5 =	simm.s32 $0x12000  }
0x282: {  	[tilespmem:s5], [sflag:$0x1] =	stream.indirect_vreg.gather [hbm4b:s9+s25], $0x80, v4, vm0, $0xb8;
	[tilespmem:$0x18800] =	vst v63  }
0x283: {  	s6 =	simm.s32 $0x12800  }
0x284: {  	[tilespmem:s6], [sflag:$0x1] =	stream.indirect_vreg.gather [hbm4b:s0+s25], $0x80, v3, vm0, $0xb8;
	[tilespmem:$0x18800] =	vst v63  }
0x285: {  	s10 =	simm.s32 $0x13000  }
0x286: {  	[tilespmem:s10], [sflag:$0x1] =	stream.indirect_vreg.gather [hbm4b:s7+s25], $0x80, v3, vm0, $0xb8;
	[tilespmem:$0x18800] =	vst v63  }
0x287: {  	s26 =	simm.s32 $0x13800  }
0x288: {  	[tilespmem:s26], [sflag:$0x1] =	stream.indirect_vreg.gather [hbm4b:s8+s25], $0x80, v3, vm0, $0xb8;
	[tilespmem:$0x18800] =	vst v63  }
0x289: {  	s29 =	simm.s32 $0x14000  }
0x28a: {  	[tilespmem:s29], [sflag:$0x1] =	stream.indirect_vreg.gather [hbm4b:s9+s25], $0x80, v3, vm0, $0xb8;
	[tilespmem:$0x18800] =	vst v63  }
0x28b: {  	s31 =	rddreg [dreg:$0xf]  }
0x28c: {  	[tilespmem:s30], [sflag:$0x2] =	stream.linear.gather [hbm4b:s31+s25], $0x4000, $0x38;
	[tilespmem:$0x18800] =	vst v63  }
0x28d: {  	_ =	swait.ge [sflag:s21], $0x4000  }
0x28e: {  	[sflag:s21] =	ssyncset.done $0x0  }
0x28f: {  	[sflag:s21] =	ssyncadd.s32 $0xFFFFC000  }
0x290: {  	_ =	swait.ge [sflag:s22], $0x4000  }
0x291: {  	[sflag:s22] =	ssyncset.done $0x0  }
0x292: {  	s28 =	simm.s32 $0x0;
	s26 =	simm.s32 $0x0;
	[sflag:s22] =	ssyncadd.s32 $0xFFFFC000  }
.LBB2_32:
0x293: {  	s2 =	sshll.u32 s28, $0xA  }
0x294: {  	s5 =	sand.u32 $0x3FFFE000, s26;
	s2 =	sand.u32 $0xC00, s2  }
0x295: {  	s3 =	sadd.s32 $0x14840, s5;
	s31 =	sshrl.u32 s2, $0x2  }
0x296: {  	s2 =	sadd.s32 s31, s3  }
0x297: {  	v3 =	vld [tilespmem:s2+$0x30]  }
0x298: {  	v5 =	vld [tilespmem:s2+$0xFFFFFFC0]  }
0x299: {  	v6 =	vld [tilespmem:s2+$0xFFFFFFD0]  }
0x29a: {  	v7 =	vld [tilespmem:s2+$0xFFFFFFE0]  }
0x29b: {  	v8 =	vld [tilespmem:s2+$0xFFFFFFF0]  }
0x29c: {  	s29 =	sadd.s32 $0x8800, s5;
	v9 =	vld [tilespmem:s2+$0x0]  }
0x29d: {  	s4 =	sadd.s32 s31, s29;
	v4 =	vld [tilespmem:s2+$0x10]  }
0x29e: {  	[tilespmem:s4+$0x70] =	vst.add.f32.msk $0xffff, v3  }
0x29f: {  	v3 =	vld [tilespmem:s2+$0x20]  }
0x2a0: {  	[tilespmem:s4+$0x0] =	vst.add.f32.msk $0xffff, v5  }
0x2a1: {  	[tilespmem:s4+$0x10] =	vst.add.f32.msk $0xffff, v6  }
0x2a2: {  	[tilespmem:s4+$0x20] =	vst.add.f32.msk $0xffff, v7  }
0x2a3: {  	[tilespmem:s4+$0x30] =	vst.add.f32.msk $0xffff, v8  }
0x2a4: {  	s6 =	smov.u32 s29;
	s2 =	sadd.s32 $0x14880, s5;
	s5 =	simm.s32 $0x0;
	[tilespmem:s4+$0x40] =	vst.add.f32.msk $0xffff, v9  }
.LBB2_33:
0x2a5: {  	s5 =	sadd.s32 $0x80, s5;
	[tilespmem:s4+$0x50] =	vst.add.f32.msk $0xffff, v4;
	s3 =	sadd.s32 $0x400, s3  }
0x2a6: {  	s10 =	sadd.s32 s31, s3;
	p0 =	slt.u32 s5, $0x380;
	[tilespmem:s4+$0x60] =	vst.add.f32.msk $0xffff, v3  }
0x2a7: {  	v3 =	vld [tilespmem:s10+$0x30]  }
0x2a8: {  	v5 =	vld [tilespmem:s10+$0xFFFFFFC0]  }
0x2a9: {  	v6 =	vld [tilespmem:s10+$0xFFFFFFD0]  }
0x2aa: {  	s6 =	sadd.s32 $0x400, s6;
	v7 =	vld [tilespmem:s10+$0xFFFFFFE0]  }
0x2ab: {  	s4 =	sadd.s32 s31, s6;
	v8 =	vld [tilespmem:s10+$0xFFFFFFF0]  }
0x2ac: {  	[tilespmem:s4+$0x70] =	vst.add.f32.msk $0xffff, v3  }
0x2ad: {  	v9 =	vld [tilespmem:s10+$0x0]  }
0x2ae: {  	v4 =	vld [tilespmem:s10+$0x10]  }
0x2af: {  	v3 =	vld [tilespmem:s10+$0x20]  }
.Ltmp15:
0x2b0: {  	[tilespmem:s4+$0x0] =	vst.add.f32.msk $0xffff, v5;
	(pc) =	sbr.rel @p0 .LBB2_33-.Ltmp15, $4  }
0x2b1: {  	[tilespmem:s4+$0x10] =	vst.add.f32.msk $0xffff, v6  }
0x2b2: {  	[tilespmem:s4+$0x20] =	vst.add.f32.msk $0xffff, v7  }
0x2b3: {  	[tilespmem:s4+$0x30] =	vst.add.f32.msk $0xffff, v8  }
0x2b4: {  	[tilespmem:s4+$0x40] =	vst.add.f32.msk $0xffff, v9  }
0x2b5: {  	[tilespmem:s4+$0x50] =	vst.add.f32.msk $0xffff, v4  }
0x2b6: {  	[tilespmem:s4+$0x60] =	vst.add.f32.msk $0xffff, v3;
	s10 =	sadd.s32 s31, s2  }
0x2b7: {  	v3 =	vld [tilespmem:s10+$0x70]  }
0x2b8: {  	v4 =	vld [tilespmem:s10+$0x0]  }
0x2b9: {  	v5 =	vld [tilespmem:s10+$0x10]  }
0x2ba: {  	v6 =	vld [tilespmem:s10+$0x20]  }
0x2bb: {  	v7 =	vld [tilespmem:s10+$0x30]  }
0x2bc: {  	v8 =	vld [tilespmem:s10+$0x40]  }
0x2bd: {  	s3 =	sadd.s32 s31, s29;
	v9 =	vld [tilespmem:s10+$0x50]  }
0x2be: {  	[tilespmem:s3+$0xF0] =	vst.add.f32.msk $0xffff, v3  }
0x2bf: {  	v3 =	vld [tilespmem:s10+$0x60]  }
0x2c0: {  	[tilespmem:s3+$0x80] =	vst.add.f32.msk $0xffff, v4  }
0x2c1: {  	[tilespmem:s3+$0x90] =	vst.add.f32.msk $0xffff, v5  }
0x2c2: {  	[tilespmem:s3+$0xA0] =	vst.add.f32.msk $0xffff, v6  }
0x2c3: {  	[tilespmem:s3+$0xB0] =	vst.add.f32.msk $0xffff, v7  }
0x2c4: {  	[tilespmem:s3+$0xC0] =	vst.add.f32.msk $0xffff, v8  }
0x2c5: {  	s4 =	simm.s32 $0x0;
	s2 =	sadd.s32 $0x400, s2;
	[tilespmem:s3+$0xD0] =	vst.add.f32.msk $0xffff, v9  }
.LBB2_35:
0x2c6: {  	s5 =	sadd.s32 s31, s2;
	s4 =	sadd.s32 $0x80, s4;
	[tilespmem:s3+$0xE0] =	vst.add.f32.msk $0xffff, v3  }
0x2c7: {  	v3 =	vld [tilespmem:s5+$0x70];
	p0 =	slt.u32 s4, $0x380  }
0x2c8: {  	v4 =	vld [tilespmem:s5+$0x0]  }
0x2c9: {  	v5 =	vld [tilespmem:s5+$0x10]  }
0x2ca: {  	s29 =	sadd.s32 $0x400, s29;
	v6 =	vld [tilespmem:s5+$0x20]  }
0x2cb: {  	s3 =	sadd.s32 s31, s29;
	v7 =	vld [tilespmem:s5+$0x30]  }
0x2cc: {  	[tilespmem:s3+$0xF0] =	vst.add.f32.msk $0xffff, v3  }
0x2cd: {  	v8 =	vld [tilespmem:s5+$0x40]  }
0x2ce: {  	v9 =	vld [tilespmem:s5+$0x50]  }
0x2cf: {  	v3 =	vld [tilespmem:s5+$0x60]  }
0x2d0: {  	[tilespmem:s3+$0x80] =	vst.add.f32.msk $0xffff, v4  }
.Ltmp16:
0x2d1: {  	[tilespmem:s3+$0x90] =	vst.add.f32.msk $0xffff, v5;
	(pc) =	sbr.rel @p0 .LBB2_35-.Ltmp16, $4  }
0x2d2: {  	[tilespmem:s3+$0xA0] =	vst.add.f32.msk $0xffff, v6  }
0x2d3: {  	[tilespmem:s3+$0xB0] =	vst.add.f32.msk $0xffff, v7  }
0x2d4: {  	[tilespmem:s3+$0xC0] =	vst.add.f32.msk $0xffff, v8  }
0x2d5: {  	s2 =	sadd.s32 $0x400, s2;
	[tilespmem:s3+$0xD0] =	vst.add.f32.msk $0xffff, v9  }
0x2d6: {  	p0 =	slt.u32 s25, $0xE  }
.Ltmp17:
0x2d7: {  	_ = 	snop;
	(pc) =	sbr.rel @p0 .LBB2_32-.Ltmp17, $3  }
0x2d8: {  	_ =	sdelay $0x1  }
0x2d9: {  	s2 =	sadd.s32 $0x2, s25  }
0x2da: {  	[tilespmem:s3+$0xE0] =	vst.add.f32.msk $0xffff, v3;
	s28 =	sadd.s32 $0x1, s28;
	s26 =	sadd.s32 $0x800, s26;
	s25 =	smov.u32 s2  }
0x2db: {  	s25 =	simm.s32 $0x0;
	s2 =	rddreg [dreg:$0x10]  }
0x2dc: {  	[hbm4b:s2+s25] =	stream.linear.scatter [tilespmem:s20], [sflag:$0x3], $0x4000, $0x38;
	[tilespmem:$0x18800] =	vst v63  }
0x2dd: {  	_ =	swait.ge [sflag:s23], $0x4000  }
0x2de: {  	[sflag:s23] =	ssyncset.done $0x0  }
0x2df: {  	[sflag:s23] =	ssyncadd.s32 $0xFFFFC000  }
0x2e0: {  	v3 =	vld [tilespmem:$0x400];
	_ =	sdelay $0x4  }
0x2e1: {  	v4 =	vshll.u32 v3, $0x3  }
0x2e2: {  	v3 =	vand.u32 $0x7, v3;
	v4 =	vand.u32 $0xFFFFFFC0, v4  }
0x2e3: {  	v3 =	vor.u32 v3, v4  }
0x2e4: {  	v4 =	vperm.xlane v3, v0;
	_ =	sdelay $0x1  }
0x2e5: {  	v4 =	vadd.s32 v1, v4;
	_ =	sdelay $0x3  }
0x2e6: {  	s31 =	simm.s32 $0x14800  }
0x2e7: {  	[tilespmem:s31], [sflag:$0x1] =	stream.indirect_vreg.gather [hbm4b:s0+s25], $0x80, v4, vm0, $0xb8;
	[tilespmem:$0x18800] =	vst v63  }
0x2e8: {  	s3 =	simm.s32 $0x15000;
	v3 =	vperm.xlane v3, v2  }
0x2e9: {  	[tilespmem:s3], [sflag:$0x1] =	stream.indirect_vreg.gather [hbm4b:s7+s25], $0x80, v4, vm0, $0xb8;
	[tilespmem:$0x18800] =	vst v63  }
0x2ea: {  	s4 =	simm.s32 $0x15800;
	v3 =	vadd.s32 v1, v3  }
0x2eb: {  	[tilespmem:s4], [sflag:$0x1] =	stream.indirect_vreg.gather [hbm4b:s8+s25], $0x80, v4, vm0, $0xb8;
	[tilespmem:$0x18800] =	vst v63  }
0x2ec: {  	s5 =	simm.s32 $0x16000  }
0x2ed: {  	[tilespmem:s5], [sflag:$0x1] =	stream.indirect_vreg.gather [hbm4b:s9+s25], $0x80, v4, vm0, $0xb8;
	[tilespmem:$0x18800] =	vst v63  }
0x2ee: {  	s6 =	simm.s32 $0x16800  }
0x2ef: {  	[tilespmem:s6], [sflag:$0x1] =	stream.indirect_vreg.gather [hbm4b:s0+s25], $0x80, v3, vm0, $0xb8;
	[tilespmem:$0x18800] =	vst v63  }
0x2f0: {  	s10 =	simm.s32 $0x17000  }
0x2f1: {  	[tilespmem:s10], [sflag:$0x1] =	stream.indirect_vreg.gather [hbm4b:s7+s25], $0x80, v3, vm0, $0xb8;
	[tilespmem:$0x18800] =	vst v63  }
0x2f2: {  	s26 =	simm.s32 $0x17800  }
0x2f3: {  	[tilespmem:s26], [sflag:$0x1] =	stream.indirect_vreg.gather [hbm4b:s8+s25], $0x80, v3, vm0, $0xb8;
	[tilespmem:$0x18800] =	vst v63  }
0x2f4: {  	s29 =	simm.s32 $0x18000  }
0x2f5: {  	[tilespmem:s29], [sflag:$0x1] =	stream.indirect_vreg.gather [hbm4b:s9+s25], $0x80, v3, vm0, $0xb8;
	[tilespmem:$0x18800] =	vst v63  }
0x2f6: {  	s31 =	rddreg [dreg:$0x11]  }
0x2f7: {  	[tilespmem:s20], [sflag:$0x2] =	stream.linear.gather [hbm4b:s31+s25], $0x4000, $0x38;
	[tilespmem:$0x18800] =	vst v63  }
0x2f8: {  	_ =	swait.ge [sflag:s21], $0x4000  }
0x2f9: {  	[sflag:s21] =	ssyncset.done $0x0  }
0x2fa: {  	[sflag:s21] =	ssyncadd.s32 $0xFFFFC000  }
0x2fb: {  	_ =	swait.ge [sflag:s22], $0x4000  }
0x2fc: {  	[sflag:s22] =	ssyncset.done $0x0  }
0x2fd: {  	s28 =	simm.s32 $0x0;
	s26 =	simm.s32 $0x0;
	[sflag:s22] =	ssyncadd.s32 $0xFFFFC000  }
.LBB2_38:
0x2fe: {  	s2 =	sshll.u32 s28, $0xA  }
0x2ff: {  	s5 =	sand.u32 $0x3FFFE000, s26;
	s2 =	sand.u32 $0xC00, s2  }
0x300: {  	s3 =	sadd.s32 $0xC840, s5;
	s31 =	sshrl.u32 s2, $0x2  }
0x301: {  	s2 =	sadd.s32 s31, s3  }
0x302: {  	v3 =	vld [tilespmem:s2+$0x30]  }
0x303: {  	v5 =	vld [tilespmem:s2+$0xFFFFFFC0]  }
0x304: {  	v6 =	vld [tilespmem:s2+$0xFFFFFFD0]  }
0x305: {  	v7 =	vld [tilespmem:s2+$0xFFFFFFE0]  }
0x306: {  	v8 =	vld [tilespmem:s2+$0xFFFFFFF0]  }
0x307: {  	s29 =	sor.u32 $0x800, s5;
	v9 =	vld [tilespmem:s2+$0x0]  }
0x308: {  	s4 =	sadd.s32 s31, s29;
	v4 =	vld [tilespmem:s2+$0x10]  }
0x309: {  	[tilespmem:s4+$0x70] =	vst.add.f32.msk $0xffff, v3  }
0x30a: {  	v3 =	vld [tilespmem:s2+$0x20]  }
0x30b: {  	[tilespmem:s4+$0x0] =	vst.add.f32.msk $0xffff, v5  }
0x30c: {  	[tilespmem:s4+$0x10] =	vst.add.f32.msk $0xffff, v6  }
0x30d: {  	[tilespmem:s4+$0x20] =	vst.add.f32.msk $0xffff, v7  }
0x30e: {  	[tilespmem:s4+$0x30] =	vst.add.f32.msk $0xffff, v8  }
0x30f: {  	s6 =	smov.u32 s29;
	s2 =	sadd.s32 $0xC880, s5;
	s5 =	simm.s32 $0x0;
	[tilespmem:s4+$0x40] =	vst.add.f32.msk $0xffff, v9  }
.LBB2_39:
0x310: {  	s5 =	sadd.s32 $0x80, s5;
	[tilespmem:s4+$0x50] =	vst.add.f32.msk $0xffff, v4;
	s3 =	sadd.s32 $0x400, s3  }
0x311: {  	s10 =	sadd.s32 s31, s3;
	p0 =	slt.u32 s5, $0x380;
	[tilespmem:s4+$0x60] =	vst.add.f32.msk $0xffff, v3  }
0x312: {  	v3 =	vld [tilespmem:s10+$0x30]  }
0x313: {  	v5 =	vld [tilespmem:s10+$0xFFFFFFC0]  }
0x314: {  	v6 =	vld [tilespmem:s10+$0xFFFFFFD0]  }
0x315: {  	s6 =	sadd.s32 $0x400, s6;
	v7 =	vld [tilespmem:s10+$0xFFFFFFE0]  }
0x316: {  	s4 =	sadd.s32 s31, s6;
	v8 =	vld [tilespmem:s10+$0xFFFFFFF0]  }
0x317: {  	[tilespmem:s4+$0x70] =	vst.add.f32.msk $0xffff, v3  }
0x318: {  	v9 =	vld [tilespmem:s10+$0x0]  }
0x319: {  	v4 =	vld [tilespmem:s10+$0x10]  }
0x31a: {  	v3 =	vld [tilespmem:s10+$0x20]  }
.Ltmp18:
0x31b: {  	[tilespmem:s4+$0x0] =	vst.add.f32.msk $0xffff, v5;
	(pc) =	sbr.rel @p0 .LBB2_39-.Ltmp18, $4  }
0x31c: {  	[tilespmem:s4+$0x10] =	vst.add.f32.msk $0xffff, v6  }
0x31d: {  	[tilespmem:s4+$0x20] =	vst.add.f32.msk $0xffff, v7  }
0x31e: {  	[tilespmem:s4+$0x30] =	vst.add.f32.msk $0xffff, v8  }
0x31f: {  	[tilespmem:s4+$0x40] =	vst.add.f32.msk $0xffff, v9  }
0x320: {  	[tilespmem:s4+$0x50] =	vst.add.f32.msk $0xffff, v4  }
0x321: {  	[tilespmem:s4+$0x60] =	vst.add.f32.msk $0xffff, v3;
	s10 =	sadd.s32 s31, s2  }
0x322: {  	v3 =	vld [tilespmem:s10+$0x70]  }
0x323: {  	v4 =	vld [tilespmem:s10+$0x0]  }
0x324: {  	v5 =	vld [tilespmem:s10+$0x10]  }
0x325: {  	v6 =	vld [tilespmem:s10+$0x20]  }
0x326: {  	v7 =	vld [tilespmem:s10+$0x30]  }
0x327: {  	v8 =	vld [tilespmem:s10+$0x40]  }
0x328: {  	s3 =	sadd.s32 s31, s29;
	v9 =	vld [tilespmem:s10+$0x50]  }
0x329: {  	[tilespmem:s3+$0xF0] =	vst.add.f32.msk $0xffff, v3  }
0x32a: {  	v3 =	vld [tilespmem:s10+$0x60]  }
0x32b: {  	[tilespmem:s3+$0x80] =	vst.add.f32.msk $0xffff, v4  }
0x32c: {  	[tilespmem:s3+$0x90] =	vst.add.f32.msk $0xffff, v5  }
0x32d: {  	[tilespmem:s3+$0xA0] =	vst.add.f32.msk $0xffff, v6  }
0x32e: {  	[tilespmem:s3+$0xB0] =	vst.add.f32.msk $0xffff, v7  }
0x32f: {  	[tilespmem:s3+$0xC0] =	vst.add.f32.msk $0xffff, v8  }
0x330: {  	s4 =	simm.s32 $0x0;
	s2 =	sadd.s32 $0x400, s2;
	[tilespmem:s3+$0xD0] =	vst.add.f32.msk $0xffff, v9  }
.LBB2_41:
0x331: {  	s5 =	sadd.s32 s31, s2;
	s4 =	sadd.s32 $0x80, s4;
	[tilespmem:s3+$0xE0] =	vst.add.f32.msk $0xffff, v3  }
0x332: {  	v3 =	vld [tilespmem:s5+$0x70];
	p0 =	slt.u32 s4, $0x380  }
0x333: {  	v4 =	vld [tilespmem:s5+$0x0]  }
0x334: {  	v5 =	vld [tilespmem:s5+$0x10]  }
0x335: {  	s29 =	sadd.s32 $0x400, s29;
	v6 =	vld [tilespmem:s5+$0x20]  }
0x336: {  	s3 =	sadd.s32 s31, s29;
	v7 =	vld [tilespmem:s5+$0x30]  }
0x337: {  	[tilespmem:s3+$0xF0] =	vst.add.f32.msk $0xffff, v3  }
0x338: {  	v8 =	vld [tilespmem:s5+$0x40]  }
0x339: {  	v9 =	vld [tilespmem:s5+$0x50]  }
0x33a: {  	v3 =	vld [tilespmem:s5+$0x60]  }
0x33b: {  	[tilespmem:s3+$0x80] =	vst.add.f32.msk $0xffff, v4  }
.Ltmp19:
0x33c: {  	[tilespmem:s3+$0x90] =	vst.add.f32.msk $0xffff, v5;
	(pc) =	sbr.rel @p0 .LBB2_41-.Ltmp19, $4  }
0x33d: {  	[tilespmem:s3+$0xA0] =	vst.add.f32.msk $0xffff, v6  }
0x33e: {  	[tilespmem:s3+$0xB0] =	vst.add.f32.msk $0xffff, v7  }
0x33f: {  	[tilespmem:s3+$0xC0] =	vst.add.f32.msk $0xffff, v8  }
0x340: {  	s2 =	sadd.s32 $0x400, s2;
	[tilespmem:s3+$0xD0] =	vst.add.f32.msk $0xffff, v9  }
0x341: {  	p0 =	slt.u32 s25, $0xE  }
.Ltmp20:
0x342: {  	_ = 	snop;
	(pc) =	sbr.rel @p0 .LBB2_38-.Ltmp20, $3  }
0x343: {  	_ =	sdelay $0x1  }
0x344: {  	s2 =	sadd.s32 $0x2, s25  }
0x345: {  	[tilespmem:s3+$0xE0] =	vst.add.f32.msk $0xffff, v3;
	s28 =	sadd.s32 $0x1, s28;
	s26 =	sadd.s32 $0x800, s26;
	s25 =	smov.u32 s2  }
0x346: {  	s25 =	simm.s32 $0x0;
	s2 =	rddreg [dreg:$0x12]  }
0x347: {  	[hbm4b:s2+s25] =	stream.linear.scatter [tilespmem:s19], [sflag:$0x3], $0x4000, $0x38;
	[tilespmem:$0x18800] =	vst v63  }
0x348: {  	_ =	swait.ge [sflag:s23], $0x4000  }
0x349: {  	[sflag:s23] =	ssyncset.done $0x0  }
0x34a: {  	[sflag:s23] =	ssyncadd.s32 $0xFFFFC000  }
0x34b: {  	v3 =	vld [tilespmem:$0x480];
	_ =	sdelay $0x4  }
0x34c: {  	v4 =	vshll.u32 v3, $0x3  }
0x34d: {  	v3 =	vand.u32 $0x7, v3;
	v4 =	vand.u32 $0xFFFFFFC0, v4  }
0x34e: {  	v3 =	vor.u32 v3, v4  }
0x34f: {  	v4 =	vperm.xlane v3, v0;
	_ =	sdelay $0x1  }
0x350: {  	v4 =	vadd.s32 v1, v4;
	_ =	sdelay $0x4  }
0x351: {  	[tilespmem:s11], [sflag:$0x1] =	stream.indirect_vreg.gather [hbm4b:s0+s25], $0x80, v4, vm0, $0xb8;
	[tilespmem:$0x18800] =	vst v63  }
0x352: {  	v3 =	vperm.xlane v3, v2  }
0x353: {  	[tilespmem:s12], [sflag:$0x1] =	stream.indirect_vreg.gather [hbm4b:s7+s25], $0x80, v4, vm0, $0xb8;
	[tilespmem:$0x18800] =	vst v63  }
0x354: {  	v3 =	vadd.s32 v1, v3  }
0x355: {  	[tilespmem:s13], [sflag:$0x1] =	stream.indirect_vreg.gather [hbm4b:s8+s25], $0x80, v4, vm0, $0xb8;
	[tilespmem:$0x18800] =	vst v63  }
0x356: {  	_ = 	snop  }
0x357: {  	[tilespmem:s14], [sflag:$0x1] =	stream.indirect_vreg.gather [hbm4b:s9+s25], $0x80, v4, vm0, $0xb8;
	[tilespmem:$0x18800] =	vst v63  }
0x358: {  	_ = 	snop  }
0x359: {  	[tilespmem:s15], [sflag:$0x1] =	stream.indirect_vreg.gather [hbm4b:s0+s25], $0x80, v3, vm0, $0xb8;
	[tilespmem:$0x18800] =	vst v63  }
0x35a: {  	_ = 	snop  }
0x35b: {  	[tilespmem:s16], [sflag:$0x1] =	stream.indirect_vreg.gather [hbm4b:s7+s25], $0x80, v3, vm0, $0xb8;
	[tilespmem:$0x18800] =	vst v63  }
0x35c: {  	_ = 	snop  }
0x35d: {  	[tilespmem:s17], [sflag:$0x1] =	stream.indirect_vreg.gather [hbm4b:s8+s25], $0x80, v3, vm0, $0xb8;
	[tilespmem:$0x18800] =	vst v63  }
0x35e: {  	_ = 	snop  }
0x35f: {  	[tilespmem:s18], [sflag:$0x1] =	stream.indirect_vreg.gather [hbm4b:s9+s25], $0x80, v3, vm0, $0xb8;
	[tilespmem:$0x18800] =	vst v63  }
0x360: {  	s31 =	rddreg [dreg:$0x13]  }
0x361: {  	[tilespmem:s19], [sflag:$0x2] =	stream.linear.gather [hbm4b:s31+s25], $0x4000, $0x38;
	[tilespmem:$0x18800] =	vst v63  }
0x362: {  	_ =	swait.ge [sflag:s21], $0x4000  }
0x363: {  	[sflag:s21] =	ssyncset.done $0x0  }
0x364: {  	[sflag:s21] =	ssyncadd.s32 $0xFFFFC000  }
0x365: {  	_ =	swait.ge [sflag:s22], $0x4000  }
0x366: {  	[sflag:s22] =	ssyncset.done $0x0  }
0x367: {  	s26 =	simm.s32 $0x0;
	s28 =	simm.s32 $0x0;
	[sflag:s22] =	ssyncadd.s32 $0xFFFFC000  }
.LBB2_44:
0x368: {  	s2 =	sshll.u32 s28, $0xA  }
0x369: {  	s5 =	sand.u32 $0x3FFFE000, s26;
	s2 =	sand.u32 $0xC00, s2  }
0x36a: {  	s3 =	sadd.s32 $0x10840, s5;
	s31 =	sshrl.u32 s2, $0x2  }
0x36b: {  	s2 =	sadd.s32 s31, s3  }
0x36c: {  	v3 =	vld [tilespmem:s2+$0x30]  }
0x36d: {  	v5 =	vld [tilespmem:s2+$0xFFFFFFC0]  }
0x36e: {  	v6 =	vld [tilespmem:s2+$0xFFFFFFD0]  }
0x36f: {  	v7 =	vld [tilespmem:s2+$0xFFFFFFE0]  }
0x370: {  	v8 =	vld [tilespmem:s2+$0xFFFFFFF0]  }
0x371: {  	s29 =	sadd.s32 $0x4800, s5;
	v9 =	vld [tilespmem:s2+$0x0]  }
0x372: {  	s4 =	sadd.s32 s31, s29;
	v4 =	vld [tilespmem:s2+$0x10]  }
0x373: {  	[tilespmem:s4+$0x70] =	vst.add.f32.msk $0xffff, v3  }
0x374: {  	v3 =	vld [tilespmem:s2+$0x20]  }
0x375: {  	[tilespmem:s4+$0x0] =	vst.add.f32.msk $0xffff, v5  }
0x376: {  	[tilespmem:s4+$0x10] =	vst.add.f32.msk $0xffff, v6  }
0x377: {  	[tilespmem:s4+$0x20] =	vst.add.f32.msk $0xffff, v7  }
0x378: {  	[tilespmem:s4+$0x30] =	vst.add.f32.msk $0xffff, v8  }
0x379: {  	s6 =	smov.u32 s29;
	s2 =	sadd.s32 $0x10880, s5;
	s5 =	simm.s32 $0x0;
	[tilespmem:s4+$0x40] =	vst.add.f32.msk $0xffff, v9  }
.LBB2_45:
0x37a: {  	s5 =	sadd.s32 $0x80, s5;
	[tilespmem:s4+$0x50] =	vst.add.f32.msk $0xffff, v4;
	s3 =	sadd.s32 $0x400, s3  }
0x37b: {  	s10 =	sadd.s32 s31, s3;
	p0 =	slt.u32 s5, $0x380;
	[tilespmem:s4+$0x60] =	vst.add.f32.msk $0xffff, v3  }
0x37c: {  	v3 =	vld [tilespmem:s10+$0x30]  }
0x37d: {  	v5 =	vld [tilespmem:s10+$0xFFFFFFC0]  }
0x37e: {  	v6 =	vld [tilespmem:s10+$0xFFFFFFD0]  }
0x37f: {  	s6 =	sadd.s32 $0x400, s6;
	v7 =	vld [tilespmem:s10+$0xFFFFFFE0]  }
0x380: {  	s4 =	sadd.s32 s31, s6;
	v8 =	vld [tilespmem:s10+$0xFFFFFFF0]  }
0x381: {  	[tilespmem:s4+$0x70] =	vst.add.f32.msk $0xffff, v3  }
0x382: {  	v9 =	vld [tilespmem:s10+$0x0]  }
0x383: {  	v4 =	vld [tilespmem:s10+$0x10]  }
0x384: {  	v3 =	vld [tilespmem:s10+$0x20]  }
.Ltmp21:
0x385: {  	[tilespmem:s4+$0x0] =	vst.add.f32.msk $0xffff, v5;
	(pc) =	sbr.rel @p0 .LBB2_45-.Ltmp21, $4  }
0x386: {  	[tilespmem:s4+$0x10] =	vst.add.f32.msk $0xffff, v6  }
0x387: {  	[tilespmem:s4+$0x20] =	vst.add.f32.msk $0xffff, v7  }
0x388: {  	[tilespmem:s4+$0x30] =	vst.add.f32.msk $0xffff, v8  }
0x389: {  	[tilespmem:s4+$0x40] =	vst.add.f32.msk $0xffff, v9  }
0x38a: {  	[tilespmem:s4+$0x50] =	vst.add.f32.msk $0xffff, v4  }
0x38b: {  	[tilespmem:s4+$0x60] =	vst.add.f32.msk $0xffff, v3;
	s10 =	sadd.s32 s31, s2  }
0x38c: {  	v3 =	vld [tilespmem:s10+$0x70]  }
0x38d: {  	v4 =	vld [tilespmem:s10+$0x0]  }
0x38e: {  	v5 =	vld [tilespmem:s10+$0x10]  }
0x38f: {  	v6 =	vld [tilespmem:s10+$0x20]  }
0x390: {  	v7 =	vld [tilespmem:s10+$0x30]  }
0x391: {  	v8 =	vld [tilespmem:s10+$0x40]  }
0x392: {  	s3 =	sadd.s32 s31, s29;
	v9 =	vld [tilespmem:s10+$0x50]  }
0x393: {  	[tilespmem:s3+$0xF0] =	vst.add.f32.msk $0xffff, v3  }
0x394: {  	v3 =	vld [tilespmem:s10+$0x60]  }
0x395: {  	[tilespmem:s3+$0x80] =	vst.add.f32.msk $0xffff, v4  }
0x396: {  	[tilespmem:s3+$0x90] =	vst.add.f32.msk $0xffff, v5  }
0x397: {  	[tilespmem:s3+$0xA0] =	vst.add.f32.msk $0xffff, v6  }
0x398: {  	[tilespmem:s3+$0xB0] =	vst.add.f32.msk $0xffff, v7  }
0x399: {  	[tilespmem:s3+$0xC0] =	vst.add.f32.msk $0xffff, v8  }
0x39a: {  	s4 =	simm.s32 $0x0;
	s2 =	sadd.s32 $0x400, s2;
	[tilespmem:s3+$0xD0] =	vst.add.f32.msk $0xffff, v9  }
.LBB2_47:
0x39b: {  	s5 =	sadd.s32 s31, s2;
	s4 =	sadd.s32 $0x80, s4;
	[tilespmem:s3+$0xE0] =	vst.add.f32.msk $0xffff, v3  }
0x39c: {  	v3 =	vld [tilespmem:s5+$0x70];
	p0 =	slt.u32 s4, $0x380  }
0x39d: {  	v4 =	vld [tilespmem:s5+$0x0]  }
0x39e: {  	v5 =	vld [tilespmem:s5+$0x10]  }
0x39f: {  	s29 =	sadd.s32 $0x400, s29;
	v6 =	vld [tilespmem:s5+$0x20]  }
0x3a0: {  	s3 =	sadd.s32 s31, s29;
	v7 =	vld [tilespmem:s5+$0x30]  }
0x3a1: {  	[tilespmem:s3+$0xF0] =	vst.add.f32.msk $0xffff, v3  }
0x3a2: {  	v8 =	vld [tilespmem:s5+$0x40]  }
0x3a3: {  	v9 =	vld [tilespmem:s5+$0x50]  }
0x3a4: {  	v3 =	vld [tilespmem:s5+$0x60]  }
0x3a5: {  	[tilespmem:s3+$0x80] =	vst.add.f32.msk $0xffff, v4  }
.Ltmp22:
0x3a6: {  	[tilespmem:s3+$0x90] =	vst.add.f32.msk $0xffff, v5;
	(pc) =	sbr.rel @p0 .LBB2_47-.Ltmp22, $4  }
0x3a7: {  	[tilespmem:s3+$0xA0] =	vst.add.f32.msk $0xffff, v6  }
0x3a8: {  	[tilespmem:s3+$0xB0] =	vst.add.f32.msk $0xffff, v7  }
0x3a9: {  	[tilespmem:s3+$0xC0] =	vst.add.f32.msk $0xffff, v8  }
0x3aa: {  	s2 =	sadd.s32 $0x400, s2;
	[tilespmem:s3+$0xD0] =	vst.add.f32.msk $0xffff, v9  }
0x3ab: {  	p0 =	slt.u32 s25, $0xE  }
.Ltmp23:
0x3ac: {  	_ = 	snop;
	(pc) =	sbr.rel @p0 .LBB2_44-.Ltmp23, $3  }
0x3ad: {  	_ =	sdelay $0x1  }
0x3ae: {  	s2 =	sadd.s32 $0x2, s25  }
0x3af: {  	[tilespmem:s3+$0xE0] =	vst.add.f32.msk $0xffff, v3;
	s28 =	sadd.s32 $0x1, s28;
	s26 =	sadd.s32 $0x800, s26;
	s25 =	smov.u32 s2  }
0x3b0: {  	s25 =	simm.s32 $0x0;
	s2 =	rddreg [dreg:$0x14]  }
0x3b1: {  	[hbm4b:s2+s25] =	stream.linear.scatter [tilespmem:s30], [sflag:$0x3], $0x4000, $0x38;
	[tilespmem:$0x18800] =	vst v63  }
0x3b2: {  	_ =	swait.ge [sflag:s23], $0x4000  }
0x3b3: {  	[sflag:s23] =	ssyncset.done $0x0  }
0x3b4: {  	[sflag:s23] =	ssyncadd.s32 $0xFFFFC000  }
0x3b5: {  	v3 =	vld [tilespmem:$0x500];
	_ =	sdelay $0x4  }
0x3b6: {  	v4 =	vshll.u32 v3, $0x3  }
0x3b7: {  	v3 =	vand.u32 $0x7, v3;
	v4 =	vand.u32 $0xFFFFFFC0, v4  }
0x3b8: {  	v3 =	vor.u32 v3, v4  }
0x3b9: {  	v4 =	vperm.xlane v3, v0;
	_ =	sdelay $0x1  }
0x3ba: {  	v4 =	vadd.s32 v1, v4;
	_ =	sdelay $0x3  }
0x3bb: {  	s31 =	simm.s32 $0x10800  }
0x3bc: {  	[tilespmem:s31], [sflag:$0x1] =	stream.indirect_vreg.gather [hbm4b:s0+s25], $0x80, v4, vm0, $0xb8;
	[tilespmem:$0x18800] =	vst v63  }
0x3bd: {  	s3 =	simm.s32 $0x11000;
	v3 =	vperm.xlane v3, v2  }
0x3be: {  	[tilespmem:s3], [sflag:$0x1] =	stream.indirect_vreg.gather [hbm4b:s7+s25], $0x80, v4, vm0, $0xb8;
	[tilespmem:$0x18800] =	vst v63  }
0x3bf: {  	s4 =	simm.s32 $0x11800;
	v3 =	vadd.s32 v1, v3  }
0x3c0: {  	[tilespmem:s4], [sflag:$0x1] =	stream.indirect_vreg.gather [hbm4b:s8+s25], $0x80, v4, vm0, $0xb8;
	[tilespmem:$0x18800] =	vst v63  }
0x3c1: {  	s5 =	simm.s32 $0x12000  }
0x3c2: {  	[tilespmem:s5], [sflag:$0x1] =	stream.indirect_vreg.gather [hbm4b:s9+s25], $0x80, v4, vm0, $0xb8;
	[tilespmem:$0x18800] =	vst v63  }
0x3c3: {  	s6 =	simm.s32 $0x12800  }
0x3c4: {  	[tilespmem:s6], [sflag:$0x1] =	stream.indirect_vreg.gather [hbm4b:s0+s25], $0x80, v3, vm0, $0xb8;
	[tilespmem:$0x18800] =	vst v63  }
0x3c5: {  	s10 =	simm.s32 $0x13000  }
0x3c6: {  	[tilespmem:s10], [sflag:$0x1] =	stream.indirect_vreg.gather [hbm4b:s7+s25], $0x80, v3, vm0, $0xb8;
	[tilespmem:$0x18800] =	vst v63  }
0x3c7: {  	s26 =	simm.s32 $0x13800  }
0x3c8: {  	[tilespmem:s26], [sflag:$0x1] =	stream.indirect_vreg.gather [hbm4b:s8+s25], $0x80, v3, vm0, $0xb8;
	[tilespmem:$0x18800] =	vst v63  }
0x3c9: {  	s29 =	simm.s32 $0x14000  }
0x3ca: {  	[tilespmem:s29], [sflag:$0x1] =	stream.indirect_vreg.gather [hbm4b:s9+s25], $0x80, v3, vm0, $0xb8;
	[tilespmem:$0x18800] =	vst v63  }
0x3cb: {  	s31 =	rddreg [dreg:$0x17]  }
0x3cc: {  	[tilespmem:s30], [sflag:$0x2] =	stream.linear.gather [hbm4b:s31+s25], $0x4000, $0x38;
	[tilespmem:$0x18800] =	vst v63  }
0x3cd: {  	_ =	swait.ge [sflag:s21], $0x4000  }
0x3ce: {  	[sflag:s21] =	ssyncset.done $0x0  }
0x3cf: {  	[sflag:s21] =	ssyncadd.s32 $0xFFFFC000  }
0x3d0: {  	_ =	swait.ge [sflag:s22], $0x4000  }
0x3d1: {  	[sflag:s22] =	ssyncset.done $0x0  }
0x3d2: {  	s28 =	simm.s32 $0x0;
	s26 =	simm.s32 $0x0;
	[sflag:s22] =	ssyncadd.s32 $0xFFFFC000  }
.LBB2_50:
0x3d3: {  	s2 =	sshll.u32 s28, $0xA  }
0x3d4: {  	s5 =	sand.u32 $0x3FFFE000, s26;
	s2 =	sand.u32 $0xC00, s2  }
0x3d5: {  	s3 =	sadd.s32 $0x14840, s5;
	s31 =	sshrl.u32 s2, $0x2  }
0x3d6: {  	s2 =	sadd.s32 s31, s3  }
0x3d7: {  	v3 =	vld [tilespmem:s2+$0x30]  }
0x3d8: {  	v5 =	vld [tilespmem:s2+$0xFFFFFFC0]  }
0x3d9: {  	v6 =	vld [tilespmem:s2+$0xFFFFFFD0]  }
0x3da: {  	v7 =	vld [tilespmem:s2+$0xFFFFFFE0]  }
0x3db: {  	v8 =	vld [tilespmem:s2+$0xFFFFFFF0]  }
0x3dc: {  	s29 =	sadd.s32 $0x8800, s5;
	v9 =	vld [tilespmem:s2+$0x0]  }
0x3dd: {  	s4 =	sadd.s32 s31, s29;
	v4 =	vld [tilespmem:s2+$0x10]  }
0x3de: {  	[tilespmem:s4+$0x70] =	vst.add.f32.msk $0xffff, v3  }
0x3df: {  	v3 =	vld [tilespmem:s2+$0x20]  }
0x3e0: {  	[tilespmem:s4+$0x0] =	vst.add.f32.msk $0xffff, v5  }
0x3e1: {  	[tilespmem:s4+$0x10] =	vst.add.f32.msk $0xffff, v6  }
0x3e2: {  	[tilespmem:s4+$0x20] =	vst.add.f32.msk $0xffff, v7  }
0x3e3: {  	[tilespmem:s4+$0x30] =	vst.add.f32.msk $0xffff, v8  }
0x3e4: {  	s6 =	smov.u32 s29;
	s2 =	sadd.s32 $0x14880, s5;
	s5 =	simm.s32 $0x0;
	[tilespmem:s4+$0x40] =	vst.add.f32.msk $0xffff, v9  }
.LBB2_51:
0x3e5: {  	s5 =	sadd.s32 $0x80, s5;
	[tilespmem:s4+$0x50] =	vst.add.f32.msk $0xffff, v4;
	s3 =	sadd.s32 $0x400, s3  }
0x3e6: {  	s10 =	sadd.s32 s31, s3;
	p0 =	slt.u32 s5, $0x380;
	[tilespmem:s4+$0x60] =	vst.add.f32.msk $0xffff, v3  }
0x3e7: {  	v3 =	vld [tilespmem:s10+$0x30]  }
0x3e8: {  	v5 =	vld [tilespmem:s10+$0xFFFFFFC0]  }
0x3e9: {  	v6 =	vld [tilespmem:s10+$0xFFFFFFD0]  }
0x3ea: {  	s6 =	sadd.s32 $0x400, s6;
	v7 =	vld [tilespmem:s10+$0xFFFFFFE0]  }
0x3eb: {  	s4 =	sadd.s32 s31, s6;
	v8 =	vld [tilespmem:s10+$0xFFFFFFF0]  }
0x3ec: {  	[tilespmem:s4+$0x70] =	vst.add.f32.msk $0xffff, v3  }
0x3ed: {  	v9 =	vld [tilespmem:s10+$0x0]  }
0x3ee: {  	v4 =	vld [tilespmem:s10+$0x10]  }
0x3ef: {  	v3 =	vld [tilespmem:s10+$0x20]  }
.Ltmp24:
0x3f0: {  	[tilespmem:s4+$0x0] =	vst.add.f32.msk $0xffff, v5;
	(pc) =	sbr.rel @p0 .LBB2_51-.Ltmp24, $4  }
0x3f1: {  	[tilespmem:s4+$0x10] =	vst.add.f32.msk $0xffff, v6  }
0x3f2: {  	[tilespmem:s4+$0x20] =	vst.add.f32.msk $0xffff, v7  }
0x3f3: {  	[tilespmem:s4+$0x30] =	vst.add.f32.msk $0xffff, v8  }
0x3f4: {  	[tilespmem:s4+$0x40] =	vst.add.f32.msk $0xffff, v9  }
0x3f5: {  	[tilespmem:s4+$0x50] =	vst.add.f32.msk $0xffff, v4  }
0x3f6: {  	[tilespmem:s4+$0x60] =	vst.add.f32.msk $0xffff, v3;
	s10 =	sadd.s32 s31, s2  }
0x3f7: {  	v3 =	vld [tilespmem:s10+$0x70]  }
0x3f8: {  	v4 =	vld [tilespmem:s10+$0x0]  }
0x3f9: {  	v5 =	vld [tilespmem:s10+$0x10]  }
0x3fa: {  	v6 =	vld [tilespmem:s10+$0x20]  }
0x3fb: {  	v7 =	vld [tilespmem:s10+$0x30]  }
0x3fc: {  	v8 =	vld [tilespmem:s10+$0x40]  }
0x3fd: {  	s3 =	sadd.s32 s31, s29;
	v9 =	vld [tilespmem:s10+$0x50]  }
0x3fe: {  	[tilespmem:s3+$0xF0] =	vst.add.f32.msk $0xffff, v3  }
0x3ff: {  	v3 =	vld [tilespmem:s10+$0x60]  }
0x400: {  	[tilespmem:s3+$0x80] =	vst.add.f32.msk $0xffff, v4  }
0x401: {  	[tilespmem:s3+$0x90] =	vst.add.f32.msk $0xffff, v5  }
0x402: {  	[tilespmem:s3+$0xA0] =	vst.add.f32.msk $0xffff, v6  }
0x403: {  	[tilespmem:s3+$0xB0] =	vst.add.f32.msk $0xffff, v7  }
0x404: {  	[tilespmem:s3+$0xC0] =	vst.add.f32.msk $0xffff, v8  }
0x405: {  	s4 =	simm.s32 $0x0;
	s2 =	sadd.s32 $0x400, s2;
	[tilespmem:s3+$0xD0] =	vst.add.f32.msk $0xffff, v9  }
.LBB2_53:
0x406: {  	s5 =	sadd.s32 s31, s2;
	s4 =	sadd.s32 $0x80, s4;
	[tilespmem:s3+$0xE0] =	vst.add.f32.msk $0xffff, v3  }
0x407: {  	v3 =	vld [tilespmem:s5+$0x70];
	p0 =	slt.u32 s4, $0x380  }
0x408: {  	v4 =	vld [tilespmem:s5+$0x0]  }
0x409: {  	v5 =	vld [tilespmem:s5+$0x10]  }
0x40a: {  	s29 =	sadd.s32 $0x400, s29;
	v6 =	vld [tilespmem:s5+$0x20]  }
0x40b: {  	s3 =	sadd.s32 s31, s29;
	v7 =	vld [tilespmem:s5+$0x30]  }
0x40c: {  	[tilespmem:s3+$0xF0] =	vst.add.f32.msk $0xffff, v3  }
0x40d: {  	v8 =	vld [tilespmem:s5+$0x40]  }
0x40e: {  	v9 =	vld [tilespmem:s5+$0x50]  }
0x40f: {  	v3 =	vld [tilespmem:s5+$0x60]  }
0x410: {  	[tilespmem:s3+$0x80] =	vst.add.f32.msk $0xffff, v4  }
.Ltmp25:
0x411: {  	[tilespmem:s3+$0x90] =	vst.add.f32.msk $0xffff, v5;
	(pc) =	sbr.rel @p0 .LBB2_53-.Ltmp25, $4  }
0x412: {  	[tilespmem:s3+$0xA0] =	vst.add.f32.msk $0xffff, v6  }
0x413: {  	[tilespmem:s3+$0xB0] =	vst.add.f32.msk $0xffff, v7  }
0x414: {  	[tilespmem:s3+$0xC0] =	vst.add.f32.msk $0xffff, v8  }
0x415: {  	s2 =	sadd.s32 $0x400, s2;
	[tilespmem:s3+$0xD0] =	vst.add.f32.msk $0xffff, v9  }
0x416: {  	p0 =	slt.u32 s25, $0xE  }
.Ltmp26:
0x417: {  	_ = 	snop;
	(pc) =	sbr.rel @p0 .LBB2_50-.Ltmp26, $3  }
0x418: {  	_ =	sdelay $0x1  }
0x419: {  	s2 =	sadd.s32 $0x2, s25  }
0x41a: {  	[tilespmem:s3+$0xE0] =	vst.add.f32.msk $0xffff, v3;
	s28 =	sadd.s32 $0x1, s28;
	s26 =	sadd.s32 $0x800, s26;
	s25 =	smov.u32 s2  }
0x41b: {  	s25 =	simm.s32 $0x0;
	s2 =	rddreg [dreg:$0x15]  }
0x41c: {  	[hbm4b:s2+s25] =	stream.linear.scatter [tilespmem:s20], [sflag:$0x3], $0x4000, $0x38;
	[tilespmem:$0x18800] =	vst v63  }
0x41d: {  	_ =	swait.ge [sflag:s23], $0x4000  }
0x41e: {  	[sflag:s23] =	ssyncset.done $0x0  }
0x41f: {  	[sflag:s23] =	ssyncadd.s32 $0xFFFFC000  }
0x420: {  	v3 =	vld [tilespmem:$0x580];
	_ =	sdelay $0x4  }
0x421: {  	v4 =	vshll.u32 v3, $0x3  }
0x422: {  	v3 =	vand.u32 $0x7, v3;
	v4 =	vand.u32 $0xFFFFFFC0, v4  }
0x423: {  	v3 =	vor.u32 v3, v4  }
0x424: {  	v4 =	vperm.xlane v3, v0;
	_ =	sdelay $0x1  }
0x425: {  	v4 =	vadd.s32 v1, v4;
	_ =	sdelay $0x3  }
0x426: {  	s31 =	simm.s32 $0x14800  }
0x427: {  	[tilespmem:s31], [sflag:$0x1] =	stream.indirect_vreg.gather [hbm4b:s0+s25], $0x80, v4, vm0, $0xb8;
	[tilespmem:$0x18800] =	vst v63  }
0x428: {  	s3 =	simm.s32 $0x15000;
	v3 =	vperm.xlane v3, v2  }
0x429: {  	[tilespmem:s3], [sflag:$0x1] =	stream.indirect_vreg.gather [hbm4b:s7+s25], $0x80, v4, vm0, $0xb8;
	[tilespmem:$0x18800] =	vst v63  }
0x42a: {  	s4 =	simm.s32 $0x15800;
	v3 =	vadd.s32 v1, v3  }
0x42b: {  	[tilespmem:s4], [sflag:$0x1] =	stream.indirect_vreg.gather [hbm4b:s8+s25], $0x80, v4, vm0, $0xb8;
	[tilespmem:$0x18800] =	vst v63  }
0x42c: {  	s5 =	simm.s32 $0x16000  }
0x42d: {  	[tilespmem:s5], [sflag:$0x1] =	stream.indirect_vreg.gather [hbm4b:s9+s25], $0x80, v4, vm0, $0xb8;
	[tilespmem:$0x18800] =	vst v63  }
0x42e: {  	s6 =	simm.s32 $0x16800  }
0x42f: {  	[tilespmem:s6], [sflag:$0x1] =	stream.indirect_vreg.gather [hbm4b:s0+s25], $0x80, v3, vm0, $0xb8;
	[tilespmem:$0x18800] =	vst v63  }
0x430: {  	s10 =	simm.s32 $0x17000  }
0x431: {  	[tilespmem:s10], [sflag:$0x1] =	stream.indirect_vreg.gather [hbm4b:s7+s25], $0x80, v3, vm0, $0xb8;
	[tilespmem:$0x18800] =	vst v63  }
0x432: {  	s26 =	simm.s32 $0x17800  }
0x433: {  	[tilespmem:s26], [sflag:$0x1] =	stream.indirect_vreg.gather [hbm4b:s8+s25], $0x80, v3, vm0, $0xb8;
	[tilespmem:$0x18800] =	vst v63  }
0x434: {  	s29 =	simm.s32 $0x18000  }
0x435: {  	[tilespmem:s29], [sflag:$0x1] =	stream.indirect_vreg.gather [hbm4b:s9+s25], $0x80, v3, vm0, $0xb8;
	[tilespmem:$0x18800] =	vst v63  }
0x436: {  	s31 =	rddreg [dreg:$0x19]  }
0x437: {  	[tilespmem:s20], [sflag:$0x2] =	stream.linear.gather [hbm4b:s31+s25], $0x4000, $0x38;
	[tilespmem:$0x18800] =	vst v63  }
0x438: {  	_ =	swait.ge [sflag:s21], $0x4000  }
0x439: {  	[sflag:s21] =	ssyncset.done $0x0  }
0x43a: {  	[sflag:s21] =	ssyncadd.s32 $0xFFFFC000  }
0x43b: {  	_ =	swait.ge [sflag:s22], $0x4000  }
0x43c: {  	[sflag:s22] =	ssyncset.done $0x0  }
0x43d: {  	s28 =	simm.s32 $0x0;
	s26 =	simm.s32 $0x0;
	[sflag:s22] =	ssyncadd.s32 $0xFFFFC000  }
.LBB2_56:
0x43e: {  	s2 =	sshll.u32 s28, $0xA  }
0x43f: {  	s5 =	sand.u32 $0x3FFFE000, s26;
	s2 =	sand.u32 $0xC00, s2  }
0x440: {  	s3 =	sadd.s32 $0xC840, s5;
	s31 =	sshrl.u32 s2, $0x2  }
0x441: {  	s2 =	sadd.s32 s31, s3  }
0x442: {  	v3 =	vld [tilespmem:s2+$0x30]  }
0x443: {  	v5 =	vld [tilespmem:s2+$0xFFFFFFC0]  }
0x444: {  	v6 =	vld [tilespmem:s2+$0xFFFFFFD0]  }
0x445: {  	v7 =	vld [tilespmem:s2+$0xFFFFFFE0]  }
0x446: {  	v8 =	vld [tilespmem:s2+$0xFFFFFFF0]  }
0x447: {  	s29 =	sor.u32 $0x800, s5;
	v9 =	vld [tilespmem:s2+$0x0]  }
0x448: {  	s4 =	sadd.s32 s31, s29;
	v4 =	vld [tilespmem:s2+$0x10]  }
0x449: {  	[tilespmem:s4+$0x70] =	vst.add.f32.msk $0xffff, v3  }
0x44a: {  	v3 =	vld [tilespmem:s2+$0x20]  }
0x44b: {  	[tilespmem:s4+$0x0] =	vst.add.f32.msk $0xffff, v5  }
0x44c: {  	[tilespmem:s4+$0x10] =	vst.add.f32.msk $0xffff, v6  }
0x44d: {  	[tilespmem:s4+$0x20] =	vst.add.f32.msk $0xffff, v7  }
0x44e: {  	[tilespmem:s4+$0x30] =	vst.add.f32.msk $0xffff, v8  }
0x44f: {  	s6 =	smov.u32 s29;
	s2 =	sadd.s32 $0xC880, s5;
	s5 =	simm.s32 $0x0;
	[tilespmem:s4+$0x40] =	vst.add.f32.msk $0xffff, v9  }
.LBB2_57:
0x450: {  	s5 =	sadd.s32 $0x80, s5;
	[tilespmem:s4+$0x50] =	vst.add.f32.msk $0xffff, v4;
	s3 =	sadd.s32 $0x400, s3  }
0x451: {  	s10 =	sadd.s32 s31, s3;
	p0 =	slt.u32 s5, $0x380;
	[tilespmem:s4+$0x60] =	vst.add.f32.msk $0xffff, v3  }
0x452: {  	v3 =	vld [tilespmem:s10+$0x30]  }
0x453: {  	v5 =	vld [tilespmem:s10+$0xFFFFFFC0]  }
0x454: {  	v6 =	vld [tilespmem:s10+$0xFFFFFFD0]  }
0x455: {  	s6 =	sadd.s32 $0x400, s6;
	v7 =	vld [tilespmem:s10+$0xFFFFFFE0]  }
0x456: {  	s4 =	sadd.s32 s31, s6;
	v8 =	vld [tilespmem:s10+$0xFFFFFFF0]  }
0x457: {  	[tilespmem:s4+$0x70] =	vst.add.f32.msk $0xffff, v3  }
0x458: {  	v9 =	vld [tilespmem:s10+$0x0]  }
0x459: {  	v4 =	vld [tilespmem:s10+$0x10]  }
0x45a: {  	v3 =	vld [tilespmem:s10+$0x20]  }
.Ltmp27:
0x45b: {  	[tilespmem:s4+$0x0] =	vst.add.f32.msk $0xffff, v5;
	(pc) =	sbr.rel @p0 .LBB2_57-.Ltmp27, $4  }
0x45c: {  	[tilespmem:s4+$0x10] =	vst.add.f32.msk $0xffff, v6  }
0x45d: {  	[tilespmem:s4+$0x20] =	vst.add.f32.msk $0xffff, v7  }
0x45e: {  	[tilespmem:s4+$0x30] =	vst.add.f32.msk $0xffff, v8  }
0x45f: {  	[tilespmem:s4+$0x40] =	vst.add.f32.msk $0xffff, v9  }
0x460: {  	[tilespmem:s4+$0x50] =	vst.add.f32.msk $0xffff, v4  }
0x461: {  	[tilespmem:s4+$0x60] =	vst.add.f32.msk $0xffff, v3;
	s10 =	sadd.s32 s31, s2  }
0x462: {  	v3 =	vld [tilespmem:s10+$0x70]  }
0x463: {  	v4 =	vld [tilespmem:s10+$0x0]  }
0x464: {  	v5 =	vld [tilespmem:s10+$0x10]  }
0x465: {  	v6 =	vld [tilespmem:s10+$0x20]  }
0x466: {  	v7 =	vld [tilespmem:s10+$0x30]  }
0x467: {  	v8 =	vld [tilespmem:s10+$0x40]  }
0x468: {  	s3 =	sadd.s32 s31, s29;
	v9 =	vld [tilespmem:s10+$0x50]  }
0x469: {  	[tilespmem:s3+$0xF0] =	vst.add.f32.msk $0xffff, v3  }
0x46a: {  	v3 =	vld [tilespmem:s10+$0x60]  }
0x46b: {  	[tilespmem:s3+$0x80] =	vst.add.f32.msk $0xffff, v4  }
0x46c: {  	[tilespmem:s3+$0x90] =	vst.add.f32.msk $0xffff, v5  }
0x46d: {  	[tilespmem:s3+$0xA0] =	vst.add.f32.msk $0xffff, v6  }
0x46e: {  	[tilespmem:s3+$0xB0] =	vst.add.f32.msk $0xffff, v7  }
0x46f: {  	[tilespmem:s3+$0xC0] =	vst.add.f32.msk $0xffff, v8  }
0x470: {  	s4 =	simm.s32 $0x0;
	s2 =	sadd.s32 $0x400, s2;
	[tilespmem:s3+$0xD0] =	vst.add.f32.msk $0xffff, v9  }
.LBB2_59:
0x471: {  	s5 =	sadd.s32 s31, s2;
	s4 =	sadd.s32 $0x80, s4;
	[tilespmem:s3+$0xE0] =	vst.add.f32.msk $0xffff, v3  }
0x472: {  	v3 =	vld [tilespmem:s5+$0x70];
	p0 =	slt.u32 s4, $0x380  }
0x473: {  	v4 =	vld [tilespmem:s5+$0x0]  }
0x474: {  	v5 =	vld [tilespmem:s5+$0x10]  }
0x475: {  	s29 =	sadd.s32 $0x400, s29;
	v6 =	vld [tilespmem:s5+$0x20]  }
0x476: {  	s3 =	sadd.s32 s31, s29;
	v7 =	vld [tilespmem:s5+$0x30]  }
0x477: {  	[tilespmem:s3+$0xF0] =	vst.add.f32.msk $0xffff, v3  }
0x478: {  	v8 =	vld [tilespmem:s5+$0x40]  }
0x479: {  	v9 =	vld [tilespmem:s5+$0x50]  }
0x47a: {  	v3 =	vld [tilespmem:s5+$0x60]  }
0x47b: {  	[tilespmem:s3+$0x80] =	vst.add.f32.msk $0xffff, v4  }
.Ltmp28:
0x47c: {  	[tilespmem:s3+$0x90] =	vst.add.f32.msk $0xffff, v5;
	(pc) =	sbr.rel @p0 .LBB2_59-.Ltmp28, $4  }
0x47d: {  	[tilespmem:s3+$0xA0] =	vst.add.f32.msk $0xffff, v6  }
0x47e: {  	[tilespmem:s3+$0xB0] =	vst.add.f32.msk $0xffff, v7  }
0x47f: {  	[tilespmem:s3+$0xC0] =	vst.add.f32.msk $0xffff, v8  }
0x480: {  	s2 =	sadd.s32 $0x400, s2;
	[tilespmem:s3+$0xD0] =	vst.add.f32.msk $0xffff, v9  }
0x481: {  	p0 =	slt.u32 s25, $0xE  }
.Ltmp29:
0x482: {  	_ = 	snop;
	(pc) =	sbr.rel @p0 .LBB2_56-.Ltmp29, $3  }
0x483: {  	_ =	sdelay $0x1  }
0x484: {  	s2 =	sadd.s32 $0x2, s25  }
0x485: {  	[tilespmem:s3+$0xE0] =	vst.add.f32.msk $0xffff, v3;
	s28 =	sadd.s32 $0x1, s28;
	s26 =	sadd.s32 $0x800, s26;
	s25 =	smov.u32 s2  }
0x486: {  	s25 =	simm.s32 $0x0;
	s2 =	rddreg [dreg:$0x16]  }
0x487: {  	[hbm4b:s2+s25] =	stream.linear.scatter [tilespmem:s19], [sflag:$0x3], $0x4000, $0x38;
	[tilespmem:$0x18800] =	vst v63  }
0x488: {  	_ =	swait.ge [sflag:s23], $0x4000  }
0x489: {  	[sflag:s23] =	ssyncset.done $0x0  }
0x48a: {  	[sflag:s23] =	ssyncadd.s32 $0xFFFFC000  }
0x48b: {  	v3 =	vld [tilespmem:$0x600];
	_ =	sdelay $0x4  }
0x48c: {  	v4 =	vshll.u32 v3, $0x3  }
0x48d: {  	v3 =	vand.u32 $0x7, v3;
	v4 =	vand.u32 $0xFFFFFFC0, v4  }
0x48e: {  	v3 =	vor.u32 v3, v4  }
0x48f: {  	v4 =	vperm.xlane v3, v0;
	_ =	sdelay $0x1  }
0x490: {  	v4 =	vadd.s32 v1, v4;
	_ =	sdelay $0x4  }
0x491: {  	[tilespmem:s11], [sflag:$0x1] =	stream.indirect_vreg.gather [hbm4b:s0+s25], $0x80, v4, vm0, $0xb8;
	[tilespmem:$0x18800] =	vst v63  }
0x492: {  	v3 =	vperm.xlane v3, v2  }
0x493: {  	[tilespmem:s12], [sflag:$0x1] =	stream.indirect_vreg.gather [hbm4b:s7+s25], $0x80, v4, vm0, $0xb8;
	[tilespmem:$0x18800] =	vst v63  }
0x494: {  	v3 =	vadd.s32 v1, v3  }
0x495: {  	[tilespmem:s13], [sflag:$0x1] =	stream.indirect_vreg.gather [hbm4b:s8+s25], $0x80, v4, vm0, $0xb8;
	[tilespmem:$0x18800] =	vst v63  }
0x496: {  	_ = 	snop  }
0x497: {  	[tilespmem:s14], [sflag:$0x1] =	stream.indirect_vreg.gather [hbm4b:s9+s25], $0x80, v4, vm0, $0xb8;
	[tilespmem:$0x18800] =	vst v63  }
0x498: {  	_ = 	snop  }
0x499: {  	[tilespmem:s15], [sflag:$0x1] =	stream.indirect_vreg.gather [hbm4b:s0+s25], $0x80, v3, vm0, $0xb8;
	[tilespmem:$0x18800] =	vst v63  }
0x49a: {  	_ = 	snop  }
0x49b: {  	[tilespmem:s16], [sflag:$0x1] =	stream.indirect_vreg.gather [hbm4b:s7+s25], $0x80, v3, vm0, $0xb8;
	[tilespmem:$0x18800] =	vst v63  }
0x49c: {  	_ = 	snop  }
0x49d: {  	[tilespmem:s17], [sflag:$0x1] =	stream.indirect_vreg.gather [hbm4b:s8+s25], $0x80, v3, vm0, $0xb8;
	[tilespmem:$0x18800] =	vst v63  }
0x49e: {  	_ = 	snop  }
0x49f: {  	[tilespmem:s18], [sflag:$0x1] =	stream.indirect_vreg.gather [hbm4b:s9+s25], $0x80, v3, vm0, $0xb8;
	[tilespmem:$0x18800] =	vst v63  }
0x4a0: {  	s31 =	rddreg [dreg:$0x1b]  }
0x4a1: {  	[tilespmem:s19], [sflag:$0x2] =	stream.linear.gather [hbm4b:s31+s25], $0x4000, $0x38;
	[tilespmem:$0x18800] =	vst v63  }
0x4a2: {  	_ =	swait.ge [sflag:s21], $0x4000  }
0x4a3: {  	[sflag:s21] =	ssyncset.done $0x0  }
0x4a4: {  	[sflag:s21] =	ssyncadd.s32 $0xFFFFC000  }
0x4a5: {  	_ =	swait.ge [sflag:s22], $0x4000  }
0x4a6: {  	[sflag:s22] =	ssyncset.done $0x0  }
0x4a7: {  	s26 =	simm.s32 $0x0;
	s28 =	simm.s32 $0x0;
	[sflag:s22] =	ssyncadd.s32 $0xFFFFC000  }
.LBB2_62:
0x4a8: {  	s2 =	sshll.u32 s28, $0xA  }
0x4a9: {  	s5 =	sand.u32 $0x3FFFE000, s26;
	s2 =	sand.u32 $0xC00, s2  }
0x4aa: {  	s3 =	sadd.s32 $0x10840, s5;
	s31 =	sshrl.u32 s2, $0x2  }
0x4ab: {  	s2 =	sadd.s32 s31, s3  }
0x4ac: {  	v3 =	vld [tilespmem:s2+$0x30]  }
0x4ad: {  	v5 =	vld [tilespmem:s2+$0xFFFFFFC0]  }
0x4ae: {  	v6 =	vld [tilespmem:s2+$0xFFFFFFD0]  }
0x4af: {  	v7 =	vld [tilespmem:s2+$0xFFFFFFE0]  }
0x4b0: {  	v8 =	vld [tilespmem:s2+$0xFFFFFFF0]  }
0x4b1: {  	s29 =	sadd.s32 $0x4800, s5;
	v9 =	vld [tilespmem:s2+$0x0]  }
0x4b2: {  	s4 =	sadd.s32 s31, s29;
	v4 =	vld [tilespmem:s2+$0x10]  }
0x4b3: {  	[tilespmem:s4+$0x70] =	vst.add.f32.msk $0xffff, v3  }
0x4b4: {  	v3 =	vld [tilespmem:s2+$0x20]  }
0x4b5: {  	[tilespmem:s4+$0x0] =	vst.add.f32.msk $0xffff, v5  }
0x4b6: {  	[tilespmem:s4+$0x10] =	vst.add.f32.msk $0xffff, v6  }
0x4b7: {  	[tilespmem:s4+$0x20] =	vst.add.f32.msk $0xffff, v7  }
0x4b8: {  	[tilespmem:s4+$0x30] =	vst.add.f32.msk $0xffff, v8  }
0x4b9: {  	s6 =	smov.u32 s29;
	s2 =	sadd.s32 $0x10880, s5;
	s5 =	simm.s32 $0x0;
	[tilespmem:s4+$0x40] =	vst.add.f32.msk $0xffff, v9  }
.LBB2_63:
0x4ba: {  	s5 =	sadd.s32 $0x80, s5;
	[tilespmem:s4+$0x50] =	vst.add.f32.msk $0xffff, v4;
	s3 =	sadd.s32 $0x400, s3  }
0x4bb: {  	s10 =	sadd.s32 s31, s3;
	p0 =	slt.u32 s5, $0x380;
	[tilespmem:s4+$0x60] =	vst.add.f32.msk $0xffff, v3  }
0x4bc: {  	v3 =	vld [tilespmem:s10+$0x30]  }
0x4bd: {  	v5 =	vld [tilespmem:s10+$0xFFFFFFC0]  }
0x4be: {  	v6 =	vld [tilespmem:s10+$0xFFFFFFD0]  }
0x4bf: {  	s6 =	sadd.s32 $0x400, s6;
	v7 =	vld [tilespmem:s10+$0xFFFFFFE0]  }
0x4c0: {  	s4 =	sadd.s32 s31, s6;
	v8 =	vld [tilespmem:s10+$0xFFFFFFF0]  }
0x4c1: {  	[tilespmem:s4+$0x70] =	vst.add.f32.msk $0xffff, v3  }
0x4c2: {  	v9 =	vld [tilespmem:s10+$0x0]  }
0x4c3: {  	v4 =	vld [tilespmem:s10+$0x10]  }
0x4c4: {  	v3 =	vld [tilespmem:s10+$0x20]  }
.Ltmp30:
0x4c5: {  	[tilespmem:s4+$0x0] =	vst.add.f32.msk $0xffff, v5;
	(pc) =	sbr.rel @p0 .LBB2_63-.Ltmp30, $4  }
0x4c6: {  	[tilespmem:s4+$0x10] =	vst.add.f32.msk $0xffff, v6  }
0x4c7: {  	[tilespmem:s4+$0x20] =	vst.add.f32.msk $0xffff, v7  }
0x4c8: {  	[tilespmem:s4+$0x30] =	vst.add.f32.msk $0xffff, v8  }
0x4c9: {  	[tilespmem:s4+$0x40] =	vst.add.f32.msk $0xffff, v9  }
0x4ca: {  	[tilespmem:s4+$0x50] =	vst.add.f32.msk $0xffff, v4  }
0x4cb: {  	[tilespmem:s4+$0x60] =	vst.add.f32.msk $0xffff, v3;
	s10 =	sadd.s32 s31, s2  }
0x4cc: {  	v3 =	vld [tilespmem:s10+$0x70]  }
0x4cd: {  	v4 =	vld [tilespmem:s10+$0x0]  }
0x4ce: {  	v5 =	vld [tilespmem:s10+$0x10]  }
0x4cf: {  	v6 =	vld [tilespmem:s10+$0x20]  }
0x4d0: {  	v7 =	vld [tilespmem:s10+$0x30]  }
0x4d1: {  	v8 =	vld [tilespmem:s10+$0x40]  }
0x4d2: {  	s3 =	sadd.s32 s31, s29;
	v9 =	vld [tilespmem:s10+$0x50]  }
0x4d3: {  	[tilespmem:s3+$0xF0] =	vst.add.f32.msk $0xffff, v3  }
0x4d4: {  	v3 =	vld [tilespmem:s10+$0x60]  }
0x4d5: {  	[tilespmem:s3+$0x80] =	vst.add.f32.msk $0xffff, v4  }
0x4d6: {  	[tilespmem:s3+$0x90] =	vst.add.f32.msk $0xffff, v5  }
0x4d7: {  	[tilespmem:s3+$0xA0] =	vst.add.f32.msk $0xffff, v6  }
0x4d8: {  	[tilespmem:s3+$0xB0] =	vst.add.f32.msk $0xffff, v7  }
0x4d9: {  	[tilespmem:s3+$0xC0] =	vst.add.f32.msk $0xffff, v8  }
0x4da: {  	s4 =	simm.s32 $0x0;
	s2 =	sadd.s32 $0x400, s2;
	[tilespmem:s3+$0xD0] =	vst.add.f32.msk $0xffff, v9  }
.LBB2_65:
0x4db: {  	s5 =	sadd.s32 s31, s2;
	s4 =	sadd.s32 $0x80, s4;
	[tilespmem:s3+$0xE0] =	vst.add.f32.msk $0xffff, v3  }
0x4dc: {  	v3 =	vld [tilespmem:s5+$0x70];
	p0 =	slt.u32 s4, $0x380  }
0x4dd: {  	v4 =	vld [tilespmem:s5+$0x0]  }
0x4de: {  	v5 =	vld [tilespmem:s5+$0x10]  }
0x4df: {  	s29 =	sadd.s32 $0x400, s29;
	v6 =	vld [tilespmem:s5+$0x20]  }
0x4e0: {  	s3 =	sadd.s32 s31, s29;
	v7 =	vld [tilespmem:s5+$0x30]  }
0x4e1: {  	[tilespmem:s3+$0xF0] =	vst.add.f32.msk $0xffff, v3  }
0x4e2: {  	v8 =	vld [tilespmem:s5+$0x40]  }
0x4e3: {  	v9 =	vld [tilespmem:s5+$0x50]  }
0x4e4: {  	v3 =	vld [tilespmem:s5+$0x60]  }
0x4e5: {  	[tilespmem:s3+$0x80] =	vst.add.f32.msk $0xffff, v4  }
.Ltmp31:
0x4e6: {  	[tilespmem:s3+$0x90] =	vst.add.f32.msk $0xffff, v5;
	(pc) =	sbr.rel @p0 .LBB2_65-.Ltmp31, $4  }
0x4e7: {  	[tilespmem:s3+$0xA0] =	vst.add.f32.msk $0xffff, v6  }
0x4e8: {  	[tilespmem:s3+$0xB0] =	vst.add.f32.msk $0xffff, v7  }
0x4e9: {  	[tilespmem:s3+$0xC0] =	vst.add.f32.msk $0xffff, v8  }
0x4ea: {  	s2 =	sadd.s32 $0x400, s2;
	[tilespmem:s3+$0xD0] =	vst.add.f32.msk $0xffff, v9  }
0x4eb: {  	p0 =	slt.u32 s25, $0xE  }
.Ltmp32:
0x4ec: {  	_ = 	snop;
	(pc) =	sbr.rel @p0 .LBB2_62-.Ltmp32, $3  }
0x4ed: {  	_ =	sdelay $0x1  }
0x4ee: {  	s2 =	sadd.s32 $0x2, s25  }
0x4ef: {  	[tilespmem:s3+$0xE0] =	vst.add.f32.msk $0xffff, v3;
	s28 =	sadd.s32 $0x1, s28;
	s26 =	sadd.s32 $0x800, s26;
	s25 =	smov.u32 s2  }
0x4f0: {  	s25 =	simm.s32 $0x0;
	s2 =	rddreg [dreg:$0x18]  }
0x4f1: {  	[hbm4b:s2+s25] =	stream.linear.scatter [tilespmem:s30], [sflag:$0x3], $0x4000, $0x38;
	[tilespmem:$0x18800] =	vst v63  }
0x4f2: {  	_ =	swait.ge [sflag:s23], $0x4000  }
0x4f3: {  	[sflag:s23] =	ssyncset.done $0x0  }
0x4f4: {  	[sflag:s23] =	ssyncadd.s32 $0xFFFFC000  }
0x4f5: {  	v3 =	vld [tilespmem:$0x680];
	_ =	sdelay $0x4  }
0x4f6: {  	v4 =	vshll.u32 v3, $0x3  }
0x4f7: {  	v3 =	vand.u32 $0x7, v3;
	v4 =	vand.u32 $0xFFFFFFC0, v4  }
0x4f8: {  	v3 =	vor.u32 v3, v4  }
0x4f9: {  	v4 =	vperm.xlane v3, v0;
	_ =	sdelay $0x1  }
0x4fa: {  	v4 =	vadd.s32 v1, v4;
	_ =	sdelay $0x3  }
0x4fb: {  	s31 =	simm.s32 $0x10800  }
0x4fc: {  	[tilespmem:s31], [sflag:$0x1] =	stream.indirect_vreg.gather [hbm4b:s0+s25], $0x80, v4, vm0, $0xb8;
	[tilespmem:$0x18800] =	vst v63  }
0x4fd: {  	s3 =	simm.s32 $0x11000;
	v3 =	vperm.xlane v3, v2  }
0x4fe: {  	[tilespmem:s3], [sflag:$0x1] =	stream.indirect_vreg.gather [hbm4b:s7+s25], $0x80, v4, vm0, $0xb8;
	[tilespmem:$0x18800] =	vst v63  }
0x4ff: {  	s4 =	simm.s32 $0x11800;
	v3 =	vadd.s32 v1, v3  }
0x500: {  	[tilespmem:s4], [sflag:$0x1] =	stream.indirect_vreg.gather [hbm4b:s8+s25], $0x80, v4, vm0, $0xb8;
	[tilespmem:$0x18800] =	vst v63  }
0x501: {  	s5 =	simm.s32 $0x12000  }
0x502: {  	[tilespmem:s5], [sflag:$0x1] =	stream.indirect_vreg.gather [hbm4b:s9+s25], $0x80, v4, vm0, $0xb8;
	[tilespmem:$0x18800] =	vst v63  }
0x503: {  	s6 =	simm.s32 $0x12800  }
0x504: {  	[tilespmem:s6], [sflag:$0x1] =	stream.indirect_vreg.gather [hbm4b:s0+s25], $0x80, v3, vm0, $0xb8;
	[tilespmem:$0x18800] =	vst v63  }
0x505: {  	s10 =	simm.s32 $0x13000  }
0x506: {  	[tilespmem:s10], [sflag:$0x1] =	stream.indirect_vreg.gather [hbm4b:s7+s25], $0x80, v3, vm0, $0xb8;
	[tilespmem:$0x18800] =	vst v63  }
0x507: {  	s26 =	simm.s32 $0x13800  }
0x508: {  	[tilespmem:s26], [sflag:$0x1] =	stream.indirect_vreg.gather [hbm4b:s8+s25], $0x80, v3, vm0, $0xb8;
	[tilespmem:$0x18800] =	vst v63  }
0x509: {  	s29 =	simm.s32 $0x14000  }
0x50a: {  	[tilespmem:s29], [sflag:$0x1] =	stream.indirect_vreg.gather [hbm4b:s9+s25], $0x80, v3, vm0, $0xb8;
	[tilespmem:$0x18800] =	vst v63  }
0x50b: {  	s31 =	rddreg [dreg:$0x1f]  }
0x50c: {  	[tilespmem:s30], [sflag:$0x2] =	stream.linear.gather [hbm4b:s31+s25], $0x4000, $0x38;
	[tilespmem:$0x18800] =	vst v63  }
0x50d: {  	_ =	swait.ge [sflag:s21], $0x4000  }
0x50e: {  	[sflag:s21] =	ssyncset.done $0x0  }
0x50f: {  	[sflag:s21] =	ssyncadd.s32 $0xFFFFC000  }
0x510: {  	_ =	swait.ge [sflag:s22], $0x4000  }
0x511: {  	[sflag:s22] =	ssyncset.done $0x0  }
0x512: {  	s28 =	simm.s32 $0x0;
	s26 =	simm.s32 $0x0;
	[sflag:s22] =	ssyncadd.s32 $0xFFFFC000  }
.LBB2_68:
0x513: {  	s2 =	sshll.u32 s28, $0xA  }
0x514: {  	s5 =	sand.u32 $0x3FFFE000, s26;
	s2 =	sand.u32 $0xC00, s2  }
0x515: {  	s3 =	sadd.s32 $0x14840, s5;
	s31 =	sshrl.u32 s2, $0x2  }
0x516: {  	s2 =	sadd.s32 s31, s3  }
0x517: {  	v3 =	vld [tilespmem:s2+$0x30]  }
0x518: {  	v5 =	vld [tilespmem:s2+$0xFFFFFFC0]  }
0x519: {  	v6 =	vld [tilespmem:s2+$0xFFFFFFD0]  }
0x51a: {  	v7 =	vld [tilespmem:s2+$0xFFFFFFE0]  }
0x51b: {  	v8 =	vld [tilespmem:s2+$0xFFFFFFF0]  }
0x51c: {  	s29 =	sadd.s32 $0x8800, s5;
	v9 =	vld [tilespmem:s2+$0x0]  }
0x51d: {  	s4 =	sadd.s32 s31, s29;
	v4 =	vld [tilespmem:s2+$0x10]  }
0x51e: {  	[tilespmem:s4+$0x70] =	vst.add.f32.msk $0xffff, v3  }
0x51f: {  	v3 =	vld [tilespmem:s2+$0x20]  }
0x520: {  	[tilespmem:s4+$0x0] =	vst.add.f32.msk $0xffff, v5  }
0x521: {  	[tilespmem:s4+$0x10] =	vst.add.f32.msk $0xffff, v6  }
0x522: {  	[tilespmem:s4+$0x20] =	vst.add.f32.msk $0xffff, v7  }
0x523: {  	[tilespmem:s4+$0x30] =	vst.add.f32.msk $0xffff, v8  }
0x524: {  	s6 =	smov.u32 s29;
	s2 =	sadd.s32 $0x14880, s5;
	s5 =	simm.s32 $0x0;
	[tilespmem:s4+$0x40] =	vst.add.f32.msk $0xffff, v9  }
.LBB2_69:
0x525: {  	s5 =	sadd.s32 $0x80, s5;
	[tilespmem:s4+$0x50] =	vst.add.f32.msk $0xffff, v4;
	s3 =	sadd.s32 $0x400, s3  }
0x526: {  	s10 =	sadd.s32 s31, s3;
	p0 =	slt.u32 s5, $0x380;
	[tilespmem:s4+$0x60] =	vst.add.f32.msk $0xffff, v3  }
0x527: {  	v3 =	vld [tilespmem:s10+$0x30]  }
0x528: {  	v5 =	vld [tilespmem:s10+$0xFFFFFFC0]  }
0x529: {  	v6 =	vld [tilespmem:s10+$0xFFFFFFD0]  }
0x52a: {  	s6 =	sadd.s32 $0x400, s6;
	v7 =	vld [tilespmem:s10+$0xFFFFFFE0]  }
0x52b: {  	s4 =	sadd.s32 s31, s6;
	v8 =	vld [tilespmem:s10+$0xFFFFFFF0]  }
0x52c: {  	[tilespmem:s4+$0x70] =	vst.add.f32.msk $0xffff, v3  }
0x52d: {  	v9 =	vld [tilespmem:s10+$0x0]  }
0x52e: {  	v4 =	vld [tilespmem:s10+$0x10]  }
0x52f: {  	v3 =	vld [tilespmem:s10+$0x20]  }
.Ltmp33:
0x530: {  	[tilespmem:s4+$0x0] =	vst.add.f32.msk $0xffff, v5;
	(pc) =	sbr.rel @p0 .LBB2_69-.Ltmp33, $4  }
0x531: {  	[tilespmem:s4+$0x10] =	vst.add.f32.msk $0xffff, v6  }
0x532: {  	[tilespmem:s4+$0x20] =	vst.add.f32.msk $0xffff, v7  }
0x533: {  	[tilespmem:s4+$0x30] =	vst.add.f32.msk $0xffff, v8  }
0x534: {  	[tilespmem:s4+$0x40] =	vst.add.f32.msk $0xffff, v9  }
0x535: {  	[tilespmem:s4+$0x50] =	vst.add.f32.msk $0xffff, v4  }
0x536: {  	[tilespmem:s4+$0x60] =	vst.add.f32.msk $0xffff, v3;
	s10 =	sadd.s32 s31, s2  }
0x537: {  	v3 =	vld [tilespmem:s10+$0x70]  }
0x538: {  	v4 =	vld [tilespmem:s10+$0x0]  }
0x539: {  	v5 =	vld [tilespmem:s10+$0x10]  }
0x53a: {  	v6 =	vld [tilespmem:s10+$0x20]  }
0x53b: {  	v7 =	vld [tilespmem:s10+$0x30]  }
0x53c: {  	v8 =	vld [tilespmem:s10+$0x40]  }
0x53d: {  	s3 =	sadd.s32 s31, s29;
	v9 =	vld [tilespmem:s10+$0x50]  }
0x53e: {  	[tilespmem:s3+$0xF0] =	vst.add.f32.msk $0xffff, v3  }
0x53f: {  	v3 =	vld [tilespmem:s10+$0x60]  }
0x540: {  	[tilespmem:s3+$0x80] =	vst.add.f32.msk $0xffff, v4  }
0x541: {  	[tilespmem:s3+$0x90] =	vst.add.f32.msk $0xffff, v5  }
0x542: {  	[tilespmem:s3+$0xA0] =	vst.add.f32.msk $0xffff, v6  }
0x543: {  	[tilespmem:s3+$0xB0] =	vst.add.f32.msk $0xffff, v7  }
0x544: {  	[tilespmem:s3+$0xC0] =	vst.add.f32.msk $0xffff, v8  }
0x545: {  	s4 =	simm.s32 $0x0;
	s2 =	sadd.s32 $0x400, s2;
	[tilespmem:s3+$0xD0] =	vst.add.f32.msk $0xffff, v9  }
.LBB2_71:
0x546: {  	s5 =	sadd.s32 s31, s2;
	s4 =	sadd.s32 $0x80, s4;
	[tilespmem:s3+$0xE0] =	vst.add.f32.msk $0xffff, v3  }
0x547: {  	v3 =	vld [tilespmem:s5+$0x70];
	p0 =	slt.u32 s4, $0x380  }
0x548: {  	v4 =	vld [tilespmem:s5+$0x0]  }
0x549: {  	v5 =	vld [tilespmem:s5+$0x10]  }
0x54a: {  	s29 =	sadd.s32 $0x400, s29;
	v6 =	vld [tilespmem:s5+$0x20]  }
0x54b: {  	s3 =	sadd.s32 s31, s29;
	v7 =	vld [tilespmem:s5+$0x30]  }
0x54c: {  	[tilespmem:s3+$0xF0] =	vst.add.f32.msk $0xffff, v3  }
0x54d: {  	v8 =	vld [tilespmem:s5+$0x40]  }
0x54e: {  	v9 =	vld [tilespmem:s5+$0x50]  }
0x54f: {  	v3 =	vld [tilespmem:s5+$0x60]  }
0x550: {  	[tilespmem:s3+$0x80] =	vst.add.f32.msk $0xffff, v4  }
.Ltmp34:
0x551: {  	[tilespmem:s3+$0x90] =	vst.add.f32.msk $0xffff, v5;
	(pc) =	sbr.rel @p0 .LBB2_71-.Ltmp34, $4  }
0x552: {  	[tilespmem:s3+$0xA0] =	vst.add.f32.msk $0xffff, v6  }
0x553: {  	[tilespmem:s3+$0xB0] =	vst.add.f32.msk $0xffff, v7  }
0x554: {  	[tilespmem:s3+$0xC0] =	vst.add.f32.msk $0xffff, v8  }
0x555: {  	s2 =	sadd.s32 $0x400, s2;
	[tilespmem:s3+$0xD0] =	vst.add.f32.msk $0xffff, v9  }
0x556: {  	p0 =	slt.u32 s25, $0xE  }
.Ltmp35:
0x557: {  	_ = 	snop;
	(pc) =	sbr.rel @p0 .LBB2_68-.Ltmp35, $3  }
0x558: {  	_ =	sdelay $0x1  }
0x559: {  	s2 =	sadd.s32 $0x2, s25  }
0x55a: {  	[tilespmem:s3+$0xE0] =	vst.add.f32.msk $0xffff, v3;
	s28 =	sadd.s32 $0x1, s28;
	s26 =	sadd.s32 $0x800, s26;
	s25 =	smov.u32 s2  }
0x55b: {  	s25 =	simm.s32 $0x0;
	s2 =	rddreg [dreg:$0x1a]  }
0x55c: {  	[hbm4b:s2+s25] =	stream.linear.scatter [tilespmem:s20], [sflag:$0x3], $0x4000, $0x38;
	[tilespmem:$0x18800] =	vst v63  }
0x55d: {  	_ =	swait.ge [sflag:s23], $0x4000  }
0x55e: {  	[sflag:s23] =	ssyncset.done $0x0  }
0x55f: {  	[sflag:s23] =	ssyncadd.s32 $0xFFFFC000  }
0x560: {  	v3 =	vld [tilespmem:$0x700];
	_ =	sdelay $0x4  }
0x561: {  	v4 =	vshll.u32 v3, $0x3  }
0x562: {  	v3 =	vand.u32 $0x7, v3;
	v4 =	vand.u32 $0xFFFFFFC0, v4  }
0x563: {  	v3 =	vor.u32 v3, v4  }
0x564: {  	v4 =	vperm.xlane v3, v0;
	_ =	sdelay $0x1  }
0x565: {  	v4 =	vadd.s32 v1, v4;
	_ =	sdelay $0x3  }
0x566: {  	s31 =	simm.s32 $0x14800  }
0x567: {  	[tilespmem:s31], [sflag:$0x1] =	stream.indirect_vreg.gather [hbm4b:s0+s25], $0x80, v4, vm0, $0xb8;
	[tilespmem:$0x18800] =	vst v63  }
0x568: {  	s3 =	simm.s32 $0x15000;
	v3 =	vperm.xlane v3, v2  }
0x569: {  	[tilespmem:s3], [sflag:$0x1] =	stream.indirect_vreg.gather [hbm4b:s7+s25], $0x80, v4, vm0, $0xb8;
	[tilespmem:$0x18800] =	vst v63  }
0x56a: {  	s4 =	simm.s32 $0x15800;
	v3 =	vadd.s32 v1, v3  }
0x56b: {  	[tilespmem:s4], [sflag:$0x1] =	stream.indirect_vreg.gather [hbm4b:s8+s25], $0x80, v4, vm0, $0xb8;
	[tilespmem:$0x18800] =	vst v63  }
0x56c: {  	s5 =	simm.s32 $0x16000  }
0x56d: {  	[tilespmem:s5], [sflag:$0x1] =	stream.indirect_vreg.gather [hbm4b:s9+s25], $0x80, v4, vm0, $0xb8;
	[tilespmem:$0x18800] =	vst v63  }
0x56e: {  	s6 =	simm.s32 $0x16800  }
0x56f: {  	[tilespmem:s6], [sflag:$0x1] =	stream.indirect_vreg.gather [hbm4b:s0+s25], $0x80, v3, vm0, $0xb8;
	[tilespmem:$0x18800] =	vst v63  }
0x570: {  	s10 =	simm.s32 $0x17000  }
0x571: {  	[tilespmem:s10], [sflag:$0x1] =	stream.indirect_vreg.gather [hbm4b:s7+s25], $0x80, v3, vm0, $0xb8;
	[tilespmem:$0x18800] =	vst v63  }
0x572: {  	s26 =	simm.s32 $0x17800  }
0x573: {  	[tilespmem:s26], [sflag:$0x1] =	stream.indirect_vreg.gather [hbm4b:s8+s25], $0x80, v3, vm0, $0xb8;
	[tilespmem:$0x18800] =	vst v63  }
0x574: {  	s29 =	simm.s32 $0x18000;
	s31 =	sld [smem:$0x7F7]  }
0x575: {  	[tilespmem:s29], [sflag:$0x1] =	stream.indirect_vreg.gather [hbm4b:s9+s25], $0x80, v3, vm0, $0xb8;
	[tilespmem:$0x18800] =	vst v63  }
0x576: {  	_ = 	snop  }
0x577: {  	[tilespmem:s20], [sflag:$0x2] =	stream.linear.gather [hbm4b:s31+s25], $0x4000, $0x38;
	[tilespmem:$0x18800] =	vst v63  }
0x578: {  	_ =	swait.ge [sflag:s21], $0x4000  }
0x579: {  	[sflag:s21] =	ssyncset.done $0x0  }
0x57a: {  	[sflag:s21] =	ssyncadd.s32 $0xFFFFC000  }
0x57b: {  	_ =	swait.ge [sflag:s22], $0x4000  }
0x57c: {  	[sflag:s22] =	ssyncset.done $0x0  }
0x57d: {  	s28 =	simm.s32 $0x0;
	s26 =	simm.s32 $0x0;
	[sflag:s22] =	ssyncadd.s32 $0xFFFFC000  }
.LBB2_74:
0x57e: {  	s2 =	sshll.u32 s28, $0xA  }
0x57f: {  	s5 =	sand.u32 $0x3FFFE000, s26;
	s2 =	sand.u32 $0xC00, s2  }
0x580: {  	s3 =	sadd.s32 $0xC840, s5;
	s31 =	sshrl.u32 s2, $0x2  }
0x581: {  	s2 =	sadd.s32 s31, s3  }
0x582: {  	v3 =	vld [tilespmem:s2+$0x30]  }
0x583: {  	v5 =	vld [tilespmem:s2+$0xFFFFFFC0]  }
0x584: {  	v6 =	vld [tilespmem:s2+$0xFFFFFFD0]  }
0x585: {  	v7 =	vld [tilespmem:s2+$0xFFFFFFE0]  }
0x586: {  	v8 =	vld [tilespmem:s2+$0xFFFFFFF0]  }
0x587: {  	s29 =	sor.u32 $0x800, s5;
	v9 =	vld [tilespmem:s2+$0x0]  }
0x588: {  	s4 =	sadd.s32 s31, s29;
	v4 =	vld [tilespmem:s2+$0x10]  }
0x589: {  	[tilespmem:s4+$0x70] =	vst.add.f32.msk $0xffff, v3  }
0x58a: {  	v3 =	vld [tilespmem:s2+$0x20]  }
0x58b: {  	[tilespmem:s4+$0x0] =	vst.add.f32.msk $0xffff, v5  }
0x58c: {  	[tilespmem:s4+$0x10] =	vst.add.f32.msk $0xffff, v6  }
0x58d: {  	[tilespmem:s4+$0x20] =	vst.add.f32.msk $0xffff, v7  }
0x58e: {  	[tilespmem:s4+$0x30] =	vst.add.f32.msk $0xffff, v8  }
0x58f: {  	s6 =	smov.u32 s29;
	s2 =	sadd.s32 $0xC880, s5;
	s5 =	simm.s32 $0x0;
	[tilespmem:s4+$0x40] =	vst.add.f32.msk $0xffff, v9  }
.LBB2_75:
0x590: {  	s5 =	sadd.s32 $0x80, s5;
	[tilespmem:s4+$0x50] =	vst.add.f32.msk $0xffff, v4;
	s3 =	sadd.s32 $0x400, s3  }
0x591: {  	s10 =	sadd.s32 s31, s3;
	p0 =	slt.u32 s5, $0x380;
	[tilespmem:s4+$0x60] =	vst.add.f32.msk $0xffff, v3  }
0x592: {  	v3 =	vld [tilespmem:s10+$0x30]  }
0x593: {  	v5 =	vld [tilespmem:s10+$0xFFFFFFC0]  }
0x594: {  	v6 =	vld [tilespmem:s10+$0xFFFFFFD0]  }
0x595: {  	s6 =	sadd.s32 $0x400, s6;
	v7 =	vld [tilespmem:s10+$0xFFFFFFE0]  }
0x596: {  	s4 =	sadd.s32 s31, s6;
	v8 =	vld [tilespmem:s10+$0xFFFFFFF0]  }
0x597: {  	[tilespmem:s4+$0x70] =	vst.add.f32.msk $0xffff, v3  }
0x598: {  	v9 =	vld [tilespmem:s10+$0x0]  }
0x599: {  	v4 =	vld [tilespmem:s10+$0x10]  }
0x59a: {  	v3 =	vld [tilespmem:s10+$0x20]  }
.Ltmp36:
0x59b: {  	[tilespmem:s4+$0x0] =	vst.add.f32.msk $0xffff, v5;
	(pc) =	sbr.rel @p0 .LBB2_75-.Ltmp36, $4  }
0x59c: {  	[tilespmem:s4+$0x10] =	vst.add.f32.msk $0xffff, v6  }
0x59d: {  	[tilespmem:s4+$0x20] =	vst.add.f32.msk $0xffff, v7  }
0x59e: {  	[tilespmem:s4+$0x30] =	vst.add.f32.msk $0xffff, v8  }
0x59f: {  	[tilespmem:s4+$0x40] =	vst.add.f32.msk $0xffff, v9  }
0x5a0: {  	[tilespmem:s4+$0x50] =	vst.add.f32.msk $0xffff, v4  }
0x5a1: {  	[tilespmem:s4+$0x60] =	vst.add.f32.msk $0xffff, v3;
	s10 =	sadd.s32 s31, s2  }
0x5a2: {  	v3 =	vld [tilespmem:s10+$0x70]  }
0x5a3: {  	v4 =	vld [tilespmem:s10+$0x0]  }
0x5a4: {  	v5 =	vld [tilespmem:s10+$0x10]  }
0x5a5: {  	v6 =	vld [tilespmem:s10+$0x20]  }
0x5a6: {  	v7 =	vld [tilespmem:s10+$0x30]  }
0x5a7: {  	v8 =	vld [tilespmem:s10+$0x40]  }
0x5a8: {  	s3 =	sadd.s32 s31, s29;
	v9 =	vld [tilespmem:s10+$0x50]  }
0x5a9: {  	[tilespmem:s3+$0xF0] =	vst.add.f32.msk $0xffff, v3  }
0x5aa: {  	v3 =	vld [tilespmem:s10+$0x60]  }
0x5ab: {  	[tilespmem:s3+$0x80] =	vst.add.f32.msk $0xffff, v4  }
0x5ac: {  	[tilespmem:s3+$0x90] =	vst.add.f32.msk $0xffff, v5  }
0x5ad: {  	[tilespmem:s3+$0xA0] =	vst.add.f32.msk $0xffff, v6  }
0x5ae: {  	[tilespmem:s3+$0xB0] =	vst.add.f32.msk $0xffff, v7  }
0x5af: {  	[tilespmem:s3+$0xC0] =	vst.add.f32.msk $0xffff, v8  }
0x5b0: {  	s4 =	simm.s32 $0x0;
	s2 =	sadd.s32 $0x400, s2;
	[tilespmem:s3+$0xD0] =	vst.add.f32.msk $0xffff, v9  }
.LBB2_77:
0x5b1: {  	s5 =	sadd.s32 s31, s2;
	s4 =	sadd.s32 $0x80, s4;
	[tilespmem:s3+$0xE0] =	vst.add.f32.msk $0xffff, v3  }
0x5b2: {  	v3 =	vld [tilespmem:s5+$0x70];
	p0 =	slt.u32 s4, $0x380  }
0x5b3: {  	v4 =	vld [tilespmem:s5+$0x0]  }
0x5b4: {  	v5 =	vld [tilespmem:s5+$0x10]  }
0x5b5: {  	s29 =	sadd.s32 $0x400, s29;
	v6 =	vld [tilespmem:s5+$0x20]  }
0x5b6: {  	s3 =	sadd.s32 s31, s29;
	v7 =	vld [tilespmem:s5+$0x30]  }
0x5b7: {  	[tilespmem:s3+$0xF0] =	vst.add.f32.msk $0xffff, v3  }
0x5b8: {  	v8 =	vld [tilespmem:s5+$0x40]  }
0x5b9: {  	v9 =	vld [tilespmem:s5+$0x50]  }
0x5ba: {  	v3 =	vld [tilespmem:s5+$0x60]  }
0x5bb: {  	[tilespmem:s3+$0x80] =	vst.add.f32.msk $0xffff, v4  }
.Ltmp37:
0x5bc: {  	[tilespmem:s3+$0x90] =	vst.add.f32.msk $0xffff, v5;
	(pc) =	sbr.rel @p0 .LBB2_77-.Ltmp37, $4  }
0x5bd: {  	[tilespmem:s3+$0xA0] =	vst.add.f32.msk $0xffff, v6  }
0x5be: {  	[tilespmem:s3+$0xB0] =	vst.add.f32.msk $0xffff, v7  }
0x5bf: {  	[tilespmem:s3+$0xC0] =	vst.add.f32.msk $0xffff, v8  }
0x5c0: {  	s2 =	sadd.s32 $0x400, s2;
	[tilespmem:s3+$0xD0] =	vst.add.f32.msk $0xffff, v9  }
0x5c1: {  	p0 =	slt.u32 s25, $0xE  }
.Ltmp38:
0x5c2: {  	_ = 	snop;
	(pc) =	sbr.rel @p0 .LBB2_74-.Ltmp38, $3  }
0x5c3: {  	_ =	sdelay $0x1  }
0x5c4: {  	s2 =	sadd.s32 $0x2, s25  }
0x5c5: {  	[tilespmem:s3+$0xE0] =	vst.add.f32.msk $0xffff, v3;
	s28 =	sadd.s32 $0x1, s28;
	s26 =	sadd.s32 $0x800, s26;
	s25 =	smov.u32 s2  }
0x5c6: {  	s25 =	simm.s32 $0x0;
	s2 =	rddreg [dreg:$0x1c]  }
0x5c7: {  	[hbm4b:s2+s25] =	stream.linear.scatter [tilespmem:s19], [sflag:$0x3], $0x4000, $0x38;
	[tilespmem:$0x18800] =	vst v63  }
0x5c8: {  	_ =	swait.ge [sflag:s23], $0x4000  }
0x5c9: {  	[sflag:s23] =	ssyncset.done $0x0  }
0x5ca: {  	[sflag:s23] =	ssyncadd.s32 $0xFFFFC000  }
0x5cb: {  	v3 =	vld [tilespmem:$0x780];
	_ =	sdelay $0x4  }
0x5cc: {  	v4 =	vshll.u32 v3, $0x3  }
0x5cd: {  	v3 =	vand.u32 $0x7, v3;
	v4 =	vand.u32 $0xFFFFFFC0, v4  }
0x5ce: {  	v3 =	vor.u32 v3, v4  }
0x5cf: {  	v4 =	vperm.xlane v3, v0;
	_ =	sdelay $0x1  }
0x5d0: {  	v4 =	vadd.s32 v1, v4;
	_ =	sdelay $0x4  }
0x5d1: {  	[tilespmem:s11], [sflag:$0x1] =	stream.indirect_vreg.gather [hbm4b:s0+s25], $0x80, v4, vm0, $0xb8;
	[tilespmem:$0x18800] =	vst v63  }
0x5d2: {  	v3 =	vperm.xlane v3, v2  }
0x5d3: {  	[tilespmem:s12], [sflag:$0x1] =	stream.indirect_vreg.gather [hbm4b:s7+s25], $0x80, v4, vm0, $0xb8;
	[tilespmem:$0x18800] =	vst v63  }
0x5d4: {  	v3 =	vadd.s32 v1, v3  }
0x5d5: {  	[tilespmem:s13], [sflag:$0x1] =	stream.indirect_vreg.gather [hbm4b:s8+s25], $0x80, v4, vm0, $0xb8;
	[tilespmem:$0x18800] =	vst v63  }
0x5d6: {  	_ = 	snop  }
0x5d7: {  	[tilespmem:s14], [sflag:$0x1] =	stream.indirect_vreg.gather [hbm4b:s9+s25], $0x80, v4, vm0, $0xb8;
	[tilespmem:$0x18800] =	vst v63  }
0x5d8: {  	_ = 	snop  }
0x5d9: {  	[tilespmem:s15], [sflag:$0x1] =	stream.indirect_vreg.gather [hbm4b:s0+s25], $0x80, v3, vm0, $0xb8;
	[tilespmem:$0x18800] =	vst v63  }
0x5da: {  	_ = 	snop  }
0x5db: {  	[tilespmem:s16], [sflag:$0x1] =	stream.indirect_vreg.gather [hbm4b:s7+s25], $0x80, v3, vm0, $0xb8;
	[tilespmem:$0x18800] =	vst v63  }
0x5dc: {  	_ = 	snop  }
0x5dd: {  	[tilespmem:s17], [sflag:$0x1] =	stream.indirect_vreg.gather [hbm4b:s8+s25], $0x80, v3, vm0, $0xb8;
	[tilespmem:$0x18800] =	vst v63  }
0x5de: {  	s31 =	sld [smem:$0x7F8]  }
0x5df: {  	[tilespmem:s18], [sflag:$0x1] =	stream.indirect_vreg.gather [hbm4b:s9+s25], $0x80, v3, vm0, $0xb8;
	[tilespmem:$0x18800] =	vst v63  }
0x5e0: {  	_ = 	snop  }
0x5e1: {  	[tilespmem:s19], [sflag:$0x2] =	stream.linear.gather [hbm4b:s31+s25], $0x4000, $0x38;
	[tilespmem:$0x18800] =	vst v63  }
0x5e2: {  	_ =	swait.ge [sflag:s21], $0x4000  }
0x5e3: {  	[sflag:s21] =	ssyncset.done $0x0  }
0x5e4: {  	[sflag:s21] =	ssyncadd.s32 $0xFFFFC000  }
0x5e5: {  	_ =	swait.ge [sflag:s22], $0x4000  }
0x5e6: {  	[sflag:s22] =	ssyncset.done $0x0  }
0x5e7: {  	s26 =	simm.s32 $0x0;
	s28 =	simm.s32 $0x0;
	[sflag:s22] =	ssyncadd.s32 $0xFFFFC000  }
.LBB2_80:
0x5e8: {  	s2 =	sshll.u32 s28, $0xA  }
0x5e9: {  	s5 =	sand.u32 $0x3FFFE000, s26;
	s2 =	sand.u32 $0xC00, s2  }
0x5ea: {  	s3 =	sadd.s32 $0x10840, s5;
	s31 =	sshrl.u32 s2, $0x2  }
0x5eb: {  	s2 =	sadd.s32 s31, s3  }
0x5ec: {  	v3 =	vld [tilespmem:s2+$0x30]  }
0x5ed: {  	v5 =	vld [tilespmem:s2+$0xFFFFFFC0]  }
0x5ee: {  	v6 =	vld [tilespmem:s2+$0xFFFFFFD0]  }
0x5ef: {  	v7 =	vld [tilespmem:s2+$0xFFFFFFE0]  }
0x5f0: {  	v8 =	vld [tilespmem:s2+$0xFFFFFFF0]  }
0x5f1: {  	s29 =	sadd.s32 $0x4800, s5;
	v9 =	vld [tilespmem:s2+$0x0]  }
0x5f2: {  	s4 =	sadd.s32 s31, s29;
	v4 =	vld [tilespmem:s2+$0x10]  }
0x5f3: {  	[tilespmem:s4+$0x70] =	vst.add.f32.msk $0xffff, v3  }
0x5f4: {  	v3 =	vld [tilespmem:s2+$0x20]  }
0x5f5: {  	[tilespmem:s4+$0x0] =	vst.add.f32.msk $0xffff, v5  }
0x5f6: {  	[tilespmem:s4+$0x10] =	vst.add.f32.msk $0xffff, v6  }
0x5f7: {  	[tilespmem:s4+$0x20] =	vst.add.f32.msk $0xffff, v7  }
0x5f8: {  	[tilespmem:s4+$0x30] =	vst.add.f32.msk $0xffff, v8  }
0x5f9: {  	s6 =	smov.u32 s29;
	s2 =	sadd.s32 $0x10880, s5;
	s5 =	simm.s32 $0x0;
	[tilespmem:s4+$0x40] =	vst.add.f32.msk $0xffff, v9  }
.LBB2_81:
0x5fa: {  	s5 =	sadd.s32 $0x80, s5;
	[tilespmem:s4+$0x50] =	vst.add.f32.msk $0xffff, v4;
	s3 =	sadd.s32 $0x400, s3  }
0x5fb: {  	s10 =	sadd.s32 s31, s3;
	p0 =	slt.u32 s5, $0x380;
	[tilespmem:s4+$0x60] =	vst.add.f32.msk $0xffff, v3  }
0x5fc: {  	v3 =	vld [tilespmem:s10+$0x30]  }
0x5fd: {  	v5 =	vld [tilespmem:s10+$0xFFFFFFC0]  }
0x5fe: {  	v6 =	vld [tilespmem:s10+$0xFFFFFFD0]  }
0x5ff: {  	s6 =	sadd.s32 $0x400, s6;
	v7 =	vld [tilespmem:s10+$0xFFFFFFE0]  }
0x600: {  	s4 =	sadd.s32 s31, s6;
	v8 =	vld [tilespmem:s10+$0xFFFFFFF0]  }
0x601: {  	[tilespmem:s4+$0x70] =	vst.add.f32.msk $0xffff, v3  }
0x602: {  	v9 =	vld [tilespmem:s10+$0x0]  }
0x603: {  	v4 =	vld [tilespmem:s10+$0x10]  }
0x604: {  	v3 =	vld [tilespmem:s10+$0x20]  }
.Ltmp39:
0x605: {  	[tilespmem:s4+$0x0] =	vst.add.f32.msk $0xffff, v5;
	(pc) =	sbr.rel @p0 .LBB2_81-.Ltmp39, $4  }
0x606: {  	[tilespmem:s4+$0x10] =	vst.add.f32.msk $0xffff, v6  }
0x607: {  	[tilespmem:s4+$0x20] =	vst.add.f32.msk $0xffff, v7  }
0x608: {  	[tilespmem:s4+$0x30] =	vst.add.f32.msk $0xffff, v8  }
0x609: {  	[tilespmem:s4+$0x40] =	vst.add.f32.msk $0xffff, v9  }
0x60a: {  	[tilespmem:s4+$0x50] =	vst.add.f32.msk $0xffff, v4  }
0x60b: {  	[tilespmem:s4+$0x60] =	vst.add.f32.msk $0xffff, v3;
	s10 =	sadd.s32 s31, s2  }
0x60c: {  	v3 =	vld [tilespmem:s10+$0x70]  }
0x60d: {  	v4 =	vld [tilespmem:s10+$0x0]  }
0x60e: {  	v5 =	vld [tilespmem:s10+$0x10]  }
0x60f: {  	v6 =	vld [tilespmem:s10+$0x20]  }
0x610: {  	v7 =	vld [tilespmem:s10+$0x30]  }
0x611: {  	v8 =	vld [tilespmem:s10+$0x40]  }
0x612: {  	s3 =	sadd.s32 s31, s29;
	v9 =	vld [tilespmem:s10+$0x50]  }
0x613: {  	[tilespmem:s3+$0xF0] =	vst.add.f32.msk $0xffff, v3  }
0x614: {  	v3 =	vld [tilespmem:s10+$0x60]  }
0x615: {  	[tilespmem:s3+$0x80] =	vst.add.f32.msk $0xffff, v4  }
0x616: {  	[tilespmem:s3+$0x90] =	vst.add.f32.msk $0xffff, v5  }
0x617: {  	[tilespmem:s3+$0xA0] =	vst.add.f32.msk $0xffff, v6  }
0x618: {  	[tilespmem:s3+$0xB0] =	vst.add.f32.msk $0xffff, v7  }
0x619: {  	[tilespmem:s3+$0xC0] =	vst.add.f32.msk $0xffff, v8  }
0x61a: {  	s4 =	simm.s32 $0x0;
	s2 =	sadd.s32 $0x400, s2;
	[tilespmem:s3+$0xD0] =	vst.add.f32.msk $0xffff, v9  }
.LBB2_83:
0x61b: {  	s5 =	sadd.s32 s31, s2;
	s4 =	sadd.s32 $0x80, s4;
	[tilespmem:s3+$0xE0] =	vst.add.f32.msk $0xffff, v3  }
0x61c: {  	v3 =	vld [tilespmem:s5+$0x70];
	p0 =	slt.u32 s4, $0x380  }
0x61d: {  	v4 =	vld [tilespmem:s5+$0x0]  }
0x61e: {  	v5 =	vld [tilespmem:s5+$0x10]  }
0x61f: {  	s29 =	sadd.s32 $0x400, s29;
	v6 =	vld [tilespmem:s5+$0x20]  }
0x620: {  	s3 =	sadd.s32 s31, s29;
	v7 =	vld [tilespmem:s5+$0x30]  }
0x621: {  	[tilespmem:s3+$0xF0] =	vst.add.f32.msk $0xffff, v3  }
0x622: {  	v8 =	vld [tilespmem:s5+$0x40]  }
0x623: {  	v9 =	vld [tilespmem:s5+$0x50]  }
0x624: {  	v3 =	vld [tilespmem:s5+$0x60]  }
0x625: {  	[tilespmem:s3+$0x80] =	vst.add.f32.msk $0xffff, v4  }
.Ltmp40:
0x626: {  	[tilespmem:s3+$0x90] =	vst.add.f32.msk $0xffff, v5;
	(pc) =	sbr.rel @p0 .LBB2_83-.Ltmp40, $4  }
0x627: {  	[tilespmem:s3+$0xA0] =	vst.add.f32.msk $0xffff, v6  }
0x628: {  	[tilespmem:s3+$0xB0] =	vst.add.f32.msk $0xffff, v7  }
0x629: {  	[tilespmem:s3+$0xC0] =	vst.add.f32.msk $0xffff, v8  }
0x62a: {  	s2 =	sadd.s32 $0x400, s2;
	[tilespmem:s3+$0xD0] =	vst.add.f32.msk $0xffff, v9  }
0x62b: {  	p0 =	slt.u32 s25, $0xE  }
.Ltmp41:
0x62c: {  	_ = 	snop;
	(pc) =	sbr.rel @p0 .LBB2_80-.Ltmp41, $3  }
0x62d: {  	_ =	sdelay $0x1  }
0x62e: {  	s2 =	sadd.s32 $0x2, s25  }
0x62f: {  	[tilespmem:s3+$0xE0] =	vst.add.f32.msk $0xffff, v3;
	s28 =	sadd.s32 $0x1, s28;
	s26 =	sadd.s32 $0x800, s26;
	s25 =	smov.u32 s2  }
0x630: {  	s2 =	sld [smem:$0x7F9];
	_ =	sdelay $0x1  }
0x631: {  	s25 =	simm.s32 $0x0  }
0x632: {  	[hbm4b:s2+s25] =	stream.linear.scatter [tilespmem:s30], [sflag:$0x3], $0x4000, $0x38;
	[tilespmem:$0x18800] =	vst v63  }
0x633: {  	_ =	swait.ge [sflag:s21], $0x4000  }
0x634: {  	[sflag:s21] =	ssyncset.done $0x0  }
0x635: {  	[sflag:s21] =	ssyncadd.s32 $0xFFFFC000  }
0x636: {  	_ =	swait.ge [sflag:s22], $0x4000  }
0x637: {  	[sflag:s22] =	ssyncset.done $0x0  }
0x638: {  	s26 =	simm.s32 $0x0;
	s28 =	simm.s32 $0x0;
	[sflag:s22] =	ssyncadd.s32 $0xFFFFC000  }
.LBB2_86:
0x639: {  	s2 =	sshll.u32 s28, $0xA  }
0x63a: {  	s5 =	sand.u32 $0x3FFFE000, s26;
	s2 =	sand.u32 $0xC00, s2  }
0x63b: {  	s3 =	sadd.s32 $0x14840, s5;
	s31 =	sshrl.u32 s2, $0x2  }
0x63c: {  	s2 =	sadd.s32 s31, s3  }
0x63d: {  	v3 =	vld [tilespmem:s2+$0x30]  }
0x63e: {  	v5 =	vld [tilespmem:s2+$0xFFFFFFC0]  }
0x63f: {  	v6 =	vld [tilespmem:s2+$0xFFFFFFD0]  }
0x640: {  	v7 =	vld [tilespmem:s2+$0xFFFFFFE0]  }
0x641: {  	v8 =	vld [tilespmem:s2+$0xFFFFFFF0]  }
0x642: {  	s29 =	sadd.s32 $0x8800, s5;
	v9 =	vld [tilespmem:s2+$0x0]  }
0x643: {  	s4 =	sadd.s32 s31, s29;
	v4 =	vld [tilespmem:s2+$0x10]  }
0x644: {  	[tilespmem:s4+$0x70] =	vst.add.f32.msk $0xffff, v3  }
0x645: {  	v3 =	vld [tilespmem:s2+$0x20]  }
0x646: {  	[tilespmem:s4+$0x0] =	vst.add.f32.msk $0xffff, v5  }
0x647: {  	[tilespmem:s4+$0x10] =	vst.add.f32.msk $0xffff, v6  }
0x648: {  	[tilespmem:s4+$0x20] =	vst.add.f32.msk $0xffff, v7  }
0x649: {  	[tilespmem:s4+$0x30] =	vst.add.f32.msk $0xffff, v8  }
0x64a: {  	s6 =	smov.u32 s29;
	s2 =	sadd.s32 $0x14880, s5;
	s5 =	simm.s32 $0x0;
	[tilespmem:s4+$0x40] =	vst.add.f32.msk $0xffff, v9  }
.LBB2_87:
0x64b: {  	s5 =	sadd.s32 $0x80, s5;
	[tilespmem:s4+$0x50] =	vst.add.f32.msk $0xffff, v4;
	s3 =	sadd.s32 $0x400, s3  }
0x64c: {  	s10 =	sadd.s32 s31, s3;
	p0 =	slt.u32 s5, $0x380;
	[tilespmem:s4+$0x60] =	vst.add.f32.msk $0xffff, v3  }
0x64d: {  	v3 =	vld [tilespmem:s10+$0x30]  }
0x64e: {  	v5 =	vld [tilespmem:s10+$0xFFFFFFC0]  }
0x64f: {  	v6 =	vld [tilespmem:s10+$0xFFFFFFD0]  }
0x650: {  	s6 =	sadd.s32 $0x400, s6;
	v7 =	vld [tilespmem:s10+$0xFFFFFFE0]  }
0x651: {  	s4 =	sadd.s32 s31, s6;
	v8 =	vld [tilespmem:s10+$0xFFFFFFF0]  }
0x652: {  	[tilespmem:s4+$0x70] =	vst.add.f32.msk $0xffff, v3  }
0x653: {  	v9 =	vld [tilespmem:s10+$0x0]  }
0x654: {  	v4 =	vld [tilespmem:s10+$0x10]  }
0x655: {  	v3 =	vld [tilespmem:s10+$0x20]  }
.Ltmp42:
0x656: {  	[tilespmem:s4+$0x0] =	vst.add.f32.msk $0xffff, v5;
	(pc) =	sbr.rel @p0 .LBB2_87-.Ltmp42, $4  }
0x657: {  	[tilespmem:s4+$0x10] =	vst.add.f32.msk $0xffff, v6  }
0x658: {  	[tilespmem:s4+$0x20] =	vst.add.f32.msk $0xffff, v7  }
0x659: {  	[tilespmem:s4+$0x30] =	vst.add.f32.msk $0xffff, v8  }
0x65a: {  	[tilespmem:s4+$0x40] =	vst.add.f32.msk $0xffff, v9  }
0x65b: {  	[tilespmem:s4+$0x50] =	vst.add.f32.msk $0xffff, v4  }
0x65c: {  	[tilespmem:s4+$0x60] =	vst.add.f32.msk $0xffff, v3;
	s10 =	sadd.s32 s31, s2  }
0x65d: {  	v3 =	vld [tilespmem:s10+$0x70]  }
0x65e: {  	v4 =	vld [tilespmem:s10+$0x0]  }
0x65f: {  	v5 =	vld [tilespmem:s10+$0x10]  }
0x660: {  	v6 =	vld [tilespmem:s10+$0x20]  }
0x661: {  	v7 =	vld [tilespmem:s10+$0x30]  }
0x662: {  	v8 =	vld [tilespmem:s10+$0x40]  }
0x663: {  	s3 =	sadd.s32 s31, s29;
	v9 =	vld [tilespmem:s10+$0x50]  }
0x664: {  	[tilespmem:s3+$0xF0] =	vst.add.f32.msk $0xffff, v3  }
0x665: {  	v3 =	vld [tilespmem:s10+$0x60]  }
0x666: {  	[tilespmem:s3+$0x80] =	vst.add.f32.msk $0xffff, v4  }
0x667: {  	[tilespmem:s3+$0x90] =	vst.add.f32.msk $0xffff, v5  }
0x668: {  	[tilespmem:s3+$0xA0] =	vst.add.f32.msk $0xffff, v6  }
0x669: {  	[tilespmem:s3+$0xB0] =	vst.add.f32.msk $0xffff, v7  }
0x66a: {  	[tilespmem:s3+$0xC0] =	vst.add.f32.msk $0xffff, v8  }
0x66b: {  	s4 =	simm.s32 $0x0;
	s2 =	sadd.s32 $0x400, s2;
	[tilespmem:s3+$0xD0] =	vst.add.f32.msk $0xffff, v9  }
.LBB2_89:
0x66c: {  	s5 =	sadd.s32 s31, s2;
	s4 =	sadd.s32 $0x80, s4;
	[tilespmem:s3+$0xE0] =	vst.add.f32.msk $0xffff, v3  }
0x66d: {  	v3 =	vld [tilespmem:s5+$0x70];
	p0 =	slt.u32 s4, $0x380  }
0x66e: {  	v4 =	vld [tilespmem:s5+$0x0]  }
0x66f: {  	v5 =	vld [tilespmem:s5+$0x10]  }
0x670: {  	s29 =	sadd.s32 $0x400, s29;
	v6 =	vld [tilespmem:s5+$0x20]  }
0x671: {  	s3 =	sadd.s32 s31, s29;
	v7 =	vld [tilespmem:s5+$0x30]  }
0x672: {  	[tilespmem:s3+$0xF0] =	vst.add.f32.msk $0xffff, v3  }
0x673: {  	v8 =	vld [tilespmem:s5+$0x40]  }
0x674: {  	v9 =	vld [tilespmem:s5+$0x50]  }
0x675: {  	v3 =	vld [tilespmem:s5+$0x60]  }
0x676: {  	[tilespmem:s3+$0x80] =	vst.add.f32.msk $0xffff, v4  }
.Ltmp43:
0x677: {  	[tilespmem:s3+$0x90] =	vst.add.f32.msk $0xffff, v5;
	(pc) =	sbr.rel @p0 .LBB2_89-.Ltmp43, $4  }
0x678: {  	[tilespmem:s3+$0xA0] =	vst.add.f32.msk $0xffff, v6  }
0x679: {  	[tilespmem:s3+$0xB0] =	vst.add.f32.msk $0xffff, v7  }
0x67a: {  	[tilespmem:s3+$0xC0] =	vst.add.f32.msk $0xffff, v8  }
0x67b: {  	s2 =	sadd.s32 $0x400, s2;
	[tilespmem:s3+$0xD0] =	vst.add.f32.msk $0xffff, v9  }
0x67c: {  	p0 =	slt.u32 s25, $0xE  }
.Ltmp44:
0x67d: {  	_ = 	snop;
	(pc) =	sbr.rel @p0 .LBB2_86-.Ltmp44, $3  }
0x67e: {  	_ =	sdelay $0x1  }
0x67f: {  	s2 =	sadd.s32 $0x2, s25  }
0x680: {  	[tilespmem:s3+$0xE0] =	vst.add.f32.msk $0xffff, v3;
	s28 =	sadd.s32 $0x1, s28;
	s26 =	sadd.s32 $0x800, s26;
	s25 =	smov.u32 s2  }
0x681: {  	s2 =	sld [smem:$0x7FA];
	_ =	sdelay $0x1  }
0x682: {  	s25 =	simm.s32 $0x0  }
0x683: {  	[hbm4b:s2+s25] =	stream.linear.scatter [tilespmem:s20], [sflag:$0x3], $0x4000, $0x38;
	[tilespmem:$0x18800] =	vst v63  }
0x684: {  	_ =	swait.ge [sflag:s21], $0x4000  }
0x685: {  	[sflag:s21] =	ssyncset.done $0x0  }
0x686: {  	[sflag:s21] =	ssyncadd.s32 $0xFFFFC000  }
0x687: {  	_ =	swait.ge [sflag:s22], $0x4000  }
0x688: {  	[sflag:s22] =	ssyncset.done $0x0  }
0x689: {  	s26 =	simm.s32 $0x0;
	s28 =	simm.s32 $0x0;
	[sflag:s22] =	ssyncadd.s32 $0xFFFFC000  }
.LBB2_92:
0x68a: {  	s2 =	sshll.u32 s28, $0xA  }
0x68b: {  	s5 =	sand.u32 $0x3FFFE000, s26;
	s2 =	sand.u32 $0xC00, s2  }
0x68c: {  	s3 =	sadd.s32 $0xC840, s5;
	s31 =	sshrl.u32 s2, $0x2  }
0x68d: {  	s2 =	sadd.s32 s31, s3  }
0x68e: {  	v3 =	vld [tilespmem:s2+$0x30]  }
0x68f: {  	v5 =	vld [tilespmem:s2+$0xFFFFFFC0]  }
0x690: {  	v6 =	vld [tilespmem:s2+$0xFFFFFFD0]  }
0x691: {  	v7 =	vld [tilespmem:s2+$0xFFFFFFE0]  }
0x692: {  	v8 =	vld [tilespmem:s2+$0xFFFFFFF0]  }
0x693: {  	s29 =	sor.u32 $0x800, s5;
	v9 =	vld [tilespmem:s2+$0x0]  }
0x694: {  	s4 =	sadd.s32 s31, s29;
	v4 =	vld [tilespmem:s2+$0x10]  }
0x695: {  	[tilespmem:s4+$0x70] =	vst.add.f32.msk $0xffff, v3  }
0x696: {  	v3 =	vld [tilespmem:s2+$0x20]  }
0x697: {  	[tilespmem:s4+$0x0] =	vst.add.f32.msk $0xffff, v5  }
0x698: {  	[tilespmem:s4+$0x10] =	vst.add.f32.msk $0xffff, v6  }
0x699: {  	[tilespmem:s4+$0x20] =	vst.add.f32.msk $0xffff, v7  }
0x69a: {  	[tilespmem:s4+$0x30] =	vst.add.f32.msk $0xffff, v8  }
0x69b: {  	s6 =	smov.u32 s29;
	s2 =	sadd.s32 $0xC880, s5;
	s5 =	simm.s32 $0x0;
	[tilespmem:s4+$0x40] =	vst.add.f32.msk $0xffff, v9  }
.LBB2_93:
0x69c: {  	s5 =	sadd.s32 $0x80, s5;
	[tilespmem:s4+$0x50] =	vst.add.f32.msk $0xffff, v4;
	s3 =	sadd.s32 $0x400, s3  }
0x69d: {  	s10 =	sadd.s32 s31, s3;
	p0 =	slt.u32 s5, $0x380;
	[tilespmem:s4+$0x60] =	vst.add.f32.msk $0xffff, v3  }
0x69e: {  	v3 =	vld [tilespmem:s10+$0x30]  }
0x69f: {  	v5 =	vld [tilespmem:s10+$0xFFFFFFC0]  }
0x6a0: {  	v6 =	vld [tilespmem:s10+$0xFFFFFFD0]  }
0x6a1: {  	s6 =	sadd.s32 $0x400, s6;
	v7 =	vld [tilespmem:s10+$0xFFFFFFE0]  }
0x6a2: {  	s4 =	sadd.s32 s31, s6;
	v8 =	vld [tilespmem:s10+$0xFFFFFFF0]  }
0x6a3: {  	[tilespmem:s4+$0x70] =	vst.add.f32.msk $0xffff, v3  }
0x6a4: {  	v9 =	vld [tilespmem:s10+$0x0]  }
0x6a5: {  	v4 =	vld [tilespmem:s10+$0x10]  }
0x6a6: {  	v3 =	vld [tilespmem:s10+$0x20]  }
.Ltmp45:
0x6a7: {  	[tilespmem:s4+$0x0] =	vst.add.f32.msk $0xffff, v5;
	(pc) =	sbr.rel @p0 .LBB2_93-.Ltmp45, $4  }
0x6a8: {  	[tilespmem:s4+$0x10] =	vst.add.f32.msk $0xffff, v6  }
0x6a9: {  	[tilespmem:s4+$0x20] =	vst.add.f32.msk $0xffff, v7  }
0x6aa: {  	[tilespmem:s4+$0x30] =	vst.add.f32.msk $0xffff, v8  }
0x6ab: {  	[tilespmem:s4+$0x40] =	vst.add.f32.msk $0xffff, v9  }
0x6ac: {  	[tilespmem:s4+$0x50] =	vst.add.f32.msk $0xffff, v4  }
0x6ad: {  	[tilespmem:s4+$0x60] =	vst.add.f32.msk $0xffff, v3;
	s10 =	sadd.s32 s31, s2  }
0x6ae: {  	v3 =	vld [tilespmem:s10+$0x70]  }
0x6af: {  	v4 =	vld [tilespmem:s10+$0x0]  }
0x6b0: {  	v5 =	vld [tilespmem:s10+$0x10]  }
0x6b1: {  	v6 =	vld [tilespmem:s10+$0x20]  }
0x6b2: {  	v7 =	vld [tilespmem:s10+$0x30]  }
0x6b3: {  	v8 =	vld [tilespmem:s10+$0x40]  }
0x6b4: {  	s3 =	sadd.s32 s31, s29;
	v9 =	vld [tilespmem:s10+$0x50]  }
0x6b5: {  	[tilespmem:s3+$0xF0] =	vst.add.f32.msk $0xffff, v3  }
0x6b6: {  	v3 =	vld [tilespmem:s10+$0x60]  }
0x6b7: {  	[tilespmem:s3+$0x80] =	vst.add.f32.msk $0xffff, v4  }
0x6b8: {  	[tilespmem:s3+$0x90] =	vst.add.f32.msk $0xffff, v5  }
0x6b9: {  	[tilespmem:s3+$0xA0] =	vst.add.f32.msk $0xffff, v6  }
0x6ba: {  	[tilespmem:s3+$0xB0] =	vst.add.f32.msk $0xffff, v7  }
0x6bb: {  	[tilespmem:s3+$0xC0] =	vst.add.f32.msk $0xffff, v8  }
0x6bc: {  	s4 =	simm.s32 $0x0;
	s2 =	sadd.s32 $0x400, s2;
	[tilespmem:s3+$0xD0] =	vst.add.f32.msk $0xffff, v9  }
.LBB2_95:
0x6bd: {  	s5 =	sadd.s32 s31, s2;
	s4 =	sadd.s32 $0x80, s4;
	[tilespmem:s3+$0xE0] =	vst.add.f32.msk $0xffff, v3  }
0x6be: {  	v3 =	vld [tilespmem:s5+$0x70];
	p0 =	slt.u32 s4, $0x380  }
0x6bf: {  	v4 =	vld [tilespmem:s5+$0x0]  }
0x6c0: {  	v5 =	vld [tilespmem:s5+$0x10]  }
0x6c1: {  	s29 =	sadd.s32 $0x400, s29;
	v6 =	vld [tilespmem:s5+$0x20]  }
0x6c2: {  	s3 =	sadd.s32 s31, s29;
	v7 =	vld [tilespmem:s5+$0x30]  }
0x6c3: {  	[tilespmem:s3+$0xF0] =	vst.add.f32.msk $0xffff, v3  }
0x6c4: {  	v8 =	vld [tilespmem:s5+$0x40]  }
0x6c5: {  	v9 =	vld [tilespmem:s5+$0x50]  }
0x6c6: {  	v3 =	vld [tilespmem:s5+$0x60]  }
0x6c7: {  	[tilespmem:s3+$0x80] =	vst.add.f32.msk $0xffff, v4  }
.Ltmp46:
0x6c8: {  	[tilespmem:s3+$0x90] =	vst.add.f32.msk $0xffff, v5;
	(pc) =	sbr.rel @p0 .LBB2_95-.Ltmp46, $4  }
0x6c9: {  	[tilespmem:s3+$0xA0] =	vst.add.f32.msk $0xffff, v6  }
0x6ca: {  	[tilespmem:s3+$0xB0] =	vst.add.f32.msk $0xffff, v7  }
0x6cb: {  	[tilespmem:s3+$0xC0] =	vst.add.f32.msk $0xffff, v8  }
0x6cc: {  	s2 =	sadd.s32 $0x400, s2;
	[tilespmem:s3+$0xD0] =	vst.add.f32.msk $0xffff, v9  }
0x6cd: {  	p0 =	slt.u32 s25, $0xE  }
.Ltmp47:
0x6ce: {  	_ = 	snop;
	(pc) =	sbr.rel @p0 .LBB2_92-.Ltmp47, $3  }
0x6cf: {  	_ =	sdelay $0x1  }
0x6d0: {  	s2 =	sadd.s32 $0x2, s25  }
0x6d1: {  	[tilespmem:s3+$0xE0] =	vst.add.f32.msk $0xffff, v3;
	s28 =	sadd.s32 $0x1, s28;
	s26 =	sadd.s32 $0x800, s26;
	s25 =	smov.u32 s2  }
0x6d2: {  	s2 =	sld [smem:$0x7FB];
	_ =	sdelay $0x2  }
0x6d3: {  	[hbm4b:s2+s1] =	stream.linear.scatter [tilespmem:s19], [sflag:$0x3], $0x4000, $0x38;
	[tilespmem:$0x18800] =	vst v63  }
0x6d4: {  	_ =	swait.ge [sflag:s23], $0x4000  }
0x6d5: {  	[sflag:s23] =	ssyncset.done $0x0  }
0x6d6: {  	[sflag:s23] =	ssyncadd.s32 $0xFFFFC000  }
0x6d7: {  	_ =	swait.ge [sflag:s23], $0x4000  }
0x6d8: {  	[sflag:s23] =	ssyncset.done $0x0  }
0x6d9: {  	[sflag:s23] =	ssyncadd.s32 $0xFFFFC000  }
0x6da: {  	_ =	swait.ge [sflag:s23], $0x4000  }
0x6db: {  	s31 =	sld [smem:$0x7FD];
	_ =	sdelay $0x1  }
0x6dc: {  	s24 =	sadd.s32 $0x1, s24  }
0x6dd: {  	p0 =	sne.s32 s24, s31  }
.Ltmp48:
0x6de: {  	_ = 	snop;
	(pc) =	sbr.rel @p0 .LBB2_1-.Ltmp48, $3  }
0x6df: {  	_ =	sdelay $0x1  }
0x6e0: {  	[sflag:s23] =	ssyncset.done $0x0  }
0x6e1: {  	[sflag:s23] =	ssyncadd.s32 $0xFFFFC000  }
0x6e2: {  	_ =	sfence.sel $0x180000  }
0x6e3: {  	[bflag:$0x0] =	sbarrier.arrive $0xFFFF  }
0x6e4: {  	_ =	strace $0x90000047  }
0x6e5: {  	s0 =	stileid.u32;
	[bflag:$0x2] =	sbarrier.arrive $0xFFFF  }
0x6e6: {  	p0 =	sne.s32 s0, $0x0;
	s0 =	rddreg [dreg:$0x4]  }
0x6e7: {  	s0 =	sadd.s32 @!p0 $0x100000, s0  }
0x6e8: {  	[sflag:s0] =	ssyncadd.tile.s32 @!p0 $0x1;
	_ =	shalt  }
.Lfunc_end2:
_tile_overlayer_lowered:
.L_overlay_start_2:
0x6e9: {  	(tag) =	ssettag $0x2  }
0x6ea: {  	s0 =	rddreg [dreg:$0x0];
	s2 =	stileid.u32  }
0x6eb: {  	s1 =	rddreg [dreg:$0x1];
	p0 =	sne.s32 s2, $0x0  }
0x6ec: {  	s3 =	rddreg [dreg:$0x2];
	[bflag:$0x3] =	sbarrier.arrive $0xFFFF;
	s2 =	simm.s32 @!p0 $0x1C04  }
0x6ed: {  	[timem:s3], [sflag:s2] =	dma.local @!p0 [hbm:s0], s1  }
0x6ee: {  	s0 =	simm.s32 @!p0 $0x4  }
0x6ef: {  	_ =	swait.ge @!p0 [sflag:s0], s1  }
0x6f0: {  	s1 =	ssub.s32 @!p0 $0x0, s1;
	[sflag:s0] =	ssyncset.done @!p0 $0x0  }
0x6f1: {  	[sflag:s0] =	ssyncadd.s32 @!p0 s1  }
0x6f2: {  	[bflag:$0x3] =	sbarrier.arrive $0xFFFF  }
0x6f3: {  	_ =	shalt  }

</sc_bundles>
